<compile_context>
chip_gen: v7x
topology: tpu7x:2x2x1
jax: 0.10.2.dev20260603
libtpu: 0.0.44.dev20260713+nightly
codegen_flags: <defaults>
</compile_context>

<pallas_src>
import functools

import jax
import jax.numpy as jnp
from jax import lax
from jax.experimental import pallas as pl
from jax.experimental.pallas import tpu as pltpu
from jax.experimental.pallas import tpu_sc as plsc

VOCAB = 1000000
EMBED = 64
ROWS = 4096
COLS = 200

_info = plsc.get_sparse_core_info()
NC = _info.num_cores
NS = _info.num_subcores
NW = NC * NS
ROWS_W = ROWS // NW
CHA = 128
CHB = COLS - CHA
NBUF = 8
T = ROWS_W * 2
NGRP = T // NBUF

_mesh = plsc.VectorSubcoreMesh(core_axis_name="c", subcore_axis_name="s")


@functools.partial(
    pl.kernel,
    mesh=_mesh,
    out_type=jax.ShapeDtypeStruct((ROWS, COLS, EMBED), jnp.float32),
    scratch_types=[
        pltpu.VMEM((ROWS_W, COLS), jnp.int32),
        pltpu.VMEM((NBUF // 2, CHA, EMBED), jnp.float32),
        pltpu.VMEM((NBUF // 2, CHB, EMBED), jnp.float32),
        pltpu.SemaphoreType.DMA((NBUF,)),
        pltpu.SemaphoreType.DMA((NBUF,)),
    ],
    compiler_params=pltpu.CompilerParams(use_tc_tiling_on_sc=False),
)
def _emb_lookup(x_hbm, w_hbm, out_hbm, idx_v, rows_a, rows_b, gsems, osems):
    wid = lax.axis_index("s") * NC + lax.axis_index("c")
    r0 = wid * ROWS_W
    pltpu.sync_copy(x_hbm.at[pl.ds(r0, ROWS_W)], idx_v)

    def buf(b):
        if b % 2 == 0:
            return rows_a.at[b // 2], 0, CHA
        return rows_b.at[b // 2], CHA, CHB

    def fire_gather(b, t):
        row = t // 2
        dst, col, ch = buf(b)
        pltpu.async_copy(
            w_hbm.at[idx_v.at[row, pl.ds(col, ch)]], dst, gsems.at[b]
        )

    def wait_gather(b):
        dst, col, ch = buf(b)
        pltpu.make_async_copy(
            w_hbm.at[idx_v.at[0, pl.ds(col, ch)]], dst, gsems.at[b]
        ).wait()

    def fire_out(b, t):
        row = t // 2
        src, col, ch = buf(b)
        pltpu.async_copy(
            src, out_hbm.at[r0 + row, pl.ds(col, ch)], osems.at[b]
        )

    def wait_out(b):
        src, col, ch = buf(b)
        pltpu.make_async_copy(
            src, out_hbm.at[r0, pl.ds(col, ch)], osems.at[b]
        ).wait()

    for b in range(NBUF):
        fire_gather(b, b)

    def group(g, carry):
        for b in range(NBUF):
            wait_gather(b)
            fire_out(b, g * NBUF + b)
        for b in range(NBUF):
            wait_out(b)
            fire_gather(b, (g + 1) * NBUF + b)
        return carry

    lax.fori_loop(0, NGRP - 1, group, 0)

    gl = NGRP - 1
    for b in range(NBUF):
        wait_gather(b)
        fire_out(b, gl * NBUF + b)
    for b in range(NBUF):
        wait_out(b)


def kernel(x, w):
    return _emb_lookup(x, w)

# --- scband reference (transcript-rebuilt; emitter-appended) ---
"""Pipeline reference for scband-token-embedding-867583394512 (READ-ONLY COPY).

The authoritative reference and input builder live on the scoring server;
editing this copy changes nothing except your own understanding.
"""

import jax, jax.numpy as jnp
import numpy as np

VOCAB = 1000000
EMBED = 64

def setup_inputs(seed: int = 0) -> dict:
    key = jax.random.key(seed)
    k1, k2 = jax.random.split(key)
    x = jax.random.randint(k1, (4096, 200), 0, VOCAB, dtype=jnp.int64 if jax.config.jax_enable_x64 else jnp.int32)
    w = jax.random.normal(k2, (VOCAB, EMBED), dtype=jnp.float32)
    return {"x": x, "w": w}

def reference(x, w):
    # Faithful translation of TokenEmbedding.forward: self.w[x]
    return jnp.take(w, x, axis=0)

if __name__ == "__main__":
    import jax
    _d = setup_inputs()
    print(jax.jit(kernel)(*tuple(_d.values())))

</pallas_src>

<mosaic_0001>
#map = affine_map<(d0, d1) -> (0, 0)>
#map1 = affine_map<(d0, d1) -> (0, 0, 0)>
module attributes {stable_mosaic.version = 14 : i64} {
  func.func @_emb_lookup(%arg0: i32, %arg1: i32, %arg2: memref<4096x200xi32, #tpu.memory_space<hbm>>, %arg3: memref<1000000x64xf32, #tpu.memory_space<hbm>>, %arg4: memref<4096x200x64xf32, #tpu.memory_space<hbm>>, %arg5: memref<128x200xi32, #tpu.memory_space<vmem>>, %arg6: memref<4x128x64xf32, #tpu.memory_space<vmem>>, %arg7: memref<4x72x64xf32, #tpu.memory_space<vmem>>, %arg8: memref<8x!tpu.dma_semaphore, #tpu.memory_space<semaphore_mem>>, %arg9: memref<8x!tpu.dma_semaphore, #tpu.memory_space<semaphore_mem>>) attributes {dimension_semantics = [#tpu.dimension_semantics<core_parallel>, #tpu.dimension_semantics<subcore_parallel>], iteration_bounds = array<i64: 2, 16>, scalar_prefetch = 0 : i64, scratch_operands = 5 : i64, tpu.core_type = #tpu.core_type<sc_vector_subcore>, window_params = [{transform_indices = #map}, {transform_indices = #map}, {transform_indices = #map1}]} {
    %mul3A = arith.constant 2 : i32
    %mul3A_0 = arith.muli %arg1, %mul3A : i32
    %add3A = arith.addi %mul3A_0, %arg0 : i32
    %mul3A_1 = arith.constant 128 : i32
    %mul3A_2 = arith.muli %add3A, %mul3A_1 : i32
    "tpu.region"() ({
      %run_scoped3A = tpu.sem_alloc : memref<!tpu.dma_semaphore, #tpu.memory_space<semaphore_mem>>
      %dma_start3A_582 = arith.constant 0 : i32
      %dma_start3A_583 = tpu.memref_slice %arg2[%mul3A_2, %dma_start3A_582] : memref<4096x200xi32, #tpu.memory_space<hbm>> -> memref<128x200xi32, #tpu.memory_space<hbm>>
      %dma_start3A_584 = arith.constant 0 : i32
      %dma_start3A_585 = tpu.memref_slice %arg2[%mul3A_2, %dma_start3A_584] : memref<4096x200xi32, #tpu.memory_space<hbm>> -> memref<128x200xi32, #tpu.memory_space<hbm>>
      tpu.enqueue_dma source(%dma_start3A_585 : memref<128x200xi32, #tpu.memory_space<hbm>>) target(%arg5 : memref<128x200xi32, #tpu.memory_space<vmem>>) target_semaphore(%run_scoped3A : memref<!tpu.dma_semaphore, #tpu.memory_space<semaphore_mem>>)
      %dma_wait3A_586 = arith.constant 0 : i32
      %dma_wait3A_587 = tpu.memref_slice %arg2[%mul3A_2, %dma_wait3A_586] : memref<4096x200xi32, #tpu.memory_space<hbm>> -> memref<128x200xi32, #tpu.memory_space<hbm>>
      %dma_wait3A_588 = arith.constant 0 : i32
      %dma_wait3A_589 = tpu.memref_slice %arg2[%mul3A_2, %dma_wait3A_588] : memref<4096x200xi32, #tpu.memory_space<hbm>> -> memref<128x200xi32, #tpu.memory_space<hbm>>
      tpu.wait_dma2 semaphore(%run_scoped3A : memref<!tpu.dma_semaphore, #tpu.memory_space<semaphore_mem>>) src(%dma_wait3A_589 : memref<128x200xi32, #tpu.memory_space<hbm>>) dst(%arg5 : memref<128x200xi32, #tpu.memory_space<vmem>>)
      tpu.yield
    }) : () -> ()
    %dma_start3A = arith.constant 0 : i32
    %dma_start3A_3 = arith.constant 0 : i32
    %dma_start3A_4 = arith.constant 0 : i32
    %dma_start3A_5 = arith.constant 0 : i32
    %dma_start3A_6 = arith.constant 0 : i32
    %dma_start3A_7 = tpu.memref_slice %arg6[%dma_start3A_3, %dma_start3A_5, %dma_start3A_6] : memref<4x128x64xf32, #tpu.memory_space<vmem>> -> memref<1x128x64xf32, #tpu.memory_space<vmem>>
    %dma_start3A_8 = tpu.memref_squeeze %dma_start3A_7 : memref<1x128x64xf32, #tpu.memory_space<vmem>> -> memref<128x64xf32, #tpu.memory_space<vmem>>
    %dma_start3A_9 = arith.constant 0 : i32
    %dma_start3A_10 = tpu.memref_slice %arg5[%dma_start3A, %dma_start3A_9] : memref<128x200xi32, #tpu.memory_space<vmem>> -> memref<1x128xi32, #tpu.memory_space<vmem>>
    %dma_start3A_11 = tpu.memref_squeeze %dma_start3A_10 : memref<1x128xi32, #tpu.memory_space<vmem>> -> memref<128xi32, #tpu.memory_space<vmem>>
    %dma_start3A_12 = arith.constant 0 : i32
    %dma_start3A_13 = arith.constant 0 : i32
    %dma_start3A_14 = tpu.memref_slice %arg3[%dma_start3A_12, %dma_start3A_13] : memref<1000000x64xf32, #tpu.memory_space<hbm>> -> memref<1000000x64xf32, #tpu.memory_space<hbm>>
    %dma_start3A_15 = tpu.memref_slice %arg8[%dma_start3A_4] : memref<8x!tpu.dma_semaphore, #tpu.memory_space<semaphore_mem>> -> memref<1x!tpu.dma_semaphore, #tpu.memory_space<semaphore_mem>>
    %dma_start3A_16 = tpu.memref_squeeze %dma_start3A_15 : memref<1x!tpu.dma_semaphore, #tpu.memory_space<semaphore_mem>> -> memref<!tpu.dma_semaphore, #tpu.memory_space<semaphore_mem>>
    tpu.enqueue_indirect_dma source(%dma_start3A_14 : memref<1000000x64xf32, #tpu.memory_space<hbm>>) target(%dma_start3A_8 : memref<128x64xf32, #tpu.memory_space<vmem>>) offsets(%dma_start3A_11 : memref<128xi32, #tpu.memory_space<vmem>>) semaphore(%dma_start3A_16 : memref<!tpu.dma_semaphore, #tpu.memory_space<semaphore_mem>>)
    %dma_start3A_17 = arith.constant 0 : i32
    %dma_start3A_18 = arith.constant 0 : i32
    %dma_start3A_19 = arith.constant 1 : i32
    %dma_start3A_20 = arith.constant 0 : i32
    %dma_start3A_21 = arith.constant 0 : i32
    %dma_start3A_22 = tpu.memref_slice %arg7[%dma_start3A_18, %dma_start3A_20, %dma_start3A_21] : memref<4x72x64xf32, #tpu.memory_space<vmem>> -> memref<1x72x64xf32, #tpu.memory_space<vmem>>
    %dma_start3A_23 = tpu.memref_squeeze %dma_start3A_22 : memref<1x72x64xf32, #tpu.memory_space<vmem>> -> memref<72x64xf32, #tpu.memory_space<vmem>>
    %dma_start3A_24 = arith.constant 128 : i32
    %dma_start3A_25 = tpu.memref_slice %arg5[%dma_start3A_17, %dma_start3A_24] : memref<128x200xi32, #tpu.memory_space<vmem>> -> memref<1x72xi32, #tpu.memory_space<vmem>>
    %dma_start3A_26 = tpu.memref_squeeze %dma_start3A_25 : memref<1x72xi32, #tpu.memory_space<vmem>> -> memref<72xi32, #tpu.memory_space<vmem>>
    %dma_start3A_27 = arith.constant 0 : i32
    %dma_start3A_28 = arith.constant 0 : i32
    %dma_start3A_29 = tpu.memref_slice %arg3[%dma_start3A_27, %dma_start3A_28] : memref<1000000x64xf32, #tpu.memory_space<hbm>> -> memref<1000000x64xf32, #tpu.memory_space<hbm>>
    %dma_start3A_30 = tpu.memref_slice %arg8[%dma_start3A_19] : memref<8x!tpu.dma_semaphore, #tpu.memory_space<semaphore_mem>> -> memref<1x!tpu.dma_semaphore, #tpu.memory_space<semaphore_mem>>
    %dma_start3A_31 = tpu.memref_squeeze %dma_start3A_30 : memref<1x!tpu.dma_semaphore, #tpu.memory_space<semaphore_mem>> -> memref<!tpu.dma_semaphore, #tpu.memory_space<semaphore_mem>>
    tpu.enqueue_indirect_dma source(%dma_start3A_29 : memref<1000000x64xf32, #tpu.memory_space<hbm>>) target(%dma_start3A_23 : memref<72x64xf32, #tpu.memory_space<vmem>>) offsets(%dma_start3A_26 : memref<72xi32, #tpu.memory_space<vmem>>) semaphore(%dma_start3A_31 : memref<!tpu.dma_semaphore, #tpu.memory_space<semaphore_mem>>)
    %dma_start3A_32 = arith.constant 1 : i32
    %dma_start3A_33 = arith.constant 1 : i32
    %dma_start3A_34 = arith.constant 2 : i32
    %dma_start3A_35 = arith.constant 0 : i32
    %dma_start3A_36 = arith.constant 0 : i32
    %dma_start3A_37 = tpu.memref_slice %arg6[%dma_start3A_33, %dma_start3A_35, %dma_start3A_36] : memref<4x128x64xf32, #tpu.memory_space<vmem>> -> memref<1x128x64xf32, #tpu.memory_space<vmem>>
    %dma_start3A_38 = tpu.memref_squeeze %dma_start3A_37 : memref<1x128x64xf32, #tpu.memory_space<vmem>> -> memref<128x64xf32, #tpu.memory_space<vmem>>
    %dma_start3A_39 = arith.constant 0 : i32
    %dma_start3A_40 = tpu.memref_slice %arg5[%dma_start3A_32, %dma_start3A_39] : memref<128x200xi32, #tpu.memory_space<vmem>> -> memref<1x128xi32, #tpu.memory_space<vmem>>
    %dma_start3A_41 = tpu.memref_squeeze %dma_start3A_40 : memref<1x128xi32, #tpu.memory_space<vmem>> -> memref<128xi32, #tpu.memory_space<vmem>>
    %dma_start3A_42 = arith.constant 0 : i32
    %dma_start3A_43 = arith.constant 0 : i32
    %dma_start3A_44 = tpu.memref_slice %arg3[%dma_start3A_42, %dma_start3A_43] : memref<1000000x64xf32, #tpu.memory_space<hbm>> -> memref<1000000x64xf32, #tpu.memory_space<hbm>>
    %dma_start3A_45 = tpu.memref_slice %arg8[%dma_start3A_34] : memref<8x!tpu.dma_semaphore, #tpu.memory_space<semaphore_mem>> -> memref<1x!tpu.dma_semaphore, #tpu.memory_space<semaphore_mem>>
    %dma_start3A_46 = tpu.memref_squeeze %dma_start3A_45 : memref<1x!tpu.dma_semaphore, #tpu.memory_space<semaphore_mem>> -> memref<!tpu.dma_semaphore, #tpu.memory_space<semaphore_mem>>
    tpu.enqueue_indirect_dma source(%dma_start3A_44 : memref<1000000x64xf32, #tpu.memory_space<hbm>>) target(%dma_start3A_38 : memref<128x64xf32, #tpu.memory_space<vmem>>) offsets(%dma_start3A_41 : memref<128xi32, #tpu.memory_space<vmem>>) semaphore(%dma_start3A_46 : memref<!tpu.dma_semaphore, #tpu.memory_space<semaphore_mem>>)
    %dma_start3A_47 = arith.constant 1 : i32
    %dma_start3A_48 = arith.constant 1 : i32
    %dma_start3A_49 = arith.constant 3 : i32
    %dma_start3A_50 = arith.constant 0 : i32
    %dma_start3A_51 = arith.constant 0 : i32
    %dma_start3A_52 = tpu.memref_slice %arg7[%dma_start3A_48, %dma_start3A_50, %dma_start3A_51] : memref<4x72x64xf32, #tpu.memory_space<vmem>> -> memref<1x72x64xf32, #tpu.memory_space<vmem>>
    %dma_start3A_53 = tpu.memref_squeeze %dma_start3A_52 : memref<1x72x64xf32, #tpu.memory_space<vmem>> -> memref<72x64xf32, #tpu.memory_space<vmem>>
    %dma_start3A_54 = arith.constant 128 : i32
    %dma_start3A_55 = tpu.memref_slice %arg5[%dma_start3A_47, %dma_start3A_54] : memref<128x200xi32, #tpu.memory_space<vmem>> -> memref<1x72xi32, #tpu.memory_space<vmem>>
    %dma_start3A_56 = tpu.memref_squeeze %dma_start3A_55 : memref<1x72xi32, #tpu.memory_space<vmem>> -> memref<72xi32, #tpu.memory_space<vmem>>
    %dma_start3A_57 = arith.constant 0 : i32
    %dma_start3A_58 = arith.constant 0 : i32
    %dma_start3A_59 = tpu.memref_slice %arg3[%dma_start3A_57, %dma_start3A_58] : memref<1000000x64xf32, #tpu.memory_space<hbm>> -> memref<1000000x64xf32, #tpu.memory_space<hbm>>
    %dma_start3A_60 = tpu.memref_slice %arg8[%dma_start3A_49] : memref<8x!tpu.dma_semaphore, #tpu.memory_space<semaphore_mem>> -> memref<1x!tpu.dma_semaphore, #tpu.memory_space<semaphore_mem>>
    %dma_start3A_61 = tpu.memref_squeeze %dma_start3A_60 : memref<1x!tpu.dma_semaphore, #tpu.memory_space<semaphore_mem>> -> memref<!tpu.dma_semaphore, #tpu.memory_space<semaphore_mem>>
    tpu.enqueue_indirect_dma source(%dma_start3A_59 : memref<1000000x64xf32, #tpu.memory_space<hbm>>) target(%dma_start3A_53 : memref<72x64xf32, #tpu.memory_space<vmem>>) offsets(%dma_start3A_56 : memref<72xi32, #tpu.memory_space<vmem>>) semaphore(%dma_start3A_61 : memref<!tpu.dma_semaphore, #tpu.memory_space<semaphore_mem>>)
    %dma_start3A_62 = arith.constant 2 : i32
    %dma_start3A_63 = arith.constant 2 : i32
    %dma_start3A_64 = arith.constant 4 : i32
    %dma_start3A_65 = arith.constant 0 : i32
    %dma_start3A_66 = arith.constant 0 : i32
    %dma_start3A_67 = tpu.memref_slice %arg6[%dma_start3A_63, %dma_start3A_65, %dma_start3A_66] : memref<4x128x64xf32, #tpu.memory_space<vmem>> -> memref<1x128x64xf32, #tpu.memory_space<vmem>>
    %dma_start3A_68 = tpu.memref_squeeze %dma_start3A_67 : memref<1x128x64xf32, #tpu.memory_space<vmem>> -> memref<128x64xf32, #tpu.memory_space<vmem>>
    %dma_start3A_69 = arith.constant 0 : i32
    %dma_start3A_70 = tpu.memref_slice %arg5[%dma_start3A_62, %dma_start3A_69] : memref<128x200xi32, #tpu.memory_space<vmem>> -> memref<1x128xi32, #tpu.memory_space<vmem>>
    %dma_start3A_71 = tpu.memref_squeeze %dma_start3A_70 : memref<1x128xi32, #tpu.memory_space<vmem>> -> memref<128xi32, #tpu.memory_space<vmem>>
    %dma_start3A_72 = arith.constant 0 : i32
    %dma_start3A_73 = arith.constant 0 : i32
    %dma_start3A_74 = tpu.memref_slice %arg3[%dma_start3A_72, %dma_start3A_73] : memref<1000000x64xf32, #tpu.memory_space<hbm>> -> memref<1000000x64xf32, #tpu.memory_space<hbm>>
    %dma_start3A_75 = tpu.memref_slice %arg8[%dma_start3A_64] : memref<8x!tpu.dma_semaphore, #tpu.memory_space<semaphore_mem>> -> memref<1x!tpu.dma_semaphore, #tpu.memory_space<semaphore_mem>>
    %dma_start3A_76 = tpu.memref_squeeze %dma_start3A_75 : memref<1x!tpu.dma_semaphore, #tpu.memory_space<semaphore_mem>> -> memref<!tpu.dma_semaphore, #tpu.memory_space<semaphore_mem>>
    tpu.enqueue_indirect_dma source(%dma_start3A_74 : memref<1000000x64xf32, #tpu.memory_space<hbm>>) target(%dma_start3A_68 : memref<128x64xf32, #tpu.memory_space<vmem>>) offsets(%dma_start3A_71 : memref<128xi32, #tpu.memory_space<vmem>>) semaphore(%dma_start3A_76 : memref<!tpu.dma_semaphore, #tpu.memory_space<semaphore_mem>>)
    %dma_start3A_77 = arith.constant 2 : i32
    %dma_start3A_78 = arith.constant 2 : i32
    %dma_start3A_79 = arith.constant 5 : i32
    %dma_start3A_80 = arith.constant 0 : i32
    %dma_start3A_81 = arith.constant 0 : i32
    %dma_start3A_82 = tpu.memref_slice %arg7[%dma_start3A_78, %dma_start3A_80, %dma_start3A_81] : memref<4x72x64xf32, #tpu.memory_space<vmem>> -> memref<1x72x64xf32, #tpu.memory_space<vmem>>
    %dma_start3A_83 = tpu.memref_squeeze %dma_start3A_82 : memref<1x72x64xf32, #tpu.memory_space<vmem>> -> memref<72x64xf32, #tpu.memory_space<vmem>>
    %dma_start3A_84 = arith.constant 128 : i32
    %dma_start3A_85 = tpu.memref_slice %arg5[%dma_start3A_77, %dma_start3A_84] : memref<128x200xi32, #tpu.memory_space<vmem>> -> memref<1x72xi32, #tpu.memory_space<vmem>>
    %dma_start3A_86 = tpu.memref_squeeze %dma_start3A_85 : memref<1x72xi32, #tpu.memory_space<vmem>> -> memref<72xi32, #tpu.memory_space<vmem>>
    %dma_start3A_87 = arith.constant 0 : i32
    %dma_start3A_88 = arith.constant 0 : i32
    %dma_start3A_89 = tpu.memref_slice %arg3[%dma_start3A_87, %dma_start3A_88] : memref<1000000x64xf32, #tpu.memory_space<hbm>> -> memref<1000000x64xf32, #tpu.memory_space<hbm>>
    %dma_start3A_90 = tpu.memref_slice %arg8[%dma_start3A_79] : memref<8x!tpu.dma_semaphore, #tpu.memory_space<semaphore_mem>> -> memref<1x!tpu.dma_semaphore, #tpu.memory_space<semaphore_mem>>
    %dma_start3A_91 = tpu.memref_squeeze %dma_start3A_90 : memref<1x!tpu.dma_semaphore, #tpu.memory_space<semaphore_mem>> -> memref<!tpu.dma_semaphore, #tpu.memory_space<semaphore_mem>>
    tpu.enqueue_indirect_dma source(%dma_start3A_89 : memref<1000000x64xf32, #tpu.memory_space<hbm>>) target(%dma_start3A_83 : memref<72x64xf32, #tpu.memory_space<vmem>>) offsets(%dma_start3A_86 : memref<72xi32, #tpu.memory_space<vmem>>) semaphore(%dma_start3A_91 : memref<!tpu.dma_semaphore, #tpu.memory_space<semaphore_mem>>)
    %dma_start3A_92 = arith.constant 3 : i32
    %dma_start3A_93 = arith.constant 3 : i32
    %dma_start3A_94 = arith.constant 6 : i32
    %dma_start3A_95 = arith.constant 0 : i32
    %dma_start3A_96 = arith.constant 0 : i32
    %dma_start3A_97 = tpu.memref_slice %arg6[%dma_start3A_93, %dma_start3A_95, %dma_start3A_96] : memref<4x128x64xf32, #tpu.memory_space<vmem>> -> memref<1x128x64xf32, #tpu.memory_space<vmem>>
    %dma_start3A_98 = tpu.memref_squeeze %dma_start3A_97 : memref<1x128x64xf32, #tpu.memory_space<vmem>> -> memref<128x64xf32, #tpu.memory_space<vmem>>
    %dma_start3A_99 = arith.constant 0 : i32
    %dma_start3A_100 = tpu.memref_slice %arg5[%dma_start3A_92, %dma_start3A_99] : memref<128x200xi32, #tpu.memory_space<vmem>> -> memref<1x128xi32, #tpu.memory_space<vmem>>
    %dma_start3A_101 = tpu.memref_squeeze %dma_start3A_100 : memref<1x128xi32, #tpu.memory_space<vmem>> -> memref<128xi32, #tpu.memory_space<vmem>>
    %dma_start3A_102 = arith.constant 0 : i32
    %dma_start3A_103 = arith.constant 0 : i32
    %dma_start3A_104 = tpu.memref_slice %arg3[%dma_start3A_102, %dma_start3A_103] : memref<1000000x64xf32, #tpu.memory_space<hbm>> -> memref<1000000x64xf32, #tpu.memory_space<hbm>>
    %dma_start3A_105 = tpu.memref_slice %arg8[%dma_start3A_94] : memref<8x!tpu.dma_semaphore, #tpu.memory_space<semaphore_mem>> -> memref<1x!tpu.dma_semaphore, #tpu.memory_space<semaphore_mem>>
    %dma_start3A_106 = tpu.memref_squeeze %dma_start3A_105 : memref<1x!tpu.dma_semaphore, #tpu.memory_space<semaphore_mem>> -> memref<!tpu.dma_semaphore, #tpu.memory_space<semaphore_mem>>
    tpu.enqueue_indirect_dma source(%dma_start3A_104 : memref<1000000x64xf32, #tpu.memory_space<hbm>>) target(%dma_start3A_98 : memref<128x64xf32, #tpu.memory_space<vmem>>) offsets(%dma_start3A_101 : memref<128xi32, #tpu.memory_space<vmem>>) semaphore(%dma_start3A_106 : memref<!tpu.dma_semaphore, #tpu.memory_space<semaphore_mem>>)
    %dma_start3A_107 = arith.constant 3 : i32
    %dma_start3A_108 = arith.constant 3 : i32
    %dma_start3A_109 = arith.constant 7 : i32
    %dma_start3A_110 = arith.constant 0 : i32
    %dma_start3A_111 = arith.constant 0 : i32
    %dma_start3A_112 = tpu.memref_slice %arg7[%dma_start3A_108, %dma_start3A_110, %dma_start3A_111] : memref<4x72x64xf32, #tpu.memory_space<vmem>> -> memref<1x72x64xf32, #tpu.memory_space<vmem>>
    %dma_start3A_113 = tpu.memref_squeeze %dma_start3A_112 : memref<1x72x64xf32, #tpu.memory_space<vmem>> -> memref<72x64xf32, #tpu.memory_space<vmem>>
    %dma_start3A_114 = arith.constant 128 : i32
    %dma_start3A_115 = tpu.memref_slice %arg5[%dma_start3A_107, %dma_start3A_114] : memref<128x200xi32, #tpu.memory_space<vmem>> -> memref<1x72xi32, #tpu.memory_space<vmem>>
    %dma_start3A_116 = tpu.memref_squeeze %dma_start3A_115 : memref<1x72xi32, #tpu.memory_space<vmem>> -> memref<72xi32, #tpu.memory_space<vmem>>
    %dma_start3A_117 = arith.constant 0 : i32
    %dma_start3A_118 = arith.constant 0 : i32
    %dma_start3A_119 = tpu.memref_slice %arg3[%dma_start3A_117, %dma_start3A_118] : memref<1000000x64xf32, #tpu.memory_space<hbm>> -> memref<1000000x64xf32, #tpu.memory_space<hbm>>
    %dma_start3A_120 = tpu.memref_slice %arg8[%dma_start3A_109] : memref<8x!tpu.dma_semaphore, #tpu.memory_space<semaphore_mem>> -> memref<1x!tpu.dma_semaphore, #tpu.memory_space<semaphore_mem>>
    %dma_start3A_121 = tpu.memref_squeeze %dma_start3A_120 : memref<1x!tpu.dma_semaphore, #tpu.memory_space<semaphore_mem>> -> memref<!tpu.dma_semaphore, #tpu.memory_space<semaphore_mem>>
    tpu.enqueue_indirect_dma source(%dma_start3A_119 : memref<1000000x64xf32, #tpu.memory_space<hbm>>) target(%dma_start3A_113 : memref<72x64xf32, #tpu.memory_space<vmem>>) offsets(%dma_start3A_116 : memref<72xi32, #tpu.memory_space<vmem>>) semaphore(%dma_start3A_121 : memref<!tpu.dma_semaphore, #tpu.memory_space<semaphore_mem>>)
    %scan3A = arith.constant 0 : i32
    %scan3A_122 = arith.constant 0 : i32
    %scan3A_123 = arith.constant 31 : i32
    %scan3A_124 = arith.addi %scan3A_122, %scan3A_123 : i32
    %scan3A_125 = arith.constant 1 : i32
    scf.for %scan3A_582 = %scan3A_122 to %scan3A_124 step %scan3A_125  : i32 {
      %dma_wait3A_583 = arith.constant 0 : i32
      %dma_wait3A_584 = arith.constant 0 : i32
      %dma_wait3A_585 = arith.constant 0 : i32
      %dma_wait3A_586 = arith.constant 0 : i32
      %dma_wait3A_587 = arith.constant 0 : i32
      %dma_wait3A_588 = tpu.memref_slice %arg6[%dma_wait3A_584, %dma_wait3A_586, %dma_wait3A_587] : memref<4x128x64xf32, #tpu.memory_space<vmem>> -> memref<1x128x64xf32, #tpu.memory_space<vmem>>
      %dma_wait3A_589 = tpu.memref_squeeze %dma_wait3A_588 : memref<1x128x64xf32, #tpu.memory_space<vmem>> -> memref<128x64xf32, #tpu.memory_space<vmem>>
      %dma_wait3A_590 = arith.constant 0 : i32
      %dma_wait3A_591 = tpu.memref_slice %arg5[%dma_wait3A_583, %dma_wait3A_590] : memref<128x200xi32, #tpu.memory_space<vmem>> -> memref<1x128xi32, #tpu.memory_space<vmem>>
      %dma_wait3A_592 = tpu.memref_squeeze %dma_wait3A_591 : memref<1x128xi32, #tpu.memory_space<vmem>> -> memref<128xi32, #tpu.memory_space<vmem>>
      %dma_wait3A_593 = arith.constant 0 : i32
      %dma_wait3A_594 = arith.constant 0 : i32
      %dma_wait3A_595 = tpu.memref_slice %arg3[%dma_wait3A_593, %dma_wait3A_594] : memref<1000000x64xf32, #tpu.memory_space<hbm>> -> memref<1000000x64xf32, #tpu.memory_space<hbm>>
      %dma_wait3A_596 = tpu.memref_slice %arg8[%dma_wait3A_585] : memref<8x!tpu.dma_semaphore, #tpu.memory_space<semaphore_mem>> -> memref<1x!tpu.dma_semaphore, #tpu.memory_space<semaphore_mem>>
      %dma_wait3A_597 = tpu.memref_squeeze %dma_wait3A_596 : memref<1x!tpu.dma_semaphore, #tpu.memory_space<semaphore_mem>> -> memref<!tpu.dma_semaphore, #tpu.memory_space<semaphore_mem>>
      tpu.wait_indirect_dma semaphore(%dma_wait3A_597 : memref<!tpu.dma_semaphore, #tpu.memory_space<semaphore_mem>>) src(%dma_wait3A_595 : memref<1000000x64xf32, #tpu.memory_space<hbm>>) dst(%dma_wait3A_589 : memref<128x64xf32, #tpu.memory_space<vmem>>)
      %mul3A_598 = arith.constant 8 : i32
      %mul3A_599 = arith.muli %scan3A_582, %mul3A_598 : i32
      %add3A_600 = arith.constant 0 : i32
      %add3A_601 = arith.addi %mul3A_599, %add3A_600 : i32
      %jit3A = arith.constant 2 : i32
      %div3A = arith.divsi %add3A_601, %jit3A : i32
      %sign3A = arith.constant 0 : i32
      %sign3A_602 = arith.cmpi sgt, %add3A_601, %sign3A : i32
      %sign3A_603 = arith.extui %sign3A_602 : i1 to i32
      %sign3A_604 = arith.constant 0 : i32
      %sign3A_605 = arith.cmpi slt, %add3A_601, %sign3A_604 : i32
      %sign3A_606 = arith.extui %sign3A_605 : i1 to i32
      %sign3A_607 = arith.subi %sign3A_603, %sign3A_606 : i32
      %sign3A_608 = arith.constant 0 : i32
      %sign3A_609 = arith.cmpi sgt, %jit3A, %sign3A_608 : i32
      %sign3A_610 = arith.extui %sign3A_609 : i1 to i32
      %sign3A_611 = arith.constant 0 : i32
      %sign3A_612 = arith.cmpi slt, %jit3A, %sign3A_611 : i32
      %sign3A_613 = arith.extui %sign3A_612 : i1 to i32
      %sign3A_614 = arith.subi %sign3A_610, %sign3A_613 : i32
      %ne3A = arith.cmpi ne, %sign3A_607, %sign3A_614 : i32
      %rem3A = arith.remsi %add3A_601, %jit3A : i32
      %ne3A_615 = arith.constant 0 : i32
      %ne3A_616 = arith.cmpi ne, %rem3A, %ne3A_615 : i32
      %and3A = arith.andi %ne3A, %ne3A_616 : i1
      %sub3A = arith.constant 1 : i32
      %sub3A_617 = arith.subi %div3A, %sub3A : i32
      %select_n3A = arith.select %and3A, %sub3A_617, %div3A : i32
      %add3A_618 = arith.addi %mul3A_2, %select_n3A : i32
      %dma_start3A_619 = arith.constant 0 : i32
      %dma_start3A_620 = arith.constant 0 : i32
      %dma_start3A_621 = arith.constant 0 : i32
      %dma_start3A_622 = arith.constant 0 : i32
      %dma_start3A_623 = tpu.memref_slice %arg6[%dma_start3A_619, %dma_start3A_621, %dma_start3A_622] : memref<4x128x64xf32, #tpu.memory_space<vmem>> -> memref<1x128x64xf32, #tpu.memory_space<vmem>>
      %dma_start3A_624 = tpu.memref_squeeze %dma_start3A_623 : memref<1x128x64xf32, #tpu.memory_space<vmem>> -> memref<128x64xf32, #tpu.memory_space<vmem>>
      %dma_start3A_625 = arith.constant 0 : i32
      %dma_start3A_626 = arith.constant 0 : i32
      %dma_start3A_627 = tpu.memref_slice %arg4[%add3A_618, %dma_start3A_625, %dma_start3A_626] : memref<4096x200x64xf32, #tpu.memory_space<hbm>> -> memref<1x128x64xf32, #tpu.memory_space<hbm>>
      %dma_start3A_628 = tpu.memref_squeeze %dma_start3A_627 : memref<1x128x64xf32, #tpu.memory_space<hbm>> -> memref<128x64xf32, #tpu.memory_space<hbm>>
      %dma_start3A_629 = tpu.memref_slice %arg9[%dma_start3A_620] : memref<8x!tpu.dma_semaphore, #tpu.memory_space<semaphore_mem>> -> memref<1x!tpu.dma_semaphore, #tpu.memory_space<semaphore_mem>>
      %dma_start3A_630 = tpu.memref_squeeze %dma_start3A_629 : memref<1x!tpu.dma_semaphore, #tpu.memory_space<semaphore_mem>> -> memref<!tpu.dma_semaphore, #tpu.memory_space<semaphore_mem>>
      %dma_start3A_631 = arith.constant 0 : i32
      %dma_start3A_632 = arith.constant 0 : i32
      %dma_start3A_633 = tpu.memref_slice %arg4[%add3A_618, %dma_start3A_631, %dma_start3A_632] : memref<4096x200x64xf32, #tpu.memory_space<hbm>> -> memref<1x128x64xf32, #tpu.memory_space<hbm>>
      %dma_start3A_634 = tpu.memref_squeeze %dma_start3A_633 : memref<1x128x64xf32, #tpu.memory_space<hbm>> -> memref<128x64xf32, #tpu.memory_space<hbm>>
      %dma_start3A_635 = arith.constant 0 : i32
      %dma_start3A_636 = arith.constant 0 : i32
      %dma_start3A_637 = tpu.memref_slice %arg6[%dma_start3A_619, %dma_start3A_635, %dma_start3A_636] : memref<4x128x64xf32, #tpu.memory_space<vmem>> -> memref<1x128x64xf32, #tpu.memory_space<vmem>>
      %dma_start3A_638 = tpu.memref_squeeze %dma_start3A_637 : memref<1x128x64xf32, #tpu.memory_space<vmem>> -> memref<128x64xf32, #tpu.memory_space<vmem>>
      tpu.enqueue_dma source(%dma_start3A_638 : memref<128x64xf32, #tpu.memory_space<vmem>>) target(%dma_start3A_634 : memref<128x64xf32, #tpu.memory_space<hbm>>) target_semaphore(%dma_start3A_630 : memref<!tpu.dma_semaphore, #tpu.memory_space<semaphore_mem>>)
      %dma_wait3A_639 = arith.constant 0 : i32
      %dma_wait3A_640 = arith.constant 0 : i32
      %dma_wait3A_641 = arith.constant 1 : i32
      %dma_wait3A_642 = arith.constant 0 : i32
      %dma_wait3A_643 = arith.constant 0 : i32
      %dma_wait3A_644 = tpu.memref_slice %arg7[%dma_wait3A_640, %dma_wait3A_642, %dma_wait3A_643] : memref<4x72x64xf32, #tpu.memory_space<vmem>> -> memref<1x72x64xf32, #tpu.memory_space<vmem>>
      %dma_wait3A_645 = tpu.memref_squeeze %dma_wait3A_644 : memref<1x72x64xf32, #tpu.memory_space<vmem>> -> memref<72x64xf32, #tpu.memory_space<vmem>>
      %dma_wait3A_646 = arith.constant 128 : i32
      %dma_wait3A_647 = tpu.memref_slice %arg5[%dma_wait3A_639, %dma_wait3A_646] : memref<128x200xi32, #tpu.memory_space<vmem>> -> memref<1x72xi32, #tpu.memory_space<vmem>>
      %dma_wait3A_648 = tpu.memref_squeeze %dma_wait3A_647 : memref<1x72xi32, #tpu.memory_space<vmem>> -> memref<72xi32, #tpu.memory_space<vmem>>
      %dma_wait3A_649 = arith.constant 0 : i32
      %dma_wait3A_650 = arith.constant 0 : i32
      %dma_wait3A_651 = tpu.memref_slice %arg3[%dma_wait3A_649, %dma_wait3A_650] : memref<1000000x64xf32, #tpu.memory_space<hbm>> -> memref<1000000x64xf32, #tpu.memory_space<hbm>>
      %dma_wait3A_652 = tpu.memref_slice %arg8[%dma_wait3A_641] : memref<8x!tpu.dma_semaphore, #tpu.memory_space<semaphore_mem>> -> memref<1x!tpu.dma_semaphore, #tpu.memory_space<semaphore_mem>>
      %dma_wait3A_653 = tpu.memref_squeeze %dma_wait3A_652 : memref<1x!tpu.dma_semaphore, #tpu.memory_space<semaphore_mem>> -> memref<!tpu.dma_semaphore, #tpu.memory_space<semaphore_mem>>
      tpu.wait_indirect_dma semaphore(%dma_wait3A_653 : memref<!tpu.dma_semaphore, #tpu.memory_space<semaphore_mem>>) src(%dma_wait3A_651 : memref<1000000x64xf32, #tpu.memory_space<hbm>>) dst(%dma_wait3A_645 : memref<72x64xf32, #tpu.memory_space<vmem>>)
      %mul3A_654 = arith.constant 8 : i32
      %mul3A_655 = arith.muli %scan3A_582, %mul3A_654 : i32
      %add3A_656 = arith.constant 1 : i32
      %add3A_657 = arith.addi %mul3A_655, %add3A_656 : i32
      %jit3A_658 = arith.constant 2 : i32
      %div3A_659 = arith.divsi %add3A_657, %jit3A_658 : i32
      %sign3A_660 = arith.constant 0 : i32
      %sign3A_661 = arith.cmpi sgt, %add3A_657, %sign3A_660 : i32
      %sign3A_662 = arith.extui %sign3A_661 : i1 to i32
      %sign3A_663 = arith.constant 0 : i32
      %sign3A_664 = arith.cmpi slt, %add3A_657, %sign3A_663 : i32
      %sign3A_665 = arith.extui %sign3A_664 : i1 to i32
      %sign3A_666 = arith.subi %sign3A_662, %sign3A_665 : i32
      %sign3A_667 = arith.constant 0 : i32
      %sign3A_668 = arith.cmpi sgt, %jit3A_658, %sign3A_667 : i32
      %sign3A_669 = arith.extui %sign3A_668 : i1 to i32
      %sign3A_670 = arith.constant 0 : i32
      %sign3A_671 = arith.cmpi slt, %jit3A_658, %sign3A_670 : i32
      %sign3A_672 = arith.extui %sign3A_671 : i1 to i32
      %sign3A_673 = arith.subi %sign3A_669, %sign3A_672 : i32
      %ne3A_674 = arith.cmpi ne, %sign3A_666, %sign3A_673 : i32
      %rem3A_675 = arith.remsi %add3A_657, %jit3A_658 : i32
      %ne3A_676 = arith.constant 0 : i32
      %ne3A_677 = arith.cmpi ne, %rem3A_675, %ne3A_676 : i32
      %and3A_678 = arith.andi %ne3A_674, %ne3A_677 : i1
      %sub3A_679 = arith.constant 1 : i32
      %sub3A_680 = arith.subi %div3A_659, %sub3A_679 : i32
      %select_n3A_681 = arith.select %and3A_678, %sub3A_680, %div3A_659 : i32
      %add3A_682 = arith.addi %mul3A_2, %select_n3A_681 : i32
      %dma_start3A_683 = arith.constant 0 : i32
      %dma_start3A_684 = arith.constant 1 : i32
      %dma_start3A_685 = arith.constant 0 : i32
      %dma_start3A_686 = arith.constant 0 : i32
      %dma_start3A_687 = tpu.memref_slice %arg7[%dma_start3A_683, %dma_start3A_685, %dma_start3A_686] : memref<4x72x64xf32, #tpu.memory_space<vmem>> -> memref<1x72x64xf32, #tpu.memory_space<vmem>>
      %dma_start3A_688 = tpu.memref_squeeze %dma_start3A_687 : memref<1x72x64xf32, #tpu.memory_space<vmem>> -> memref<72x64xf32, #tpu.memory_space<vmem>>
      %dma_start3A_689 = arith.constant 128 : i32
      %dma_start3A_690 = arith.constant 0 : i32
      %dma_start3A_691 = tpu.memref_slice %arg4[%add3A_682, %dma_start3A_689, %dma_start3A_690] : memref<4096x200x64xf32, #tpu.memory_space<hbm>> -> memref<1x72x64xf32, #tpu.memory_space<hbm>>
      %dma_start3A_692 = tpu.memref_squeeze %dma_start3A_691 : memref<1x72x64xf32, #tpu.memory_space<hbm>> -> memref<72x64xf32, #tpu.memory_space<hbm>>
      %dma_start3A_693 = tpu.memref_slice %arg9[%dma_start3A_684] : memref<8x!tpu.dma_semaphore, #tpu.memory_space<semaphore_mem>> -> memref<1x!tpu.dma_semaphore, #tpu.memory_space<semaphore_mem>>
      %dma_start3A_694 = tpu.memref_squeeze %dma_start3A_693 : memref<1x!tpu.dma_semaphore, #tpu.memory_space<semaphore_mem>> -> memref<!tpu.dma_semaphore, #tpu.memory_space<semaphore_mem>>
      %dma_start3A_695 = arith.constant 128 : i32
      %dma_start3A_696 = arith.constant 0 : i32
      %dma_start3A_697 = tpu.memref_slice %arg4[%add3A_682, %dma_start3A_695, %dma_start3A_696] : memref<4096x200x64xf32, #tpu.memory_space<hbm>> -> memref<1x72x64xf32, #tpu.memory_space<hbm>>
      %dma_start3A_698 = tpu.memref_squeeze %dma_start3A_697 : memref<1x72x64xf32, #tpu.memory_space<hbm>> -> memref<72x64xf32, #tpu.memory_space<hbm>>
      %dma_start3A_699 = arith.constant 0 : i32
      %dma_start3A_700 = arith.constant 0 : i32
      %dma_start3A_701 = tpu.memref_slice %arg7[%dma_start3A_683, %dma_start3A_699, %dma_start3A_700] : memref<4x72x64xf32, #tpu.memory_space<vmem>> -> memref<1x72x64xf32, #tpu.memory_space<vmem>>
      %dma_start3A_702 = tpu.memref_squeeze %dma_start3A_701 : memref<1x72x64xf32, #tpu.memory_space<vmem>> -> memref<72x64xf32, #tpu.memory_space<vmem>>
      tpu.enqueue_dma source(%dma_start3A_702 : memref<72x64xf32, #tpu.memory_space<vmem>>) target(%dma_start3A_698 : memref<72x64xf32, #tpu.memory_space<hbm>>) target_semaphore(%dma_start3A_694 : memref<!tpu.dma_semaphore, #tpu.memory_space<semaphore_mem>>)
      %dma_wait3A_703 = arith.constant 0 : i32
      %dma_wait3A_704 = arith.constant 1 : i32
      %dma_wait3A_705 = arith.constant 2 : i32
      %dma_wait3A_706 = arith.constant 0 : i32
      %dma_wait3A_707 = arith.constant 0 : i32
      %dma_wait3A_708 = tpu.memref_slice %arg6[%dma_wait3A_704, %dma_wait3A_706, %dma_wait3A_707] : memref<4x128x64xf32, #tpu.memory_space<vmem>> -> memref<1x128x64xf32, #tpu.memory_space<vmem>>
      %dma_wait3A_709 = tpu.memref_squeeze %dma_wait3A_708 : memref<1x128x64xf32, #tpu.memory_space<vmem>> -> memref<128x64xf32, #tpu.memory_space<vmem>>
      %dma_wait3A_710 = arith.constant 0 : i32
      %dma_wait3A_711 = tpu.memref_slice %arg5[%dma_wait3A_703, %dma_wait3A_710] : memref<128x200xi32, #tpu.memory_space<vmem>> -> memref<1x128xi32, #tpu.memory_space<vmem>>
      %dma_wait3A_712 = tpu.memref_squeeze %dma_wait3A_711 : memref<1x128xi32, #tpu.memory_space<vmem>> -> memref<128xi32, #tpu.memory_space<vmem>>
      %dma_wait3A_713 = arith.constant 0 : i32
      %dma_wait3A_714 = arith.constant 0 : i32
      %dma_wait3A_715 = tpu.memref_slice %arg3[%dma_wait3A_713, %dma_wait3A_714] : memref<1000000x64xf32, #tpu.memory_space<hbm>> -> memref<1000000x64xf32, #tpu.memory_space<hbm>>
      %dma_wait3A_716 = tpu.memref_slice %arg8[%dma_wait3A_705] : memref<8x!tpu.dma_semaphore, #tpu.memory_space<semaphore_mem>> -> memref<1x!tpu.dma_semaphore, #tpu.memory_space<semaphore_mem>>
      %dma_wait3A_717 = tpu.memref_squeeze %dma_wait3A_716 : memref<1x!tpu.dma_semaphore, #tpu.memory_space<semaphore_mem>> -> memref<!tpu.dma_semaphore, #tpu.memory_space<semaphore_mem>>
      tpu.wait_indirect_dma semaphore(%dma_wait3A_717 : memref<!tpu.dma_semaphore, #tpu.memory_space<semaphore_mem>>) src(%dma_wait3A_715 : memref<1000000x64xf32, #tpu.memory_space<hbm>>) dst(%dma_wait3A_709 : memref<128x64xf32, #tpu.memory_space<vmem>>)
      %mul3A_718 = arith.constant 8 : i32
      %mul3A_719 = arith.muli %scan3A_582, %mul3A_718 : i32
      %add3A_720 = arith.constant 2 : i32
      %add3A_721 = arith.addi %mul3A_719, %add3A_720 : i32
      %jit3A_722 = arith.constant 2 : i32
      %div3A_723 = arith.divsi %add3A_721, %jit3A_722 : i32
      %sign3A_724 = arith.constant 0 : i32
      %sign3A_725 = arith.cmpi sgt, %add3A_721, %sign3A_724 : i32
      %sign3A_726 = arith.extui %sign3A_725 : i1 to i32
      %sign3A_727 = arith.constant 0 : i32
      %sign3A_728 = arith.cmpi slt, %add3A_721, %sign3A_727 : i32
      %sign3A_729 = arith.extui %sign3A_728 : i1 to i32
      %sign3A_730 = arith.subi %sign3A_726, %sign3A_729 : i32
      %sign3A_731 = arith.constant 0 : i32
      %sign3A_732 = arith.cmpi sgt, %jit3A_722, %sign3A_731 : i32
      %sign3A_733 = arith.extui %sign3A_732 : i1 to i32
      %sign3A_734 = arith.constant 0 : i32
      %sign3A_735 = arith.cmpi slt, %jit3A_722, %sign3A_734 : i32
      %sign3A_736 = arith.extui %sign3A_735 : i1 to i32
      %sign3A_737 = arith.subi %sign3A_733, %sign3A_736 : i32
      %ne3A_738 = arith.cmpi ne, %sign3A_730, %sign3A_737 : i32
      %rem3A_739 = arith.remsi %add3A_721, %jit3A_722 : i32
      %ne3A_740 = arith.constant 0 : i32
      %ne3A_741 = arith.cmpi ne, %rem3A_739, %ne3A_740 : i32
      %and3A_742 = arith.andi %ne3A_738, %ne3A_741 : i1
      %sub3A_743 = arith.constant 1 : i32
      %sub3A_744 = arith.subi %div3A_723, %sub3A_743 : i32
      %select_n3A_745 = arith.select %and3A_742, %sub3A_744, %div3A_723 : i32
      %add3A_746 = arith.addi %mul3A_2, %select_n3A_745 : i32
      %dma_start3A_747 = arith.constant 1 : i32
      %dma_start3A_748 = arith.constant 2 : i32
      %dma_start3A_749 = arith.constant 0 : i32
      %dma_start3A_750 = arith.constant 0 : i32
      %dma_start3A_751 = tpu.memref_slice %arg6[%dma_start3A_747, %dma_start3A_749, %dma_start3A_750] : memref<4x128x64xf32, #tpu.memory_space<vmem>> -> memref<1x128x64xf32, #tpu.memory_space<vmem>>
      %dma_start3A_752 = tpu.memref_squeeze %dma_start3A_751 : memref<1x128x64xf32, #tpu.memory_space<vmem>> -> memref<128x64xf32, #tpu.memory_space<vmem>>
      %dma_start3A_753 = arith.constant 0 : i32
      %dma_start3A_754 = arith.constant 0 : i32
      %dma_start3A_755 = tpu.memref_slice %arg4[%add3A_746, %dma_start3A_753, %dma_start3A_754] : memref<4096x200x64xf32, #tpu.memory_space<hbm>> -> memref<1x128x64xf32, #tpu.memory_space<hbm>>
      %dma_start3A_756 = tpu.memref_squeeze %dma_start3A_755 : memref<1x128x64xf32, #tpu.memory_space<hbm>> -> memref<128x64xf32, #tpu.memory_space<hbm>>
      %dma_start3A_757 = tpu.memref_slice %arg9[%dma_start3A_748] : memref<8x!tpu.dma_semaphore, #tpu.memory_space<semaphore_mem>> -> memref<1x!tpu.dma_semaphore, #tpu.memory_space<semaphore_mem>>
      %dma_start3A_758 = tpu.memref_squeeze %dma_start3A_757 : memref<1x!tpu.dma_semaphore, #tpu.memory_space<semaphore_mem>> -> memref<!tpu.dma_semaphore, #tpu.memory_space<semaphore_mem>>
      %dma_start3A_759 = arith.constant 0 : i32
      %dma_start3A_760 = arith.constant 0 : i32
      %dma_start3A_761 = tpu.memref_slice %arg4[%add3A_746, %dma_start3A_759, %dma_start3A_760] : memref<4096x200x64xf32, #tpu.memory_space<hbm>> -> memref<1x128x64xf32, #tpu.memory_space<hbm>>
      %dma_start3A_762 = tpu.memref_squeeze %dma_start3A_761 : memref<1x128x64xf32, #tpu.memory_space<hbm>> -> memref<128x64xf32, #tpu.memory_space<hbm>>
      %dma_start3A_763 = arith.constant 0 : i32
      %dma_start3A_764 = arith.constant 0 : i32
      %dma_start3A_765 = tpu.memref_slice %arg6[%dma_start3A_747, %dma_start3A_763, %dma_start3A_764] : memref<4x128x64xf32, #tpu.memory_space<vmem>> -> memref<1x128x64xf32, #tpu.memory_space<vmem>>
      %dma_start3A_766 = tpu.memref_squeeze %dma_start3A_765 : memref<1x128x64xf32, #tpu.memory_space<vmem>> -> memref<128x64xf32, #tpu.memory_space<vmem>>
      tpu.enqueue_dma source(%dma_start3A_766 : memref<128x64xf32, #tpu.memory_space<vmem>>) target(%dma_start3A_762 : memref<128x64xf32, #tpu.memory_space<hbm>>) target_semaphore(%dma_start3A_758 : memref<!tpu.dma_semaphore, #tpu.memory_space<semaphore_mem>>)
      %dma_wait3A_767 = arith.constant 0 : i32
      %dma_wait3A_768 = arith.constant 1 : i32
      %dma_wait3A_769 = arith.constant 3 : i32
      %dma_wait3A_770 = arith.constant 0 : i32
      %dma_wait3A_771 = arith.constant 0 : i32
      %dma_wait3A_772 = tpu.memref_slice %arg7[%dma_wait3A_768, %dma_wait3A_770, %dma_wait3A_771] : memref<4x72x64xf32, #tpu.memory_space<vmem>> -> memref<1x72x64xf32, #tpu.memory_space<vmem>>
      %dma_wait3A_773 = tpu.memref_squeeze %dma_wait3A_772 : memref<1x72x64xf32, #tpu.memory_space<vmem>> -> memref<72x64xf32, #tpu.memory_space<vmem>>
      %dma_wait3A_774 = arith.constant 128 : i32
      %dma_wait3A_775 = tpu.memref_slice %arg5[%dma_wait3A_767, %dma_wait3A_774] : memref<128x200xi32, #tpu.memory_space<vmem>> -> memref<1x72xi32, #tpu.memory_space<vmem>>
      %dma_wait3A_776 = tpu.memref_squeeze %dma_wait3A_775 : memref<1x72xi32, #tpu.memory_space<vmem>> -> memref<72xi32, #tpu.memory_space<vmem>>
      %dma_wait3A_777 = arith.constant 0 : i32
      %dma_wait3A_778 = arith.constant 0 : i32
      %dma_wait3A_779 = tpu.memref_slice %arg3[%dma_wait3A_777, %dma_wait3A_778] : memref<1000000x64xf32, #tpu.memory_space<hbm>> -> memref<1000000x64xf32, #tpu.memory_space<hbm>>
      %dma_wait3A_780 = tpu.memref_slice %arg8[%dma_wait3A_769] : memref<8x!tpu.dma_semaphore, #tpu.memory_space<semaphore_mem>> -> memref<1x!tpu.dma_semaphore, #tpu.memory_space<semaphore_mem>>
      %dma_wait3A_781 = tpu.memref_squeeze %dma_wait3A_780 : memref<1x!tpu.dma_semaphore, #tpu.memory_space<semaphore_mem>> -> memref<!tpu.dma_semaphore, #tpu.memory_space<semaphore_mem>>
      tpu.wait_indirect_dma semaphore(%dma_wait3A_781 : memref<!tpu.dma_semaphore, #tpu.memory_space<semaphore_mem>>) src(%dma_wait3A_779 : memref<1000000x64xf32, #tpu.memory_space<hbm>>) dst(%dma_wait3A_773 : memref<72x64xf32, #tpu.memory_space<vmem>>)
      %mul3A_782 = arith.constant 8 : i32
      %mul3A_783 = arith.muli %scan3A_582, %mul3A_782 : i32
      %add3A_784 = arith.constant 3 : i32
      %add3A_785 = arith.addi %mul3A_783, %add3A_784 : i32
      %jit3A_786 = arith.constant 2 : i32
      %div3A_787 = arith.divsi %add3A_785, %jit3A_786 : i32
      %sign3A_788 = arith.constant 0 : i32
      %sign3A_789 = arith.cmpi sgt, %add3A_785, %sign3A_788 : i32
      %sign3A_790 = arith.extui %sign3A_789 : i1 to i32
      %sign3A_791 = arith.constant 0 : i32
      %sign3A_792 = arith.cmpi slt, %add3A_785, %sign3A_791 : i32
      %sign3A_793 = arith.extui %sign3A_792 : i1 to i32
      %sign3A_794 = arith.subi %sign3A_790, %sign3A_793 : i32
      %sign3A_795 = arith.constant 0 : i32
      %sign3A_796 = arith.cmpi sgt, %jit3A_786, %sign3A_795 : i32
      %sign3A_797 = arith.extui %sign3A_796 : i1 to i32
      %sign3A_798 = arith.constant 0 : i32
      %sign3A_799 = arith.cmpi slt, %jit3A_786, %sign3A_798 : i32
      %sign3A_800 = arith.extui %sign3A_799 : i1 to i32
      %sign3A_801 = arith.subi %sign3A_797, %sign3A_800 : i32
      %ne3A_802 = arith.cmpi ne, %sign3A_794, %sign3A_801 : i32
      %rem3A_803 = arith.remsi %add3A_785, %jit3A_786 : i32
      %ne3A_804 = arith.constant 0 : i32
      %ne3A_805 = arith.cmpi ne, %rem3A_803, %ne3A_804 : i32
      %and3A_806 = arith.andi %ne3A_802, %ne3A_805 : i1
      %sub3A_807 = arith.constant 1 : i32
      %sub3A_808 = arith.subi %div3A_787, %sub3A_807 : i32
      %select_n3A_809 = arith.select %and3A_806, %sub3A_808, %div3A_787 : i32
      %add3A_810 = arith.addi %mul3A_2, %select_n3A_809 : i32
      %dma_start3A_811 = arith.constant 1 : i32
      %dma_start3A_812 = arith.constant 3 : i32
      %dma_start3A_813 = arith.constant 0 : i32
      %dma_start3A_814 = arith.constant 0 : i32
      %dma_start3A_815 = tpu.memref_slice %arg7[%dma_start3A_811, %dma_start3A_813, %dma_start3A_814] : memref<4x72x64xf32, #tpu.memory_space<vmem>> -> memref<1x72x64xf32, #tpu.memory_space<vmem>>
      %dma_start3A_816 = tpu.memref_squeeze %dma_start3A_815 : memref<1x72x64xf32, #tpu.memory_space<vmem>> -> memref<72x64xf32, #tpu.memory_space<vmem>>
      %dma_start3A_817 = arith.constant 128 : i32
      %dma_start3A_818 = arith.constant 0 : i32
      %dma_start3A_819 = tpu.memref_slice %arg4[%add3A_810, %dma_start3A_817, %dma_start3A_818] : memref<4096x200x64xf32, #tpu.memory_space<hbm>> -> memref<1x72x64xf32, #tpu.memory_space<hbm>>
      %dma_start3A_820 = tpu.memref_squeeze %dma_start3A_819 : memref<1x72x64xf32, #tpu.memory_space<hbm>> -> memref<72x64xf32, #tpu.memory_space<hbm>>
      %dma_start3A_821 = tpu.memref_slice %arg9[%dma_start3A_812] : memref<8x!tpu.dma_semaphore, #tpu.memory_space<semaphore_mem>> -> memref<1x!tpu.dma_semaphore, #tpu.memory_space<semaphore_mem>>
      %dma_start3A_822 = tpu.memref_squeeze %dma_start3A_821 : memref<1x!tpu.dma_semaphore, #tpu.memory_space<semaphore_mem>> -> memref<!tpu.dma_semaphore, #tpu.memory_space<semaphore_mem>>
      %dma_start3A_823 = arith.constant 128 : i32
      %dma_start3A_824 = arith.constant 0 : i32
      %dma_start3A_825 = tpu.memref_slice %arg4[%add3A_810, %dma_start3A_823, %dma_start3A_824] : memref<4096x200x64xf32, #tpu.memory_space<hbm>> -> memref<1x72x64xf32, #tpu.memory_space<hbm>>
      %dma_start3A_826 = tpu.memref_squeeze %dma_start3A_825 : memref<1x72x64xf32, #tpu.memory_space<hbm>> -> memref<72x64xf32, #tpu.memory_space<hbm>>
      %dma_start3A_827 = arith.constant 0 : i32
      %dma_start3A_828 = arith.constant 0 : i32
      %dma_start3A_829 = tpu.memref_slice %arg7[%dma_start3A_811, %dma_start3A_827, %dma_start3A_828] : memref<4x72x64xf32, #tpu.memory_space<vmem>> -> memref<1x72x64xf32, #tpu.memory_space<vmem>>
      %dma_start3A_830 = tpu.memref_squeeze %dma_start3A_829 : memref<1x72x64xf32, #tpu.memory_space<vmem>> -> memref<72x64xf32, #tpu.memory_space<vmem>>
      tpu.enqueue_dma source(%dma_start3A_830 : memref<72x64xf32, #tpu.memory_space<vmem>>) target(%dma_start3A_826 : memref<72x64xf32, #tpu.memory_space<hbm>>) target_semaphore(%dma_start3A_822 : memref<!tpu.dma_semaphore, #tpu.memory_space<semaphore_mem>>)
      %dma_wait3A_831 = arith.constant 0 : i32
      %dma_wait3A_832 = arith.constant 2 : i32
      %dma_wait3A_833 = arith.constant 4 : i32
      %dma_wait3A_834 = arith.constant 0 : i32
      %dma_wait3A_835 = arith.constant 0 : i32
      %dma_wait3A_836 = tpu.memref_slice %arg6[%dma_wait3A_832, %dma_wait3A_834, %dma_wait3A_835] : memref<4x128x64xf32, #tpu.memory_space<vmem>> -> memref<1x128x64xf32, #tpu.memory_space<vmem>>
      %dma_wait3A_837 = tpu.memref_squeeze %dma_wait3A_836 : memref<1x128x64xf32, #tpu.memory_space<vmem>> -> memref<128x64xf32, #tpu.memory_space<vmem>>
      %dma_wait3A_838 = arith.constant 0 : i32
      %dma_wait3A_839 = tpu.memref_slice %arg5[%dma_wait3A_831, %dma_wait3A_838] : memref<128x200xi32, #tpu.memory_space<vmem>> -> memref<1x128xi32, #tpu.memory_space<vmem>>
      %dma_wait3A_840 = tpu.memref_squeeze %dma_wait3A_839 : memref<1x128xi32, #tpu.memory_space<vmem>> -> memref<128xi32, #tpu.memory_space<vmem>>
      %dma_wait3A_841 = arith.constant 0 : i32
      %dma_wait3A_842 = arith.constant 0 : i32
      %dma_wait3A_843 = tpu.memref_slice %arg3[%dma_wait3A_841, %dma_wait3A_842] : memref<1000000x64xf32, #tpu.memory_space<hbm>> -> memref<1000000x64xf32, #tpu.memory_space<hbm>>
      %dma_wait3A_844 = tpu.memref_slice %arg8[%dma_wait3A_833] : memref<8x!tpu.dma_semaphore, #tpu.memory_space<semaphore_mem>> -> memref<1x!tpu.dma_semaphore, #tpu.memory_space<semaphore_mem>>
      %dma_wait3A_845 = tpu.memref_squeeze %dma_wait3A_844 : memref<1x!tpu.dma_semaphore, #tpu.memory_space<semaphore_mem>> -> memref<!tpu.dma_semaphore, #tpu.memory_space<semaphore_mem>>
      tpu.wait_indirect_dma semaphore(%dma_wait3A_845 : memref<!tpu.dma_semaphore, #tpu.memory_space<semaphore_mem>>) src(%dma_wait3A_843 : memref<1000000x64xf32, #tpu.memory_space<hbm>>) dst(%dma_wait3A_837 : memref<128x64xf32, #tpu.memory_space<vmem>>)
      %mul3A_846 = arith.constant 8 : i32
      %mul3A_847 = arith.muli %scan3A_582, %mul3A_846 : i32
      %add3A_848 = arith.constant 4 : i32
      %add3A_849 = arith.addi %mul3A_847, %add3A_848 : i32
      %jit3A_850 = arith.constant 2 : i32
      %div3A_851 = arith.divsi %add3A_849, %jit3A_850 : i32
      %sign3A_852 = arith.constant 0 : i32
      %sign3A_853 = arith.cmpi sgt, %add3A_849, %sign3A_852 : i32
      %sign3A_854 = arith.extui %sign3A_853 : i1 to i32
      %sign3A_855 = arith.constant 0 : i32
      %sign3A_856 = arith.cmpi slt, %add3A_849, %sign3A_855 : i32
      %sign3A_857 = arith.extui %sign3A_856 : i1 to i32
      %sign3A_858 = arith.subi %sign3A_854, %sign3A_857 : i32
      %sign3A_859 = arith.constant 0 : i32
      %sign3A_860 = arith.cmpi sgt, %jit3A_850, %sign3A_859 : i32
      %sign3A_861 = arith.extui %sign3A_860 : i1 to i32
      %sign3A_862 = arith.constant 0 : i32
      %sign3A_863 = arith.cmpi slt, %jit3A_850, %sign3A_862 : i32
      %sign3A_864 = arith.extui %sign3A_863 : i1 to i32
      %sign3A_865 = arith.subi %sign3A_861, %sign3A_864 : i32
      %ne3A_866 = arith.cmpi ne, %sign3A_858, %sign3A_865 : i32
      %rem3A_867 = arith.remsi %add3A_849, %jit3A_850 : i32
      %ne3A_868 = arith.constant 0 : i32
      %ne3A_869 = arith.cmpi ne, %rem3A_867, %ne3A_868 : i32
      %and3A_870 = arith.andi %ne3A_866, %ne3A_869 : i1
      %sub3A_871 = arith.constant 1 : i32
      %sub3A_872 = arith.subi %div3A_851, %sub3A_871 : i32
      %select_n3A_873 = arith.select %and3A_870, %sub3A_872, %div3A_851 : i32
      %add3A_874 = arith.addi %mul3A_2, %select_n3A_873 : i32
      %dma_start3A_875 = arith.constant 2 : i32
      %dma_start3A_876 = arith.constant 4 : i32
      %dma_start3A_877 = arith.constant 0 : i32
      %dma_start3A_878 = arith.constant 0 : i32
      %dma_start3A_879 = tpu.memref_slice %arg6[%dma_start3A_875, %dma_start3A_877, %dma_start3A_878] : memref<4x128x64xf32, #tpu.memory_space<vmem>> -> memref<1x128x64xf32, #tpu.memory_space<vmem>>
      %dma_start3A_880 = tpu.memref_squeeze %dma_start3A_879 : memref<1x128x64xf32, #tpu.memory_space<vmem>> -> memref<128x64xf32, #tpu.memory_space<vmem>>
      %dma_start3A_881 = arith.constant 0 : i32
      %dma_start3A_882 = arith.constant 0 : i32
      %dma_start3A_883 = tpu.memref_slice %arg4[%add3A_874, %dma_start3A_881, %dma_start3A_882] : memref<4096x200x64xf32, #tpu.memory_space<hbm>> -> memref<1x128x64xf32, #tpu.memory_space<hbm>>
      %dma_start3A_884 = tpu.memref_squeeze %dma_start3A_883 : memref<1x128x64xf32, #tpu.memory_space<hbm>> -> memref<128x64xf32, #tpu.memory_space<hbm>>
      %dma_start3A_885 = tpu.memref_slice %arg9[%dma_start3A_876] : memref<8x!tpu.dma_semaphore, #tpu.memory_space<semaphore_mem>> -> memref<1x!tpu.dma_semaphore, #tpu.memory_space<semaphore_mem>>
      %dma_start3A_886 = tpu.memref_squeeze %dma_start3A_885 : memref<1x!tpu.dma_semaphore, #tpu.memory_space<semaphore_mem>> -> memref<!tpu.dma_semaphore, #tpu.memory_space<semaphore_mem>>
      %dma_start3A_887 = arith.constant 0 : i32
      %dma_start3A_888 = arith.constant 0 : i32
      %dma_start3A_889 = tpu.memref_slice %arg4[%add3A_874, %dma_start3A_887, %dma_start3A_888] : memref<4096x200x64xf32, #tpu.memory_space<hbm>> -> memref<1x128x64xf32, #tpu.memory_space<hbm>>
      %dma_start3A_890 = tpu.memref_squeeze %dma_start3A_889 : memref<1x128x64xf32, #tpu.memory_space<hbm>> -> memref<128x64xf32, #tpu.memory_space<hbm>>
      %dma_start3A_891 = arith.constant 0 : i32
      %dma_start3A_892 = arith.constant 0 : i32
      %dma_start3A_893 = tpu.memref_slice %arg6[%dma_start3A_875, %dma_start3A_891, %dma_start3A_892] : memref<4x128x64xf32, #tpu.memory_space<vmem>> -> memref<1x128x64xf32, #tpu.memory_space<vmem>>
      %dma_start3A_894 = tpu.memref_squeeze %dma_start3A_893 : memref<1x128x64xf32, #tpu.memory_space<vmem>> -> memref<128x64xf32, #tpu.memory_space<vmem>>
      tpu.enqueue_dma source(%dma_start3A_894 : memref<128x64xf32, #tpu.memory_space<vmem>>) target(%dma_start3A_890 : memref<128x64xf32, #tpu.memory_space<hbm>>) target_semaphore(%dma_start3A_886 : memref<!tpu.dma_semaphore, #tpu.memory_space<semaphore_mem>>)
      %dma_wait3A_895 = arith.constant 0 : i32
      %dma_wait3A_896 = arith.constant 2 : i32
      %dma_wait3A_897 = arith.constant 5 : i32
      %dma_wait3A_898 = arith.constant 0 : i32
      %dma_wait3A_899 = arith.constant 0 : i32
      %dma_wait3A_900 = tpu.memref_slice %arg7[%dma_wait3A_896, %dma_wait3A_898, %dma_wait3A_899] : memref<4x72x64xf32, #tpu.memory_space<vmem>> -> memref<1x72x64xf32, #tpu.memory_space<vmem>>
      %dma_wait3A_901 = tpu.memref_squeeze %dma_wait3A_900 : memref<1x72x64xf32, #tpu.memory_space<vmem>> -> memref<72x64xf32, #tpu.memory_space<vmem>>
      %dma_wait3A_902 = arith.constant 128 : i32
      %dma_wait3A_903 = tpu.memref_slice %arg5[%dma_wait3A_895, %dma_wait3A_902] : memref<128x200xi32, #tpu.memory_space<vmem>> -> memref<1x72xi32, #tpu.memory_space<vmem>>
      %dma_wait3A_904 = tpu.memref_squeeze %dma_wait3A_903 : memref<1x72xi32, #tpu.memory_space<vmem>> -> memref<72xi32, #tpu.memory_space<vmem>>
      %dma_wait3A_905 = arith.constant 0 : i32
      %dma_wait3A_906 = arith.constant 0 : i32
      %dma_wait3A_907 = tpu.memref_slice %arg3[%dma_wait3A_905, %dma_wait3A_906] : memref<1000000x64xf32, #tpu.memory_space<hbm>> -> memref<1000000x64xf32, #tpu.memory_space<hbm>>
      %dma_wait3A_908 = tpu.memref_slice %arg8[%dma_wait3A_897] : memref<8x!tpu.dma_semaphore, #tpu.memory_space<semaphore_mem>> -> memref<1x!tpu.dma_semaphore, #tpu.memory_space<semaphore_mem>>
      %dma_wait3A_909 = tpu.memref_squeeze %dma_wait3A_908 : memref<1x!tpu.dma_semaphore, #tpu.memory_space<semaphore_mem>> -> memref<!tpu.dma_semaphore, #tpu.memory_space<semaphore_mem>>
      tpu.wait_indirect_dma semaphore(%dma_wait3A_909 : memref<!tpu.dma_semaphore, #tpu.memory_space<semaphore_mem>>) src(%dma_wait3A_907 : memref<1000000x64xf32, #tpu.memory_space<hbm>>) dst(%dma_wait3A_901 : memref<72x64xf32, #tpu.memory_space<vmem>>)
      %mul3A_910 = arith.constant 8 : i32
      %mul3A_911 = arith.muli %scan3A_582, %mul3A_910 : i32
      %add3A_912 = arith.constant 5 : i32
      %add3A_913 = arith.addi %mul3A_911, %add3A_912 : i32
      %jit3A_914 = arith.constant 2 : i32
      %div3A_915 = arith.divsi %add3A_913, %jit3A_914 : i32
      %sign3A_916 = arith.constant 0 : i32
      %sign3A_917 = arith.cmpi sgt, %add3A_913, %sign3A_916 : i32
      %sign3A_918 = arith.extui %sign3A_917 : i1 to i32
      %sign3A_919 = arith.constant 0 : i32
      %sign3A_920 = arith.cmpi slt, %add3A_913, %sign3A_919 : i32
      %sign3A_921 = arith.extui %sign3A_920 : i1 to i32
      %sign3A_922 = arith.subi %sign3A_918, %sign3A_921 : i32
      %sign3A_923 = arith.constant 0 : i32
      %sign3A_924 = arith.cmpi sgt, %jit3A_914, %sign3A_923 : i32
      %sign3A_925 = arith.extui %sign3A_924 : i1 to i32
      %sign3A_926 = arith.constant 0 : i32
      %sign3A_927 = arith.cmpi slt, %jit3A_914, %sign3A_926 : i32
      %sign3A_928 = arith.extui %sign3A_927 : i1 to i32
      %sign3A_929 = arith.subi %sign3A_925, %sign3A_928 : i32
      %ne3A_930 = arith.cmpi ne, %sign3A_922, %sign3A_929 : i32
      %rem3A_931 = arith.remsi %add3A_913, %jit3A_914 : i32
      %ne3A_932 = arith.constant 0 : i32
      %ne3A_933 = arith.cmpi ne, %rem3A_931, %ne3A_932 : i32
      %and3A_934 = arith.andi %ne3A_930, %ne3A_933 : i1
      %sub3A_935 = arith.constant 1 : i32
      %sub3A_936 = arith.subi %div3A_915, %sub3A_935 : i32
      %select_n3A_937 = arith.select %and3A_934, %sub3A_936, %div3A_915 : i32
      %add3A_938 = arith.addi %mul3A_2, %select_n3A_937 : i32
      %dma_start3A_939 = arith.constant 2 : i32
      %dma_start3A_940 = arith.constant 5 : i32
      %dma_start3A_941 = arith.constant 0 : i32
      %dma_start3A_942 = arith.constant 0 : i32
      %dma_start3A_943 = tpu.memref_slice %arg7[%dma_start3A_939, %dma_start3A_941, %dma_start3A_942] : memref<4x72x64xf32, #tpu.memory_space<vmem>> -> memref<1x72x64xf32, #tpu.memory_space<vmem>>
      %dma_start3A_944 = tpu.memref_squeeze %dma_start3A_943 : memref<1x72x64xf32, #tpu.memory_space<vmem>> -> memref<72x64xf32, #tpu.memory_space<vmem>>
      %dma_start3A_945 = arith.constant 128 : i32
      %dma_start3A_946 = arith.constant 0 : i32
      %dma_start3A_947 = tpu.memref_slice %arg4[%add3A_938, %dma_start3A_945, %dma_start3A_946] : memref<4096x200x64xf32, #tpu.memory_space<hbm>> -> memref<1x72x64xf32, #tpu.memory_space<hbm>>
      %dma_start3A_948 = tpu.memref_squeeze %dma_start3A_947 : memref<1x72x64xf32, #tpu.memory_space<hbm>> -> memref<72x64xf32, #tpu.memory_space<hbm>>
      %dma_start3A_949 = tpu.memref_slice %arg9[%dma_start3A_940] : memref<8x!tpu.dma_semaphore, #tpu.memory_space<semaphore_mem>> -> memref<1x!tpu.dma_semaphore, #tpu.memory_space<semaphore_mem>>
      %dma_start3A_950 = tpu.memref_squeeze %dma_start3A_949 : memref<1x!tpu.dma_semaphore, #tpu.memory_space<semaphore_mem>> -> memref<!tpu.dma_semaphore, #tpu.memory_space<semaphore_mem>>
      %dma_start3A_951 = arith.constant 128 : i32
      %dma_start3A_952 = arith.constant 0 : i32
      %dma_start3A_953 = tpu.memref_slice %arg4[%add3A_938, %dma_start3A_951, %dma_start3A_952] : memref<4096x200x64xf32, #tpu.memory_space<hbm>> -> memref<1x72x64xf32, #tpu.memory_space<hbm>>
      %dma_start3A_954 = tpu.memref_squeeze %dma_start3A_953 : memref<1x72x64xf32, #tpu.memory_space<hbm>> -> memref<72x64xf32, #tpu.memory_space<hbm>>
      %dma_start3A_955 = arith.constant 0 : i32
      %dma_start3A_956 = arith.constant 0 : i32
      %dma_start3A_957 = tpu.memref_slice %arg7[%dma_start3A_939, %dma_start3A_955, %dma_start3A_956] : memref<4x72x64xf32, #tpu.memory_space<vmem>> -> memref<1x72x64xf32, #tpu.memory_space<vmem>>
      %dma_start3A_958 = tpu.memref_squeeze %dma_start3A_957 : memref<1x72x64xf32, #tpu.memory_space<vmem>> -> memref<72x64xf32, #tpu.memory_space<vmem>>
      tpu.enqueue_dma source(%dma_start3A_958 : memref<72x64xf32, #tpu.memory_space<vmem>>) target(%dma_start3A_954 : memref<72x64xf32, #tpu.memory_space<hbm>>) target_semaphore(%dma_start3A_950 : memref<!tpu.dma_semaphore, #tpu.memory_space<semaphore_mem>>)
      %dma_wait3A_959 = arith.constant 0 : i32
      %dma_wait3A_960 = arith.constant 3 : i32
      %dma_wait3A_961 = arith.constant 6 : i32
      %dma_wait3A_962 = arith.constant 0 : i32
      %dma_wait3A_963 = arith.constant 0 : i32
      %dma_wait3A_964 = tpu.memref_slice %arg6[%dma_wait3A_960, %dma_wait3A_962, %dma_wait3A_963] : memref<4x128x64xf32, #tpu.memory_space<vmem>> -> memref<1x128x64xf32, #tpu.memory_space<vmem>>
      %dma_wait3A_965 = tpu.memref_squeeze %dma_wait3A_964 : memref<1x128x64xf32, #tpu.memory_space<vmem>> -> memref<128x64xf32, #tpu.memory_space<vmem>>
      %dma_wait3A_966 = arith.constant 0 : i32
      %dma_wait3A_967 = tpu.memref_slice %arg5[%dma_wait3A_959, %dma_wait3A_966] : memref<128x200xi32, #tpu.memory_space<vmem>> -> memref<1x128xi32, #tpu.memory_space<vmem>>
      %dma_wait3A_968 = tpu.memref_squeeze %dma_wait3A_967 : memref<1x128xi32, #tpu.memory_space<vmem>> -> memref<128xi32, #tpu.memory_space<vmem>>
      %dma_wait3A_969 = arith.constant 0 : i32
      %dma_wait3A_970 = arith.constant 0 : i32
      %dma_wait3A_971 = tpu.memref_slice %arg3[%dma_wait3A_969, %dma_wait3A_970] : memref<1000000x64xf32, #tpu.memory_space<hbm>> -> memref<1000000x64xf32, #tpu.memory_space<hbm>>
      %dma_wait3A_972 = tpu.memref_slice %arg8[%dma_wait3A_961] : memref<8x!tpu.dma_semaphore, #tpu.memory_space<semaphore_mem>> -> memref<1x!tpu.dma_semaphore, #tpu.memory_space<semaphore_mem>>
      %dma_wait3A_973 = tpu.memref_squeeze %dma_wait3A_972 : memref<1x!tpu.dma_semaphore, #tpu.memory_space<semaphore_mem>> -> memref<!tpu.dma_semaphore, #tpu.memory_space<semaphore_mem>>
      tpu.wait_indirect_dma semaphore(%dma_wait3A_973 : memref<!tpu.dma_semaphore, #tpu.memory_space<semaphore_mem>>) src(%dma_wait3A_971 : memref<1000000x64xf32, #tpu.memory_space<hbm>>) dst(%dma_wait3A_965 : memref<128x64xf32, #tpu.memory_space<vmem>>)
      %mul3A_974 = arith.constant 8 : i32
      %mul3A_975 = arith.muli %scan3A_582, %mul3A_974 : i32
      %add3A_976 = arith.constant 6 : i32
      %add3A_977 = arith.addi %mul3A_975, %add3A_976 : i32
      %jit3A_978 = arith.constant 2 : i32
      %div3A_979 = arith.divsi %add3A_977, %jit3A_978 : i32
      %sign3A_980 = arith.constant 0 : i32
      %sign3A_981 = arith.cmpi sgt, %add3A_977, %sign3A_980 : i32
      %sign3A_982 = arith.extui %sign3A_981 : i1 to i32
      %sign3A_983 = arith.constant 0 : i32
      %sign3A_984 = arith.cmpi slt, %add3A_977, %sign3A_983 : i32
      %sign3A_985 = arith.extui %sign3A_984 : i1 to i32
      %sign3A_986 = arith.subi %sign3A_982, %sign3A_985 : i32
      %sign3A_987 = arith.constant 0 : i32
      %sign3A_988 = arith.cmpi sgt, %jit3A_978, %sign3A_987 : i32
      %sign3A_989 = arith.extui %sign3A_988 : i1 to i32
      %sign3A_990 = arith.constant 0 : i32
      %sign3A_991 = arith.cmpi slt, %jit3A_978, %sign3A_990 : i32
      %sign3A_992 = arith.extui %sign3A_991 : i1 to i32
      %sign3A_993 = arith.subi %sign3A_989, %sign3A_992 : i32
      %ne3A_994 = arith.cmpi ne, %sign3A_986, %sign3A_993 : i32
      %rem3A_995 = arith.remsi %add3A_977, %jit3A_978 : i32
      %ne3A_996 = arith.constant 0 : i32
      %ne3A_997 = arith.cmpi ne, %rem3A_995, %ne3A_996 : i32
      %and3A_998 = arith.andi %ne3A_994, %ne3A_997 : i1
      %sub3A_999 = arith.constant 1 : i32
      %sub3A_1000 = arith.subi %div3A_979, %sub3A_999 : i32
      %select_n3A_1001 = arith.select %and3A_998, %sub3A_1000, %div3A_979 : i32
      %add3A_1002 = arith.addi %mul3A_2, %select_n3A_1001 : i32
      %dma_start3A_1003 = arith.constant 3 : i32
      %dma_start3A_1004 = arith.constant 6 : i32
      %dma_start3A_1005 = arith.constant 0 : i32
      %dma_start3A_1006 = arith.constant 0 : i32
      %dma_start3A_1007 = tpu.memref_slice %arg6[%dma_start3A_1003, %dma_start3A_1005, %dma_start3A_1006] : memref<4x128x64xf32, #tpu.memory_space<vmem>> -> memref<1x128x64xf32, #tpu.memory_space<vmem>>
      %dma_start3A_1008 = tpu.memref_squeeze %dma_start3A_1007 : memref<1x128x64xf32, #tpu.memory_space<vmem>> -> memref<128x64xf32, #tpu.memory_space<vmem>>
      %dma_start3A_1009 = arith.constant 0 : i32
      %dma_start3A_1010 = arith.constant 0 : i32
      %dma_start3A_1011 = tpu.memref_slice %arg4[%add3A_1002, %dma_start3A_1009, %dma_start3A_1010] : memref<4096x200x64xf32, #tpu.memory_space<hbm>> -> memref<1x128x64xf32, #tpu.memory_space<hbm>>
      %dma_start3A_1012 = tpu.memref_squeeze %dma_start3A_1011 : memref<1x128x64xf32, #tpu.memory_space<hbm>> -> memref<128x64xf32, #tpu.memory_space<hbm>>
      %dma_start3A_1013 = tpu.memref_slice %arg9[%dma_start3A_1004] : memref<8x!tpu.dma_semaphore, #tpu.memory_space<semaphore_mem>> -> memref<1x!tpu.dma_semaphore, #tpu.memory_space<semaphore_mem>>
      %dma_start3A_1014 = tpu.memref_squeeze %dma_start3A_1013 : memref<1x!tpu.dma_semaphore, #tpu.memory_space<semaphore_mem>> -> memref<!tpu.dma_semaphore, #tpu.memory_space<semaphore_mem>>
      %dma_start3A_1015 = arith.constant 0 : i32
      %dma_start3A_1016 = arith.constant 0 : i32
      %dma_start3A_1017 = tpu.memref_slice %arg4[%add3A_1002, %dma_start3A_1015, %dma_start3A_1016] : memref<4096x200x64xf32, #tpu.memory_space<hbm>> -> memref<1x128x64xf32, #tpu.memory_space<hbm>>
      %dma_start3A_1018 = tpu.memref_squeeze %dma_start3A_1017 : memref<1x128x64xf32, #tpu.memory_space<hbm>> -> memref<128x64xf32, #tpu.memory_space<hbm>>
      %dma_start3A_1019 = arith.constant 0 : i32
      %dma_start3A_1020 = arith.constant 0 : i32
      %dma_start3A_1021 = tpu.memref_slice %arg6[%dma_start3A_1003, %dma_start3A_1019, %dma_start3A_1020] : memref<4x128x64xf32, #tpu.memory_space<vmem>> -> memref<1x128x64xf32, #tpu.memory_space<vmem>>
      %dma_start3A_1022 = tpu.memref_squeeze %dma_start3A_1021 : memref<1x128x64xf32, #tpu.memory_space<vmem>> -> memref<128x64xf32, #tpu.memory_space<vmem>>
      tpu.enqueue_dma source(%dma_start3A_1022 : memref<128x64xf32, #tpu.memory_space<vmem>>) target(%dma_start3A_1018 : memref<128x64xf32, #tpu.memory_space<hbm>>) target_semaphore(%dma_start3A_1014 : memref<!tpu.dma_semaphore, #tpu.memory_space<semaphore_mem>>)
      %dma_wait3A_1023 = arith.constant 0 : i32
      %dma_wait3A_1024 = arith.constant 3 : i32
      %dma_wait3A_1025 = arith.constant 7 : i32
      %dma_wait3A_1026 = arith.constant 0 : i32
      %dma_wait3A_1027 = arith.constant 0 : i32
      %dma_wait3A_1028 = tpu.memref_slice %arg7[%dma_wait3A_1024, %dma_wait3A_1026, %dma_wait3A_1027] : memref<4x72x64xf32, #tpu.memory_space<vmem>> -> memref<1x72x64xf32, #tpu.memory_space<vmem>>
      %dma_wait3A_1029 = tpu.memref_squeeze %dma_wait3A_1028 : memref<1x72x64xf32, #tpu.memory_space<vmem>> -> memref<72x64xf32, #tpu.memory_space<vmem>>
      %dma_wait3A_1030 = arith.constant 128 : i32
      %dma_wait3A_1031 = tpu.memref_slice %arg5[%dma_wait3A_1023, %dma_wait3A_1030] : memref<128x200xi32, #tpu.memory_space<vmem>> -> memref<1x72xi32, #tpu.memory_space<vmem>>
      %dma_wait3A_1032 = tpu.memref_squeeze %dma_wait3A_1031 : memref<1x72xi32, #tpu.memory_space<vmem>> -> memref<72xi32, #tpu.memory_space<vmem>>
      %dma_wait3A_1033 = arith.constant 0 : i32
      %dma_wait3A_1034 = arith.constant 0 : i32
      %dma_wait3A_1035 = tpu.memref_slice %arg3[%dma_wait3A_1033, %dma_wait3A_1034] : memref<1000000x64xf32, #tpu.memory_space<hbm>> -> memref<1000000x64xf32, #tpu.memory_space<hbm>>
      %dma_wait3A_1036 = tpu.memref_slice %arg8[%dma_wait3A_1025] : memref<8x!tpu.dma_semaphore, #tpu.memory_space<semaphore_mem>> -> memref<1x!tpu.dma_semaphore, #tpu.memory_space<semaphore_mem>>
      %dma_wait3A_1037 = tpu.memref_squeeze %dma_wait3A_1036 : memref<1x!tpu.dma_semaphore, #tpu.memory_space<semaphore_mem>> -> memref<!tpu.dma_semaphore, #tpu.memory_space<semaphore_mem>>
      tpu.wait_indirect_dma semaphore(%dma_wait3A_1037 : memref<!tpu.dma_semaphore, #tpu.memory_space<semaphore_mem>>) src(%dma_wait3A_1035 : memref<1000000x64xf32, #tpu.memory_space<hbm>>) dst(%dma_wait3A_1029 : memref<72x64xf32, #tpu.memory_space<vmem>>)
      %mul3A_1038 = arith.constant 8 : i32
      %mul3A_1039 = arith.muli %scan3A_582, %mul3A_1038 : i32
      %add3A_1040 = arith.constant 7 : i32
      %add3A_1041 = arith.addi %mul3A_1039, %add3A_1040 : i32
      %jit3A_1042 = arith.constant 2 : i32
      %div3A_1043 = arith.divsi %add3A_1041, %jit3A_1042 : i32
      %sign3A_1044 = arith.constant 0 : i32
      %sign3A_1045 = arith.cmpi sgt, %add3A_1041, %sign3A_1044 : i32
      %sign3A_1046 = arith.extui %sign3A_1045 : i1 to i32
      %sign3A_1047 = arith.constant 0 : i32
      %sign3A_1048 = arith.cmpi slt, %add3A_1041, %sign3A_1047 : i32
      %sign3A_1049 = arith.extui %sign3A_1048 : i1 to i32
      %sign3A_1050 = arith.subi %sign3A_1046, %sign3A_1049 : i32
      %sign3A_1051 = arith.constant 0 : i32
      %sign3A_1052 = arith.cmpi sgt, %jit3A_1042, %sign3A_1051 : i32
      %sign3A_1053 = arith.extui %sign3A_1052 : i1 to i32
      %sign3A_1054 = arith.constant 0 : i32
      %sign3A_1055 = arith.cmpi slt, %jit3A_1042, %sign3A_1054 : i32
      %sign3A_1056 = arith.extui %sign3A_1055 : i1 to i32
      %sign3A_1057 = arith.subi %sign3A_1053, %sign3A_1056 : i32
      %ne3A_1058 = arith.cmpi ne, %sign3A_1050, %sign3A_1057 : i32
      %rem3A_1059 = arith.remsi %add3A_1041, %jit3A_1042 : i32
      %ne3A_1060 = arith.constant 0 : i32
      %ne3A_1061 = arith.cmpi ne, %rem3A_1059, %ne3A_1060 : i32
      %and3A_1062 = arith.andi %ne3A_1058, %ne3A_1061 : i1
      %sub3A_1063 = arith.constant 1 : i32
      %sub3A_1064 = arith.subi %div3A_1043, %sub3A_1063 : i32
      %select_n3A_1065 = arith.select %and3A_1062, %sub3A_1064, %div3A_1043 : i32
      %add3A_1066 = arith.addi %mul3A_2, %select_n3A_1065 : i32
      %dma_start3A_1067 = arith.constant 3 : i32
      %dma_start3A_1068 = arith.constant 7 : i32
      %dma_start3A_1069 = arith.constant 0 : i32
      %dma_start3A_1070 = arith.constant 0 : i32
      %dma_start3A_1071 = tpu.memref_slice %arg7[%dma_start3A_1067, %dma_start3A_1069, %dma_start3A_1070] : memref<4x72x64xf32, #tpu.memory_space<vmem>> -> memref<1x72x64xf32, #tpu.memory_space<vmem>>
      %dma_start3A_1072 = tpu.memref_squeeze %dma_start3A_1071 : memref<1x72x64xf32, #tpu.memory_space<vmem>> -> memref<72x64xf32, #tpu.memory_space<vmem>>
      %dma_start3A_1073 = arith.constant 128 : i32
      %dma_start3A_1074 = arith.constant 0 : i32
      %dma_start3A_1075 = tpu.memref_slice %arg4[%add3A_1066, %dma_start3A_1073, %dma_start3A_1074] : memref<4096x200x64xf32, #tpu.memory_space<hbm>> -> memref<1x72x64xf32, #tpu.memory_space<hbm>>
      %dma_start3A_1076 = tpu.memref_squeeze %dma_start3A_1075 : memref<1x72x64xf32, #tpu.memory_space<hbm>> -> memref<72x64xf32, #tpu.memory_space<hbm>>
      %dma_start3A_1077 = tpu.memref_slice %arg9[%dma_start3A_1068] : memref<8x!tpu.dma_semaphore, #tpu.memory_space<semaphore_mem>> -> memref<1x!tpu.dma_semaphore, #tpu.memory_space<semaphore_mem>>
      %dma_start3A_1078 = tpu.memref_squeeze %dma_start3A_1077 : memref<1x!tpu.dma_semaphore, #tpu.memory_space<semaphore_mem>> -> memref<!tpu.dma_semaphore, #tpu.memory_space<semaphore_mem>>
      %dma_start3A_1079 = arith.constant 128 : i32
      %dma_start3A_1080 = arith.constant 0 : i32
      %dma_start3A_1081 = tpu.memref_slice %arg4[%add3A_1066, %dma_start3A_1079, %dma_start3A_1080] : memref<4096x200x64xf32, #tpu.memory_space<hbm>> -> memref<1x72x64xf32, #tpu.memory_space<hbm>>
      %dma_start3A_1082 = tpu.memref_squeeze %dma_start3A_1081 : memref<1x72x64xf32, #tpu.memory_space<hbm>> -> memref<72x64xf32, #tpu.memory_space<hbm>>
      %dma_start3A_1083 = arith.constant 0 : i32
      %dma_start3A_1084 = arith.constant 0 : i32
      %dma_start3A_1085 = tpu.memref_slice %arg7[%dma_start3A_1067, %dma_start3A_1083, %dma_start3A_1084] : memref<4x72x64xf32, #tpu.memory_space<vmem>> -> memref<1x72x64xf32, #tpu.memory_space<vmem>>
      %dma_start3A_1086 = tpu.memref_squeeze %dma_start3A_1085 : memref<1x72x64xf32, #tpu.memory_space<vmem>> -> memref<72x64xf32, #tpu.memory_space<vmem>>
      tpu.enqueue_dma source(%dma_start3A_1086 : memref<72x64xf32, #tpu.memory_space<vmem>>) target(%dma_start3A_1082 : memref<72x64xf32, #tpu.memory_space<hbm>>) target_semaphore(%dma_start3A_1078 : memref<!tpu.dma_semaphore, #tpu.memory_space<semaphore_mem>>)
      %dma_wait3A_1087 = arith.constant 0 : i32
      %dma_wait3A_1088 = arith.constant 0 : i32
      %dma_wait3A_1089 = arith.constant 0 : i32
      %dma_wait3A_1090 = arith.constant 0 : i32
      %dma_wait3A_1091 = tpu.memref_slice %arg6[%dma_wait3A_1087, %dma_wait3A_1089, %dma_wait3A_1090] : memref<4x128x64xf32, #tpu.memory_space<vmem>> -> memref<1x128x64xf32, #tpu.memory_space<vmem>>
      %dma_wait3A_1092 = tpu.memref_squeeze %dma_wait3A_1091 : memref<1x128x64xf32, #tpu.memory_space<vmem>> -> memref<128x64xf32, #tpu.memory_space<vmem>>
      %dma_wait3A_1093 = arith.constant 0 : i32
      %dma_wait3A_1094 = arith.constant 0 : i32
      %dma_wait3A_1095 = tpu.memref_slice %arg4[%mul3A_2, %dma_wait3A_1093, %dma_wait3A_1094] : memref<4096x200x64xf32, #tpu.memory_space<hbm>> -> memref<1x128x64xf32, #tpu.memory_space<hbm>>
      %dma_wait3A_1096 = tpu.memref_squeeze %dma_wait3A_1095 : memref<1x128x64xf32, #tpu.memory_space<hbm>> -> memref<128x64xf32, #tpu.memory_space<hbm>>
      %dma_wait3A_1097 = tpu.memref_slice %arg9[%dma_wait3A_1088] : memref<8x!tpu.dma_semaphore, #tpu.memory_space<semaphore_mem>> -> memref<1x!tpu.dma_semaphore, #tpu.memory_space<semaphore_mem>>
      %dma_wait3A_1098 = tpu.memref_squeeze %dma_wait3A_1097 : memref<1x!tpu.dma_semaphore, #tpu.memory_space<semaphore_mem>> -> memref<!tpu.dma_semaphore, #tpu.memory_space<semaphore_mem>>
      %dma_wait3A_1099 = arith.constant 0 : i32
      %dma_wait3A_1100 = arith.constant 0 : i32
      %dma_wait3A_1101 = tpu.memref_slice %arg4[%mul3A_2, %dma_wait3A_1099, %dma_wait3A_1100] : memref<4096x200x64xf32, #tpu.memory_space<hbm>> -> memref<1x128x64xf32, #tpu.memory_space<hbm>>
      %dma_wait3A_1102 = tpu.memref_squeeze %dma_wait3A_1101 : memref<1x128x64xf32, #tpu.memory_space<hbm>> -> memref<128x64xf32, #tpu.memory_space<hbm>>
      %dma_wait3A_1103 = arith.constant 0 : i32
      %dma_wait3A_1104 = arith.constant 0 : i32
      %dma_wait3A_1105 = tpu.memref_slice %arg6[%dma_wait3A_1087, %dma_wait3A_1103, %dma_wait3A_1104] : memref<4x128x64xf32, #tpu.memory_space<vmem>> -> memref<1x128x64xf32, #tpu.memory_space<vmem>>
      %dma_wait3A_1106 = tpu.memref_squeeze %dma_wait3A_1105 : memref<1x128x64xf32, #tpu.memory_space<vmem>> -> memref<128x64xf32, #tpu.memory_space<vmem>>
      tpu.wait_dma2 semaphore(%dma_wait3A_1098 : memref<!tpu.dma_semaphore, #tpu.memory_space<semaphore_mem>>) src(%dma_wait3A_1106 : memref<128x64xf32, #tpu.memory_space<vmem>>) dst(%dma_wait3A_1102 : memref<128x64xf32, #tpu.memory_space<hbm>>)
      %add3A_1107 = arith.constant 1 : i32
      %add3A_1108 = arith.addi %scan3A_582, %add3A_1107 : i32
      %mul3A_1109 = arith.constant 8 : i32
      %mul3A_1110 = arith.muli %add3A_1108, %mul3A_1109 : i32
      %add3A_1111 = arith.constant 0 : i32
      %add3A_1112 = arith.addi %mul3A_1110, %add3A_1111 : i32
      %jit3A_1113 = arith.constant 2 : i32
      %div3A_1114 = arith.divsi %add3A_1112, %jit3A_1113 : i32
      %sign3A_1115 = arith.constant 0 : i32
      %sign3A_1116 = arith.cmpi sgt, %add3A_1112, %sign3A_1115 : i32
      %sign3A_1117 = arith.extui %sign3A_1116 : i1 to i32
      %sign3A_1118 = arith.constant 0 : i32
      %sign3A_1119 = arith.cmpi slt, %add3A_1112, %sign3A_1118 : i32
      %sign3A_1120 = arith.extui %sign3A_1119 : i1 to i32
      %sign3A_1121 = arith.subi %sign3A_1117, %sign3A_1120 : i32
      %sign3A_1122 = arith.constant 0 : i32
      %sign3A_1123 = arith.cmpi sgt, %jit3A_1113, %sign3A_1122 : i32
      %sign3A_1124 = arith.extui %sign3A_1123 : i1 to i32
      %sign3A_1125 = arith.constant 0 : i32
      %sign3A_1126 = arith.cmpi slt, %jit3A_1113, %sign3A_1125 : i32
      %sign3A_1127 = arith.extui %sign3A_1126 : i1 to i32
      %sign3A_1128 = arith.subi %sign3A_1124, %sign3A_1127 : i32
      %ne3A_1129 = arith.cmpi ne, %sign3A_1121, %sign3A_1128 : i32
      %rem3A_1130 = arith.remsi %add3A_1112, %jit3A_1113 : i32
      %ne3A_1131 = arith.constant 0 : i32
      %ne3A_1132 = arith.cmpi ne, %rem3A_1130, %ne3A_1131 : i32
      %and3A_1133 = arith.andi %ne3A_1129, %ne3A_1132 : i1
      %sub3A_1134 = arith.constant 1 : i32
      %sub3A_1135 = arith.subi %div3A_1114, %sub3A_1134 : i32
      %select_n3A_1136 = arith.select %and3A_1133, %sub3A_1135, %div3A_1114 : i32
      %dma_start3A_1137 = arith.constant 0 : i32
      %dma_start3A_1138 = arith.constant 0 : i32
      %dma_start3A_1139 = arith.constant 0 : i32
      %dma_start3A_1140 = arith.constant 0 : i32
      %dma_start3A_1141 = tpu.memref_slice %arg6[%dma_start3A_1137, %dma_start3A_1139, %dma_start3A_1140] : memref<4x128x64xf32, #tpu.memory_space<vmem>> -> memref<1x128x64xf32, #tpu.memory_space<vmem>>
      %dma_start3A_1142 = tpu.memref_squeeze %dma_start3A_1141 : memref<1x128x64xf32, #tpu.memory_space<vmem>> -> memref<128x64xf32, #tpu.memory_space<vmem>>
      %dma_start3A_1143 = arith.constant 0 : i32
      %dma_start3A_1144 = tpu.memref_slice %arg5[%select_n3A_1136, %dma_start3A_1143] : memref<128x200xi32, #tpu.memory_space<vmem>> -> memref<1x128xi32, #tpu.memory_space<vmem>>
      %dma_start3A_1145 = tpu.memref_squeeze %dma_start3A_1144 : memref<1x128xi32, #tpu.memory_space<vmem>> -> memref<128xi32, #tpu.memory_space<vmem>>
      %dma_start3A_1146 = arith.constant 0 : i32
      %dma_start3A_1147 = arith.constant 0 : i32
      %dma_start3A_1148 = tpu.memref_slice %arg3[%dma_start3A_1146, %dma_start3A_1147] : memref<1000000x64xf32, #tpu.memory_space<hbm>> -> memref<1000000x64xf32, #tpu.memory_space<hbm>>
      %dma_start3A_1149 = tpu.memref_slice %arg8[%dma_start3A_1138] : memref<8x!tpu.dma_semaphore, #tpu.memory_space<semaphore_mem>> -> memref<1x!tpu.dma_semaphore, #tpu.memory_space<semaphore_mem>>
      %dma_start3A_1150 = tpu.memref_squeeze %dma_start3A_1149 : memref<1x!tpu.dma_semaphore, #tpu.memory_space<semaphore_mem>> -> memref<!tpu.dma_semaphore, #tpu.memory_space<semaphore_mem>>
      tpu.enqueue_indirect_dma source(%dma_start3A_1148 : memref<1000000x64xf32, #tpu.memory_space<hbm>>) target(%dma_start3A_1142 : memref<128x64xf32, #tpu.memory_space<vmem>>) offsets(%dma_start3A_1145 : memref<128xi32, #tpu.memory_space<vmem>>) semaphore(%dma_start3A_1150 : memref<!tpu.dma_semaphore, #tpu.memory_space<semaphore_mem>>)
      %dma_wait3A_1151 = arith.constant 0 : i32
      %dma_wait3A_1152 = arith.constant 1 : i32
      %dma_wait3A_1153 = arith.constant 0 : i32
      %dma_wait3A_1154 = arith.constant 0 : i32
      %dma_wait3A_1155 = tpu.memref_slice %arg7[%dma_wait3A_1151, %dma_wait3A_1153, %dma_wait3A_1154] : memref<4x72x64xf32, #tpu.memory_space<vmem>> -> memref<1x72x64xf32, #tpu.memory_space<vmem>>
      %dma_wait3A_1156 = tpu.memref_squeeze %dma_wait3A_1155 : memref<1x72x64xf32, #tpu.memory_space<vmem>> -> memref<72x64xf32, #tpu.memory_space<vmem>>
      %dma_wait3A_1157 = arith.constant 128 : i32
      %dma_wait3A_1158 = arith.constant 0 : i32
      %dma_wait3A_1159 = tpu.memref_slice %arg4[%mul3A_2, %dma_wait3A_1157, %dma_wait3A_1158] : memref<4096x200x64xf32, #tpu.memory_space<hbm>> -> memref<1x72x64xf32, #tpu.memory_space<hbm>>
      %dma_wait3A_1160 = tpu.memref_squeeze %dma_wait3A_1159 : memref<1x72x64xf32, #tpu.memory_space<hbm>> -> memref<72x64xf32, #tpu.memory_space<hbm>>
      %dma_wait3A_1161 = tpu.memref_slice %arg9[%dma_wait3A_1152] : memref<8x!tpu.dma_semaphore, #tpu.memory_space<semaphore_mem>> -> memref<1x!tpu.dma_semaphore, #tpu.memory_space<semaphore_mem>>
      %dma_wait3A_1162 = tpu.memref_squeeze %dma_wait3A_1161 : memref<1x!tpu.dma_semaphore, #tpu.memory_space<semaphore_mem>> -> memref<!tpu.dma_semaphore, #tpu.memory_space<semaphore_mem>>
      %dma_wait3A_1163 = arith.constant 128 : i32
      %dma_wait3A_1164 = arith.constant 0 : i32
      %dma_wait3A_1165 = tpu.memref_slice %arg4[%mul3A_2, %dma_wait3A_1163, %dma_wait3A_1164] : memref<4096x200x64xf32, #tpu.memory_space<hbm>> -> memref<1x72x64xf32, #tpu.memory_space<hbm>>
      %dma_wait3A_1166 = tpu.memref_squeeze %dma_wait3A_1165 : memref<1x72x64xf32, #tpu.memory_space<hbm>> -> memref<72x64xf32, #tpu.memory_space<hbm>>
      %dma_wait3A_1167 = arith.constant 0 : i32
      %dma_wait3A_1168 = arith.constant 0 : i32
      %dma_wait3A_1169 = tpu.memref_slice %arg7[%dma_wait3A_1151, %dma_wait3A_1167, %dma_wait3A_1168] : memref<4x72x64xf32, #tpu.memory_space<vmem>> -> memref<1x72x64xf32, #tpu.memory_space<vmem>>
      %dma_wait3A_1170 = tpu.memref_squeeze %dma_wait3A_1169 : memref<1x72x64xf32, #tpu.memory_space<vmem>> -> memref<72x64xf32, #tpu.memory_space<vmem>>
      tpu.wait_dma2 semaphore(%dma_wait3A_1162 : memref<!tpu.dma_semaphore, #tpu.memory_space<semaphore_mem>>) src(%dma_wait3A_1170 : memref<72x64xf32, #tpu.memory_space<vmem>>) dst(%dma_wait3A_1166 : memref<72x64xf32, #tpu.memory_space<hbm>>)
      %add3A_1171 = arith.constant 1 : i32
      %add3A_1172 = arith.addi %scan3A_582, %add3A_1171 : i32
      %mul3A_1173 = arith.constant 8 : i32
      %mul3A_1174 = arith.muli %add3A_1172, %mul3A_1173 : i32
      %add3A_1175 = arith.constant 1 : i32
      %add3A_1176 = arith.addi %mul3A_1174, %add3A_1175 : i32
      %jit3A_1177 = arith.constant 2 : i32
      %div3A_1178 = arith.divsi %add3A_1176, %jit3A_1177 : i32
      %sign3A_1179 = arith.constant 0 : i32
      %sign3A_1180 = arith.cmpi sgt, %add3A_1176, %sign3A_1179 : i32
      %sign3A_1181 = arith.extui %sign3A_1180 : i1 to i32
      %sign3A_1182 = arith.constant 0 : i32
      %sign3A_1183 = arith.cmpi slt, %add3A_1176, %sign3A_1182 : i32
      %sign3A_1184 = arith.extui %sign3A_1183 : i1 to i32
      %sign3A_1185 = arith.subi %sign3A_1181, %sign3A_1184 : i32
      %sign3A_1186 = arith.constant 0 : i32
      %sign3A_1187 = arith.cmpi sgt, %jit3A_1177, %sign3A_1186 : i32
      %sign3A_1188 = arith.extui %sign3A_1187 : i1 to i32
      %sign3A_1189 = arith.constant 0 : i32
      %sign3A_1190 = arith.cmpi slt, %jit3A_1177, %sign3A_1189 : i32
      %sign3A_1191 = arith.extui %sign3A_1190 : i1 to i32
      %sign3A_1192 = arith.subi %sign3A_1188, %sign3A_1191 : i32
      %ne3A_1193 = arith.cmpi ne, %sign3A_1185, %sign3A_1192 : i32
      %rem3A_1194 = arith.remsi %add3A_1176, %jit3A_1177 : i32
      %ne3A_1195 = arith.constant 0 : i32
      %ne3A_1196 = arith.cmpi ne, %rem3A_1194, %ne3A_1195 : i32
      %and3A_1197 = arith.andi %ne3A_1193, %ne3A_1196 : i1
      %sub3A_1198 = arith.constant 1 : i32
      %sub3A_1199 = arith.subi %div3A_1178, %sub3A_1198 : i32
      %select_n3A_1200 = arith.select %and3A_1197, %sub3A_1199, %div3A_1178 : i32
      %dma_start3A_1201 = arith.constant 0 : i32
      %dma_start3A_1202 = arith.constant 1 : i32
      %dma_start3A_1203 = arith.constant 0 : i32
      %dma_start3A_1204 = arith.constant 0 : i32
      %dma_start3A_1205 = tpu.memref_slice %arg7[%dma_start3A_1201, %dma_start3A_1203, %dma_start3A_1204] : memref<4x72x64xf32, #tpu.memory_space<vmem>> -> memref<1x72x64xf32, #tpu.memory_space<vmem>>
      %dma_start3A_1206 = tpu.memref_squeeze %dma_start3A_1205 : memref<1x72x64xf32, #tpu.memory_space<vmem>> -> memref<72x64xf32, #tpu.memory_space<vmem>>
      %dma_start3A_1207 = arith.constant 128 : i32
      %dma_start3A_1208 = tpu.memref_slice %arg5[%select_n3A_1200, %dma_start3A_1207] : memref<128x200xi32, #tpu.memory_space<vmem>> -> memref<1x72xi32, #tpu.memory_space<vmem>>
      %dma_start3A_1209 = tpu.memref_squeeze %dma_start3A_1208 : memref<1x72xi32, #tpu.memory_space<vmem>> -> memref<72xi32, #tpu.memory_space<vmem>>
      %dma_start3A_1210 = arith.constant 0 : i32
      %dma_start3A_1211 = arith.constant 0 : i32
      %dma_start3A_1212 = tpu.memref_slice %arg3[%dma_start3A_1210, %dma_start3A_1211] : memref<1000000x64xf32, #tpu.memory_space<hbm>> -> memref<1000000x64xf32, #tpu.memory_space<hbm>>
      %dma_start3A_1213 = tpu.memref_slice %arg8[%dma_start3A_1202] : memref<8x!tpu.dma_semaphore, #tpu.memory_space<semaphore_mem>> -> memref<1x!tpu.dma_semaphore, #tpu.memory_space<semaphore_mem>>
      %dma_start3A_1214 = tpu.memref_squeeze %dma_start3A_1213 : memref<1x!tpu.dma_semaphore, #tpu.memory_space<semaphore_mem>> -> memref<!tpu.dma_semaphore, #tpu.memory_space<semaphore_mem>>
      tpu.enqueue_indirect_dma source(%dma_start3A_1212 : memref<1000000x64xf32, #tpu.memory_space<hbm>>) target(%dma_start3A_1206 : memref<72x64xf32, #tpu.memory_space<vmem>>) offsets(%dma_start3A_1209 : memref<72xi32, #tpu.memory_space<vmem>>) semaphore(%dma_start3A_1214 : memref<!tpu.dma_semaphore, #tpu.memory_space<semaphore_mem>>)
      %dma_wait3A_1215 = arith.constant 1 : i32
      %dma_wait3A_1216 = arith.constant 2 : i32
      %dma_wait3A_1217 = arith.constant 0 : i32
      %dma_wait3A_1218 = arith.constant 0 : i32
      %dma_wait3A_1219 = tpu.memref_slice %arg6[%dma_wait3A_1215, %dma_wait3A_1217, %dma_wait3A_1218] : memref<4x128x64xf32, #tpu.memory_space<vmem>> -> memref<1x128x64xf32, #tpu.memory_space<vmem>>
      %dma_wait3A_1220 = tpu.memref_squeeze %dma_wait3A_1219 : memref<1x128x64xf32, #tpu.memory_space<vmem>> -> memref<128x64xf32, #tpu.memory_space<vmem>>
      %dma_wait3A_1221 = arith.constant 0 : i32
      %dma_wait3A_1222 = arith.constant 0 : i32
      %dma_wait3A_1223 = tpu.memref_slice %arg4[%mul3A_2, %dma_wait3A_1221, %dma_wait3A_1222] : memref<4096x200x64xf32, #tpu.memory_space<hbm>> -> memref<1x128x64xf32, #tpu.memory_space<hbm>>
      %dma_wait3A_1224 = tpu.memref_squeeze %dma_wait3A_1223 : memref<1x128x64xf32, #tpu.memory_space<hbm>> -> memref<128x64xf32, #tpu.memory_space<hbm>>
      %dma_wait3A_1225 = tpu.memref_slice %arg9[%dma_wait3A_1216] : memref<8x!tpu.dma_semaphore, #tpu.memory_space<semaphore_mem>> -> memref<1x!tpu.dma_semaphore, #tpu.memory_space<semaphore_mem>>
      %dma_wait3A_1226 = tpu.memref_squeeze %dma_wait3A_1225 : memref<1x!tpu.dma_semaphore, #tpu.memory_space<semaphore_mem>> -> memref<!tpu.dma_semaphore, #tpu.memory_space<semaphore_mem>>
      %dma_wait3A_1227 = arith.constant 0 : i32
      %dma_wait3A_1228 = arith.constant 0 : i32
      %dma_wait3A_1229 = tpu.memref_slice %arg4[%mul3A_2, %dma_wait3A_1227, %dma_wait3A_1228] : memref<4096x200x64xf32, #tpu.memory_space<hbm>> -> memref<1x128x64xf32, #tpu.memory_space<hbm>>
      %dma_wait3A_1230 = tpu.memref_squeeze %dma_wait3A_1229 : memref<1x128x64xf32, #tpu.memory_space<hbm>> -> memref<128x64xf32, #tpu.memory_space<hbm>>
      %dma_wait3A_1231 = arith.constant 0 : i32
      %dma_wait3A_1232 = arith.constant 0 : i32
      %dma_wait3A_1233 = tpu.memref_slice %arg6[%dma_wait3A_1215, %dma_wait3A_1231, %dma_wait3A_1232] : memref<4x128x64xf32, #tpu.memory_space<vmem>> -> memref<1x128x64xf32, #tpu.memory_space<vmem>>
      %dma_wait3A_1234 = tpu.memref_squeeze %dma_wait3A_1233 : memref<1x128x64xf32, #tpu.memory_space<vmem>> -> memref<128x64xf32, #tpu.memory_space<vmem>>
      tpu.wait_dma2 semaphore(%dma_wait3A_1226 : memref<!tpu.dma_semaphore, #tpu.memory_space<semaphore_mem>>) src(%dma_wait3A_1234 : memref<128x64xf32, #tpu.memory_space<vmem>>) dst(%dma_wait3A_1230 : memref<128x64xf32, #tpu.memory_space<hbm>>)
      %add3A_1235 = arith.constant 1 : i32
      %add3A_1236 = arith.addi %scan3A_582, %add3A_1235 : i32
      %mul3A_1237 = arith.constant 8 : i32
      %mul3A_1238 = arith.muli %add3A_1236, %mul3A_1237 : i32
      %add3A_1239 = arith.constant 2 : i32
      %add3A_1240 = arith.addi %mul3A_1238, %add3A_1239 : i32
      %jit3A_1241 = arith.constant 2 : i32
      %div3A_1242 = arith.divsi %add3A_1240, %jit3A_1241 : i32
      %sign3A_1243 = arith.constant 0 : i32
      %sign3A_1244 = arith.cmpi sgt, %add3A_1240, %sign3A_1243 : i32
      %sign3A_1245 = arith.extui %sign3A_1244 : i1 to i32
      %sign3A_1246 = arith.constant 0 : i32
      %sign3A_1247 = arith.cmpi slt, %add3A_1240, %sign3A_1246 : i32
      %sign3A_1248 = arith.extui %sign3A_1247 : i1 to i32
      %sign3A_1249 = arith.subi %sign3A_1245, %sign3A_1248 : i32
      %sign3A_1250 = arith.constant 0 : i32
      %sign3A_1251 = arith.cmpi sgt, %jit3A_1241, %sign3A_1250 : i32
      %sign3A_1252 = arith.extui %sign3A_1251 : i1 to i32
      %sign3A_1253 = arith.constant 0 : i32
      %sign3A_1254 = arith.cmpi slt, %jit3A_1241, %sign3A_1253 : i32
      %sign3A_1255 = arith.extui %sign3A_1254 : i1 to i32
      %sign3A_1256 = arith.subi %sign3A_1252, %sign3A_1255 : i32
      %ne3A_1257 = arith.cmpi ne, %sign3A_1249, %sign3A_1256 : i32
      %rem3A_1258 = arith.remsi %add3A_1240, %jit3A_1241 : i32
      %ne3A_1259 = arith.constant 0 : i32
      %ne3A_1260 = arith.cmpi ne, %rem3A_1258, %ne3A_1259 : i32
      %and3A_1261 = arith.andi %ne3A_1257, %ne3A_1260 : i1
      %sub3A_1262 = arith.constant 1 : i32
      %sub3A_1263 = arith.subi %div3A_1242, %sub3A_1262 : i32
      %select_n3A_1264 = arith.select %and3A_1261, %sub3A_1263, %div3A_1242 : i32
      %dma_start3A_1265 = arith.constant 1 : i32
      %dma_start3A_1266 = arith.constant 2 : i32
      %dma_start3A_1267 = arith.constant 0 : i32
      %dma_start3A_1268 = arith.constant 0 : i32
      %dma_start3A_1269 = tpu.memref_slice %arg6[%dma_start3A_1265, %dma_start3A_1267, %dma_start3A_1268] : memref<4x128x64xf32, #tpu.memory_space<vmem>> -> memref<1x128x64xf32, #tpu.memory_space<vmem>>
      %dma_start3A_1270 = tpu.memref_squeeze %dma_start3A_1269 : memref<1x128x64xf32, #tpu.memory_space<vmem>> -> memref<128x64xf32, #tpu.memory_space<vmem>>
      %dma_start3A_1271 = arith.constant 0 : i32
      %dma_start3A_1272 = tpu.memref_slice %arg5[%select_n3A_1264, %dma_start3A_1271] : memref<128x200xi32, #tpu.memory_space<vmem>> -> memref<1x128xi32, #tpu.memory_space<vmem>>
      %dma_start3A_1273 = tpu.memref_squeeze %dma_start3A_1272 : memref<1x128xi32, #tpu.memory_space<vmem>> -> memref<128xi32, #tpu.memory_space<vmem>>
      %dma_start3A_1274 = arith.constant 0 : i32
      %dma_start3A_1275 = arith.constant 0 : i32
      %dma_start3A_1276 = tpu.memref_slice %arg3[%dma_start3A_1274, %dma_start3A_1275] : memref<1000000x64xf32, #tpu.memory_space<hbm>> -> memref<1000000x64xf32, #tpu.memory_space<hbm>>
      %dma_start3A_1277 = tpu.memref_slice %arg8[%dma_start3A_1266] : memref<8x!tpu.dma_semaphore, #tpu.memory_space<semaphore_mem>> -> memref<1x!tpu.dma_semaphore, #tpu.memory_space<semaphore_mem>>
      %dma_start3A_1278 = tpu.memref_squeeze %dma_start3A_1277 : memref<1x!tpu.dma_semaphore, #tpu.memory_space<semaphore_mem>> -> memref<!tpu.dma_semaphore, #tpu.memory_space<semaphore_mem>>
      tpu.enqueue_indirect_dma source(%dma_start3A_1276 : memref<1000000x64xf32, #tpu.memory_space<hbm>>) target(%dma_start3A_1270 : memref<128x64xf32, #tpu.memory_space<vmem>>) offsets(%dma_start3A_1273 : memref<128xi32, #tpu.memory_space<vmem>>) semaphore(%dma_start3A_1278 : memref<!tpu.dma_semaphore, #tpu.memory_space<semaphore_mem>>)
      %dma_wait3A_1279 = arith.constant 1 : i32
      %dma_wait3A_1280 = arith.constant 3 : i32
      %dma_wait3A_1281 = arith.constant 0 : i32
      %dma_wait3A_1282 = arith.constant 0 : i32
      %dma_wait3A_1283 = tpu.memref_slice %arg7[%dma_wait3A_1279, %dma_wait3A_1281, %dma_wait3A_1282] : memref<4x72x64xf32, #tpu.memory_space<vmem>> -> memref<1x72x64xf32, #tpu.memory_space<vmem>>
      %dma_wait3A_1284 = tpu.memref_squeeze %dma_wait3A_1283 : memref<1x72x64xf32, #tpu.memory_space<vmem>> -> memref<72x64xf32, #tpu.memory_space<vmem>>
      %dma_wait3A_1285 = arith.constant 128 : i32
      %dma_wait3A_1286 = arith.constant 0 : i32
      %dma_wait3A_1287 = tpu.memref_slice %arg4[%mul3A_2, %dma_wait3A_1285, %dma_wait3A_1286] : memref<4096x200x64xf32, #tpu.memory_space<hbm>> -> memref<1x72x64xf32, #tpu.memory_space<hbm>>
      %dma_wait3A_1288 = tpu.memref_squeeze %dma_wait3A_1287 : memref<1x72x64xf32, #tpu.memory_space<hbm>> -> memref<72x64xf32, #tpu.memory_space<hbm>>
      %dma_wait3A_1289 = tpu.memref_slice %arg9[%dma_wait3A_1280] : memref<8x!tpu.dma_semaphore, #tpu.memory_space<semaphore_mem>> -> memref<1x!tpu.dma_semaphore, #tpu.memory_space<semaphore_mem>>
      %dma_wait3A_1290 = tpu.memref_squeeze %dma_wait3A_1289 : memref<1x!tpu.dma_semaphore, #tpu.memory_space<semaphore_mem>> -> memref<!tpu.dma_semaphore, #tpu.memory_space<semaphore_mem>>
      %dma_wait3A_1291 = arith.constant 128 : i32
      %dma_wait3A_1292 = arith.constant 0 : i32
      %dma_wait3A_1293 = tpu.memref_slice %arg4[%mul3A_2, %dma_wait3A_1291, %dma_wait3A_1292] : memref<4096x200x64xf32, #tpu.memory_space<hbm>> -> memref<1x72x64xf32, #tpu.memory_space<hbm>>
      %dma_wait3A_1294 = tpu.memref_squeeze %dma_wait3A_1293 : memref<1x72x64xf32, #tpu.memory_space<hbm>> -> memref<72x64xf32, #tpu.memory_space<hbm>>
      %dma_wait3A_1295 = arith.constant 0 : i32
      %dma_wait3A_1296 = arith.constant 0 : i32
      %dma_wait3A_1297 = tpu.memref_slice %arg7[%dma_wait3A_1279, %dma_wait3A_1295, %dma_wait3A_1296] : memref<4x72x64xf32, #tpu.memory_space<vmem>> -> memref<1x72x64xf32, #tpu.memory_space<vmem>>
      %dma_wait3A_1298 = tpu.memref_squeeze %dma_wait3A_1297 : memref<1x72x64xf32, #tpu.memory_space<vmem>> -> memref<72x64xf32, #tpu.memory_space<vmem>>
      tpu.wait_dma2 semaphore(%dma_wait3A_1290 : memref<!tpu.dma_semaphore, #tpu.memory_space<semaphore_mem>>) src(%dma_wait3A_1298 : memref<72x64xf32, #tpu.memory_space<vmem>>) dst(%dma_wait3A_1294 : memref<72x64xf32, #tpu.memory_space<hbm>>)
      %add3A_1299 = arith.constant 1 : i32
      %add3A_1300 = arith.addi %scan3A_582, %add3A_1299 : i32
      %mul3A_1301 = arith.constant 8 : i32
      %mul3A_1302 = arith.muli %add3A_1300, %mul3A_1301 : i32
      %add3A_1303 = arith.constant 3 : i32
      %add3A_1304 = arith.addi %mul3A_1302, %add3A_1303 : i32
      %jit3A_1305 = arith.constant 2 : i32
      %div3A_1306 = arith.divsi %add3A_1304, %jit3A_1305 : i32
      %sign3A_1307 = arith.constant 0 : i32
      %sign3A_1308 = arith.cmpi sgt, %add3A_1304, %sign3A_1307 : i32
      %sign3A_1309 = arith.extui %sign3A_1308 : i1 to i32
      %sign3A_1310 = arith.constant 0 : i32
      %sign3A_1311 = arith.cmpi slt, %add3A_1304, %sign3A_1310 : i32
      %sign3A_1312 = arith.extui %sign3A_1311 : i1 to i32
      %sign3A_1313 = arith.subi %sign3A_1309, %sign3A_1312 : i32
      %sign3A_1314 = arith.constant 0 : i32
      %sign3A_1315 = arith.cmpi sgt, %jit3A_1305, %sign3A_1314 : i32
      %sign3A_1316 = arith.extui %sign3A_1315 : i1 to i32
      %sign3A_1317 = arith.constant 0 : i32
      %sign3A_1318 = arith.cmpi slt, %jit3A_1305, %sign3A_1317 : i32
      %sign3A_1319 = arith.extui %sign3A_1318 : i1 to i32
      %sign3A_1320 = arith.subi %sign3A_1316, %sign3A_1319 : i32
      %ne3A_1321 = arith.cmpi ne, %sign3A_1313, %sign3A_1320 : i32
      %rem3A_1322 = arith.remsi %add3A_1304, %jit3A_1305 : i32
      %ne3A_1323 = arith.constant 0 : i32
      %ne3A_1324 = arith.cmpi ne, %rem3A_1322, %ne3A_1323 : i32
      %and3A_1325 = arith.andi %ne3A_1321, %ne3A_1324 : i1
      %sub3A_1326 = arith.constant 1 : i32
      %sub3A_1327 = arith.subi %div3A_1306, %sub3A_1326 : i32
      %select_n3A_1328 = arith.select %and3A_1325, %sub3A_1327, %div3A_1306 : i32
      %dma_start3A_1329 = arith.constant 1 : i32
      %dma_start3A_1330 = arith.constant 3 : i32
      %dma_start3A_1331 = arith.constant 0 : i32
      %dma_start3A_1332 = arith.constant 0 : i32
      %dma_start3A_1333 = tpu.memref_slice %arg7[%dma_start3A_1329, %dma_start3A_1331, %dma_start3A_1332] : memref<4x72x64xf32, #tpu.memory_space<vmem>> -> memref<1x72x64xf32, #tpu.memory_space<vmem>>
      %dma_start3A_1334 = tpu.memref_squeeze %dma_start3A_1333 : memref<1x72x64xf32, #tpu.memory_space<vmem>> -> memref<72x64xf32, #tpu.memory_space<vmem>>
      %dma_start3A_1335 = arith.constant 128 : i32
      %dma_start3A_1336 = tpu.memref_slice %arg5[%select_n3A_1328, %dma_start3A_1335] : memref<128x200xi32, #tpu.memory_space<vmem>> -> memref<1x72xi32, #tpu.memory_space<vmem>>
      %dma_start3A_1337 = tpu.memref_squeeze %dma_start3A_1336 : memref<1x72xi32, #tpu.memory_space<vmem>> -> memref<72xi32, #tpu.memory_space<vmem>>
      %dma_start3A_1338 = arith.constant 0 : i32
      %dma_start3A_1339 = arith.constant 0 : i32
      %dma_start3A_1340 = tpu.memref_slice %arg3[%dma_start3A_1338, %dma_start3A_1339] : memref<1000000x64xf32, #tpu.memory_space<hbm>> -> memref<1000000x64xf32, #tpu.memory_space<hbm>>
      %dma_start3A_1341 = tpu.memref_slice %arg8[%dma_start3A_1330] : memref<8x!tpu.dma_semaphore, #tpu.memory_space<semaphore_mem>> -> memref<1x!tpu.dma_semaphore, #tpu.memory_space<semaphore_mem>>
      %dma_start3A_1342 = tpu.memref_squeeze %dma_start3A_1341 : memref<1x!tpu.dma_semaphore, #tpu.memory_space<semaphore_mem>> -> memref<!tpu.dma_semaphore, #tpu.memory_space<semaphore_mem>>
      tpu.enqueue_indirect_dma source(%dma_start3A_1340 : memref<1000000x64xf32, #tpu.memory_space<hbm>>) target(%dma_start3A_1334 : memref<72x64xf32, #tpu.memory_space<vmem>>) offsets(%dma_start3A_1337 : memref<72xi32, #tpu.memory_space<vmem>>) semaphore(%dma_start3A_1342 : memref<!tpu.dma_semaphore, #tpu.memory_space<semaphore_mem>>)
      %dma_wait3A_1343 = arith.constant 2 : i32
      %dma_wait3A_1344 = arith.constant 4 : i32
      %dma_wait3A_1345 = arith.constant 0 : i32
      %dma_wait3A_1346 = arith.constant 0 : i32
      %dma_wait3A_1347 = tpu.memref_slice %arg6[%dma_wait3A_1343, %dma_wait3A_1345, %dma_wait3A_1346] : memref<4x128x64xf32, #tpu.memory_space<vmem>> -> memref<1x128x64xf32, #tpu.memory_space<vmem>>
      %dma_wait3A_1348 = tpu.memref_squeeze %dma_wait3A_1347 : memref<1x128x64xf32, #tpu.memory_space<vmem>> -> memref<128x64xf32, #tpu.memory_space<vmem>>
      %dma_wait3A_1349 = arith.constant 0 : i32
      %dma_wait3A_1350 = arith.constant 0 : i32
      %dma_wait3A_1351 = tpu.memref_slice %arg4[%mul3A_2, %dma_wait3A_1349, %dma_wait3A_1350] : memref<4096x200x64xf32, #tpu.memory_space<hbm>> -> memref<1x128x64xf32, #tpu.memory_space<hbm>>
      %dma_wait3A_1352 = tpu.memref_squeeze %dma_wait3A_1351 : memref<1x128x64xf32, #tpu.memory_space<hbm>> -> memref<128x64xf32, #tpu.memory_space<hbm>>
      %dma_wait3A_1353 = tpu.memref_slice %arg9[%dma_wait3A_1344] : memref<8x!tpu.dma_semaphore, #tpu.memory_space<semaphore_mem>> -> memref<1x!tpu.dma_semaphore, #tpu.memory_space<semaphore_mem>>
      %dma_wait3A_1354 = tpu.memref_squeeze %dma_wait3A_1353 : memref<1x!tpu.dma_semaphore, #tpu.memory_space<semaphore_mem>> -> memref<!tpu.dma_semaphore, #tpu.memory_space<semaphore_mem>>
      %dma_wait3A_1355 = arith.constant 0 : i32
      %dma_wait3A_1356 = arith.constant 0 : i32
      %dma_wait3A_1357 = tpu.memref_slice %arg4[%mul3A_2, %dma_wait3A_1355, %dma_wait3A_1356] : memref<4096x200x64xf32, #tpu.memory_space<hbm>> -> memref<1x128x64xf32, #tpu.memory_space<hbm>>
      %dma_wait3A_1358 = tpu.memref_squeeze %dma_wait3A_1357 : memref<1x128x64xf32, #tpu.memory_space<hbm>> -> memref<128x64xf32, #tpu.memory_space<hbm>>
      %dma_wait3A_1359 = arith.constant 0 : i32
      %dma_wait3A_1360 = arith.constant 0 : i32
      %dma_wait3A_1361 = tpu.memref_slice %arg6[%dma_wait3A_1343, %dma_wait3A_1359, %dma_wait3A_1360] : memref<4x128x64xf32, #tpu.memory_space<vmem>> -> memref<1x128x64xf32, #tpu.memory_space<vmem>>
      %dma_wait3A_1362 = tpu.memref_squeeze %dma_wait3A_1361 : memref<1x128x64xf32, #tpu.memory_space<vmem>> -> memref<128x64xf32, #tpu.memory_space<vmem>>
      tpu.wait_dma2 semaphore(%dma_wait3A_1354 : memref<!tpu.dma_semaphore, #tpu.memory_space<semaphore_mem>>) src(%dma_wait3A_1362 : memref<128x64xf32, #tpu.memory_space<vmem>>) dst(%dma_wait3A_1358 : memref<128x64xf32, #tpu.memory_space<hbm>>)
      %add3A_1363 = arith.constant 1 : i32
      %add3A_1364 = arith.addi %scan3A_582, %add3A_1363 : i32
      %mul3A_1365 = arith.constant 8 : i32
      %mul3A_1366 = arith.muli %add3A_1364, %mul3A_1365 : i32
      %add3A_1367 = arith.constant 4 : i32
      %add3A_1368 = arith.addi %mul3A_1366, %add3A_1367 : i32
      %jit3A_1369 = arith.constant 2 : i32
      %div3A_1370 = arith.divsi %add3A_1368, %jit3A_1369 : i32
      %sign3A_1371 = arith.constant 0 : i32
      %sign3A_1372 = arith.cmpi sgt, %add3A_1368, %sign3A_1371 : i32
      %sign3A_1373 = arith.extui %sign3A_1372 : i1 to i32
      %sign3A_1374 = arith.constant 0 : i32
      %sign3A_1375 = arith.cmpi slt, %add3A_1368, %sign3A_1374 : i32
      %sign3A_1376 = arith.extui %sign3A_1375 : i1 to i32
      %sign3A_1377 = arith.subi %sign3A_1373, %sign3A_1376 : i32
      %sign3A_1378 = arith.constant 0 : i32
      %sign3A_1379 = arith.cmpi sgt, %jit3A_1369, %sign3A_1378 : i32
      %sign3A_1380 = arith.extui %sign3A_1379 : i1 to i32
      %sign3A_1381 = arith.constant 0 : i32
      %sign3A_1382 = arith.cmpi slt, %jit3A_1369, %sign3A_1381 : i32
      %sign3A_1383 = arith.extui %sign3A_1382 : i1 to i32
      %sign3A_1384 = arith.subi %sign3A_1380, %sign3A_1383 : i32
      %ne3A_1385 = arith.cmpi ne, %sign3A_1377, %sign3A_1384 : i32
      %rem3A_1386 = arith.remsi %add3A_1368, %jit3A_1369 : i32
      %ne3A_1387 = arith.constant 0 : i32
      %ne3A_1388 = arith.cmpi ne, %rem3A_1386, %ne3A_1387 : i32
      %and3A_1389 = arith.andi %ne3A_1385, %ne3A_1388 : i1
      %sub3A_1390 = arith.constant 1 : i32
      %sub3A_1391 = arith.subi %div3A_1370, %sub3A_1390 : i32
      %select_n3A_1392 = arith.select %and3A_1389, %sub3A_1391, %div3A_1370 : i32
      %dma_start3A_1393 = arith.constant 2 : i32
      %dma_start3A_1394 = arith.constant 4 : i32
      %dma_start3A_1395 = arith.constant 0 : i32
      %dma_start3A_1396 = arith.constant 0 : i32
      %dma_start3A_1397 = tpu.memref_slice %arg6[%dma_start3A_1393, %dma_start3A_1395, %dma_start3A_1396] : memref<4x128x64xf32, #tpu.memory_space<vmem>> -> memref<1x128x64xf32, #tpu.memory_space<vmem>>
      %dma_start3A_1398 = tpu.memref_squeeze %dma_start3A_1397 : memref<1x128x64xf32, #tpu.memory_space<vmem>> -> memref<128x64xf32, #tpu.memory_space<vmem>>
      %dma_start3A_1399 = arith.constant 0 : i32
      %dma_start3A_1400 = tpu.memref_slice %arg5[%select_n3A_1392, %dma_start3A_1399] : memref<128x200xi32, #tpu.memory_space<vmem>> -> memref<1x128xi32, #tpu.memory_space<vmem>>
      %dma_start3A_1401 = tpu.memref_squeeze %dma_start3A_1400 : memref<1x128xi32, #tpu.memory_space<vmem>> -> memref<128xi32, #tpu.memory_space<vmem>>
      %dma_start3A_1402 = arith.constant 0 : i32
      %dma_start3A_1403 = arith.constant 0 : i32
      %dma_start3A_1404 = tpu.memref_slice %arg3[%dma_start3A_1402, %dma_start3A_1403] : memref<1000000x64xf32, #tpu.memory_space<hbm>> -> memref<1000000x64xf32, #tpu.memory_space<hbm>>
      %dma_start3A_1405 = tpu.memref_slice %arg8[%dma_start3A_1394] : memref<8x!tpu.dma_semaphore, #tpu.memory_space<semaphore_mem>> -> memref<1x!tpu.dma_semaphore, #tpu.memory_space<semaphore_mem>>
      %dma_start3A_1406 = tpu.memref_squeeze %dma_start3A_1405 : memref<1x!tpu.dma_semaphore, #tpu.memory_space<semaphore_mem>> -> memref<!tpu.dma_semaphore, #tpu.memory_space<semaphore_mem>>
      tpu.enqueue_indirect_dma source(%dma_start3A_1404 : memref<1000000x64xf32, #tpu.memory_space<hbm>>) target(%dma_start3A_1398 : memref<128x64xf32, #tpu.memory_space<vmem>>) offsets(%dma_start3A_1401 : memref<128xi32, #tpu.memory_space<vmem>>) semaphore(%dma_start3A_1406 : memref<!tpu.dma_semaphore, #tpu.memory_space<semaphore_mem>>)
      %dma_wait3A_1407 = arith.constant 2 : i32
      %dma_wait3A_1408 = arith.constant 5 : i32
      %dma_wait3A_1409 = arith.constant 0 : i32
      %dma_wait3A_1410 = arith.constant 0 : i32
      %dma_wait3A_1411 = tpu.memref_slice %arg7[%dma_wait3A_1407, %dma_wait3A_1409, %dma_wait3A_1410] : memref<4x72x64xf32, #tpu.memory_space<vmem>> -> memref<1x72x64xf32, #tpu.memory_space<vmem>>
      %dma_wait3A_1412 = tpu.memref_squeeze %dma_wait3A_1411 : memref<1x72x64xf32, #tpu.memory_space<vmem>> -> memref<72x64xf32, #tpu.memory_space<vmem>>
      %dma_wait3A_1413 = arith.constant 128 : i32
      %dma_wait3A_1414 = arith.constant 0 : i32
      %dma_wait3A_1415 = tpu.memref_slice %arg4[%mul3A_2, %dma_wait3A_1413, %dma_wait3A_1414] : memref<4096x200x64xf32, #tpu.memory_space<hbm>> -> memref<1x72x64xf32, #tpu.memory_space<hbm>>
      %dma_wait3A_1416 = tpu.memref_squeeze %dma_wait3A_1415 : memref<1x72x64xf32, #tpu.memory_space<hbm>> -> memref<72x64xf32, #tpu.memory_space<hbm>>
      %dma_wait3A_1417 = tpu.memref_slice %arg9[%dma_wait3A_1408] : memref<8x!tpu.dma_semaphore, #tpu.memory_space<semaphore_mem>> -> memref<1x!tpu.dma_semaphore, #tpu.memory_space<semaphore_mem>>
      %dma_wait3A_1418 = tpu.memref_squeeze %dma_wait3A_1417 : memref<1x!tpu.dma_semaphore, #tpu.memory_space<semaphore_mem>> -> memref<!tpu.dma_semaphore, #tpu.memory_space<semaphore_mem>>
      %dma_wait3A_1419 = arith.constant 128 : i32
      %dma_wait3A_1420 = arith.constant 0 : i32
      %dma_wait3A_1421 = tpu.memref_slice %arg4[%mul3A_2, %dma_wait3A_1419, %dma_wait3A_1420] : memref<4096x200x64xf32, #tpu.memory_space<hbm>> -> memref<1x72x64xf32, #tpu.memory_space<hbm>>
      %dma_wait3A_1422 = tpu.memref_squeeze %dma_wait3A_1421 : memref<1x72x64xf32, #tpu.memory_space<hbm>> -> memref<72x64xf32, #tpu.memory_space<hbm>>
      %dma_wait3A_1423 = arith.constant 0 : i32
      %dma_wait3A_1424 = arith.constant 0 : i32
      %dma_wait3A_1425 = tpu.memref_slice %arg7[%dma_wait3A_1407, %dma_wait3A_1423, %dma_wait3A_1424] : memref<4x72x64xf32, #tpu.memory_space<vmem>> -> memref<1x72x64xf32, #tpu.memory_space<vmem>>
      %dma_wait3A_1426 = tpu.memref_squeeze %dma_wait3A_1425 : memref<1x72x64xf32, #tpu.memory_space<vmem>> -> memref<72x64xf32, #tpu.memory_space<vmem>>
      tpu.wait_dma2 semaphore(%dma_wait3A_1418 : memref<!tpu.dma_semaphore, #tpu.memory_space<semaphore_mem>>) src(%dma_wait3A_1426 : memref<72x64xf32, #tpu.memory_space<vmem>>) dst(%dma_wait3A_1422 : memref<72x64xf32, #tpu.memory_space<hbm>>)
      %add3A_1427 = arith.constant 1 : i32
      %add3A_1428 = arith.addi %scan3A_582, %add3A_1427 : i32
      %mul3A_1429 = arith.constant 8 : i32
      %mul3A_1430 = arith.muli %add3A_1428, %mul3A_1429 : i32
      %add3A_1431 = arith.constant 5 : i32
      %add3A_1432 = arith.addi %mul3A_1430, %add3A_1431 : i32
      %jit3A_1433 = arith.constant 2 : i32
      %div3A_1434 = arith.divsi %add3A_1432, %jit3A_1433 : i32
      %sign3A_1435 = arith.constant 0 : i32
      %sign3A_1436 = arith.cmpi sgt, %add3A_1432, %sign3A_1435 : i32
      %sign3A_1437 = arith.extui %sign3A_1436 : i1 to i32
      %sign3A_1438 = arith.constant 0 : i32
      %sign3A_1439 = arith.cmpi slt, %add3A_1432, %sign3A_1438 : i32
      %sign3A_1440 = arith.extui %sign3A_1439 : i1 to i32
      %sign3A_1441 = arith.subi %sign3A_1437, %sign3A_1440 : i32
      %sign3A_1442 = arith.constant 0 : i32
      %sign3A_1443 = arith.cmpi sgt, %jit3A_1433, %sign3A_1442 : i32
      %sign3A_1444 = arith.extui %sign3A_1443 : i1 to i32
      %sign3A_1445 = arith.constant 0 : i32
      %sign3A_1446 = arith.cmpi slt, %jit3A_1433, %sign3A_1445 : i32
      %sign3A_1447 = arith.extui %sign3A_1446 : i1 to i32
      %sign3A_1448 = arith.subi %sign3A_1444, %sign3A_1447 : i32
      %ne3A_1449 = arith.cmpi ne, %sign3A_1441, %sign3A_1448 : i32
      %rem3A_1450 = arith.remsi %add3A_1432, %jit3A_1433 : i32
      %ne3A_1451 = arith.constant 0 : i32
      %ne3A_1452 = arith.cmpi ne, %rem3A_1450, %ne3A_1451 : i32
      %and3A_1453 = arith.andi %ne3A_1449, %ne3A_1452 : i1
      %sub3A_1454 = arith.constant 1 : i32
      %sub3A_1455 = arith.subi %div3A_1434, %sub3A_1454 : i32
      %select_n3A_1456 = arith.select %and3A_1453, %sub3A_1455, %div3A_1434 : i32
      %dma_start3A_1457 = arith.constant 2 : i32
      %dma_start3A_1458 = arith.constant 5 : i32
      %dma_start3A_1459 = arith.constant 0 : i32
      %dma_start3A_1460 = arith.constant 0 : i32
      %dma_start3A_1461 = tpu.memref_slice %arg7[%dma_start3A_1457, %dma_start3A_1459, %dma_start3A_1460] : memref<4x72x64xf32, #tpu.memory_space<vmem>> -> memref<1x72x64xf32, #tpu.memory_space<vmem>>
      %dma_start3A_1462 = tpu.memref_squeeze %dma_start3A_1461 : memref<1x72x64xf32, #tpu.memory_space<vmem>> -> memref<72x64xf32, #tpu.memory_space<vmem>>
      %dma_start3A_1463 = arith.constant 128 : i32
      %dma_start3A_1464 = tpu.memref_slice %arg5[%select_n3A_1456, %dma_start3A_1463] : memref<128x200xi32, #tpu.memory_space<vmem>> -> memref<1x72xi32, #tpu.memory_space<vmem>>
      %dma_start3A_1465 = tpu.memref_squeeze %dma_start3A_1464 : memref<1x72xi32, #tpu.memory_space<vmem>> -> memref<72xi32, #tpu.memory_space<vmem>>
      %dma_start3A_1466 = arith.constant 0 : i32
      %dma_start3A_1467 = arith.constant 0 : i32
      %dma_start3A_1468 = tpu.memref_slice %arg3[%dma_start3A_1466, %dma_start3A_1467] : memref<1000000x64xf32, #tpu.memory_space<hbm>> -> memref<1000000x64xf32, #tpu.memory_space<hbm>>
      %dma_start3A_1469 = tpu.memref_slice %arg8[%dma_start3A_1458] : memref<8x!tpu.dma_semaphore, #tpu.memory_space<semaphore_mem>> -> memref<1x!tpu.dma_semaphore, #tpu.memory_space<semaphore_mem>>
      %dma_start3A_1470 = tpu.memref_squeeze %dma_start3A_1469 : memref<1x!tpu.dma_semaphore, #tpu.memory_space<semaphore_mem>> -> memref<!tpu.dma_semaphore, #tpu.memory_space<semaphore_mem>>
      tpu.enqueue_indirect_dma source(%dma_start3A_1468 : memref<1000000x64xf32, #tpu.memory_space<hbm>>) target(%dma_start3A_1462 : memref<72x64xf32, #tpu.memory_space<vmem>>) offsets(%dma_start3A_1465 : memref<72xi32, #tpu.memory_space<vmem>>) semaphore(%dma_start3A_1470 : memref<!tpu.dma_semaphore, #tpu.memory_space<semaphore_mem>>)
      %dma_wait3A_1471 = arith.constant 3 : i32
      %dma_wait3A_1472 = arith.constant 6 : i32
      %dma_wait3A_1473 = arith.constant 0 : i32
      %dma_wait3A_1474 = arith.constant 0 : i32
      %dma_wait3A_1475 = tpu.memref_slice %arg6[%dma_wait3A_1471, %dma_wait3A_1473, %dma_wait3A_1474] : memref<4x128x64xf32, #tpu.memory_space<vmem>> -> memref<1x128x64xf32, #tpu.memory_space<vmem>>
      %dma_wait3A_1476 = tpu.memref_squeeze %dma_wait3A_1475 : memref<1x128x64xf32, #tpu.memory_space<vmem>> -> memref<128x64xf32, #tpu.memory_space<vmem>>
      %dma_wait3A_1477 = arith.constant 0 : i32
      %dma_wait3A_1478 = arith.constant 0 : i32
      %dma_wait3A_1479 = tpu.memref_slice %arg4[%mul3A_2, %dma_wait3A_1477, %dma_wait3A_1478] : memref<4096x200x64xf32, #tpu.memory_space<hbm>> -> memref<1x128x64xf32, #tpu.memory_space<hbm>>
      %dma_wait3A_1480 = tpu.memref_squeeze %dma_wait3A_1479 : memref<1x128x64xf32, #tpu.memory_space<hbm>> -> memref<128x64xf32, #tpu.memory_space<hbm>>
      %dma_wait3A_1481 = tpu.memref_slice %arg9[%dma_wait3A_1472] : memref<8x!tpu.dma_semaphore, #tpu.memory_space<semaphore_mem>> -> memref<1x!tpu.dma_semaphore, #tpu.memory_space<semaphore_mem>>
      %dma_wait3A_1482 = tpu.memref_squeeze %dma_wait3A_1481 : memref<1x!tpu.dma_semaphore, #tpu.memory_space<semaphore_mem>> -> memref<!tpu.dma_semaphore, #tpu.memory_space<semaphore_mem>>
      %dma_wait3A_1483 = arith.constant 0 : i32
      %dma_wait3A_1484 = arith.constant 0 : i32
      %dma_wait3A_1485 = tpu.memref_slice %arg4[%mul3A_2, %dma_wait3A_1483, %dma_wait3A_1484] : memref<4096x200x64xf32, #tpu.memory_space<hbm>> -> memref<1x128x64xf32, #tpu.memory_space<hbm>>
      %dma_wait3A_1486 = tpu.memref_squeeze %dma_wait3A_1485 : memref<1x128x64xf32, #tpu.memory_space<hbm>> -> memref<128x64xf32, #tpu.memory_space<hbm>>
      %dma_wait3A_1487 = arith.constant 0 : i32
      %dma_wait3A_1488 = arith.constant 0 : i32
      %dma_wait3A_1489 = tpu.memref_slice %arg6[%dma_wait3A_1471, %dma_wait3A_1487, %dma_wait3A_1488] : memref<4x128x64xf32, #tpu.memory_space<vmem>> -> memref<1x128x64xf32, #tpu.memory_space<vmem>>
      %dma_wait3A_1490 = tpu.memref_squeeze %dma_wait3A_1489 : memref<1x128x64xf32, #tpu.memory_space<vmem>> -> memref<128x64xf32, #tpu.memory_space<vmem>>
      tpu.wait_dma2 semaphore(%dma_wait3A_1482 : memref<!tpu.dma_semaphore, #tpu.memory_space<semaphore_mem>>) src(%dma_wait3A_1490 : memref<128x64xf32, #tpu.memory_space<vmem>>) dst(%dma_wait3A_1486 : memref<128x64xf32, #tpu.memory_space<hbm>>)
      %add3A_1491 = arith.constant 1 : i32
      %add3A_1492 = arith.addi %scan3A_582, %add3A_1491 : i32
      %mul3A_1493 = arith.constant 8 : i32
      %mul3A_1494 = arith.muli %add3A_1492, %mul3A_1493 : i32
      %add3A_1495 = arith.constant 6 : i32
      %add3A_1496 = arith.addi %mul3A_1494, %add3A_1495 : i32
      %jit3A_1497 = arith.constant 2 : i32
      %div3A_1498 = arith.divsi %add3A_1496, %jit3A_1497 : i32
      %sign3A_1499 = arith.constant 0 : i32
      %sign3A_1500 = arith.cmpi sgt, %add3A_1496, %sign3A_1499 : i32
      %sign3A_1501 = arith.extui %sign3A_1500 : i1 to i32
      %sign3A_1502 = arith.constant 0 : i32
      %sign3A_1503 = arith.cmpi slt, %add3A_1496, %sign3A_1502 : i32
      %sign3A_1504 = arith.extui %sign3A_1503 : i1 to i32
      %sign3A_1505 = arith.subi %sign3A_1501, %sign3A_1504 : i32
      %sign3A_1506 = arith.constant 0 : i32
      %sign3A_1507 = arith.cmpi sgt, %jit3A_1497, %sign3A_1506 : i32
      %sign3A_1508 = arith.extui %sign3A_1507 : i1 to i32
      %sign3A_1509 = arith.constant 0 : i32
      %sign3A_1510 = arith.cmpi slt, %jit3A_1497, %sign3A_1509 : i32
      %sign3A_1511 = arith.extui %sign3A_1510 : i1 to i32
      %sign3A_1512 = arith.subi %sign3A_1508, %sign3A_1511 : i32
      %ne3A_1513 = arith.cmpi ne, %sign3A_1505, %sign3A_1512 : i32
      %rem3A_1514 = arith.remsi %add3A_1496, %jit3A_1497 : i32
      %ne3A_1515 = arith.constant 0 : i32
      %ne3A_1516 = arith.cmpi ne, %rem3A_1514, %ne3A_1515 : i32
      %and3A_1517 = arith.andi %ne3A_1513, %ne3A_1516 : i1
      %sub3A_1518 = arith.constant 1 : i32
      %sub3A_1519 = arith.subi %div3A_1498, %sub3A_1518 : i32
      %select_n3A_1520 = arith.select %and3A_1517, %sub3A_1519, %div3A_1498 : i32
      %dma_start3A_1521 = arith.constant 3 : i32
      %dma_start3A_1522 = arith.constant 6 : i32
      %dma_start3A_1523 = arith.constant 0 : i32
      %dma_start3A_1524 = arith.constant 0 : i32
      %dma_start3A_1525 = tpu.memref_slice %arg6[%dma_start3A_1521, %dma_start3A_1523, %dma_start3A_1524] : memref<4x128x64xf32, #tpu.memory_space<vmem>> -> memref<1x128x64xf32, #tpu.memory_space<vmem>>
      %dma_start3A_1526 = tpu.memref_squeeze %dma_start3A_1525 : memref<1x128x64xf32, #tpu.memory_space<vmem>> -> memref<128x64xf32, #tpu.memory_space<vmem>>
      %dma_start3A_1527 = arith.constant 0 : i32
      %dma_start3A_1528 = tpu.memref_slice %arg5[%select_n3A_1520, %dma_start3A_1527] : memref<128x200xi32, #tpu.memory_space<vmem>> -> memref<1x128xi32, #tpu.memory_space<vmem>>
      %dma_start3A_1529 = tpu.memref_squeeze %dma_start3A_1528 : memref<1x128xi32, #tpu.memory_space<vmem>> -> memref<128xi32, #tpu.memory_space<vmem>>
      %dma_start3A_1530 = arith.constant 0 : i32
      %dma_start3A_1531 = arith.constant 0 : i32
      %dma_start3A_1532 = tpu.memref_slice %arg3[%dma_start3A_1530, %dma_start3A_1531] : memref<1000000x64xf32, #tpu.memory_space<hbm>> -> memref<1000000x64xf32, #tpu.memory_space<hbm>>
      %dma_start3A_1533 = tpu.memref_slice %arg8[%dma_start3A_1522] : memref<8x!tpu.dma_semaphore, #tpu.memory_space<semaphore_mem>> -> memref<1x!tpu.dma_semaphore, #tpu.memory_space<semaphore_mem>>
      %dma_start3A_1534 = tpu.memref_squeeze %dma_start3A_1533 : memref<1x!tpu.dma_semaphore, #tpu.memory_space<semaphore_mem>> -> memref<!tpu.dma_semaphore, #tpu.memory_space<semaphore_mem>>
      tpu.enqueue_indirect_dma source(%dma_start3A_1532 : memref<1000000x64xf32, #tpu.memory_space<hbm>>) target(%dma_start3A_1526 : memref<128x64xf32, #tpu.memory_space<vmem>>) offsets(%dma_start3A_1529 : memref<128xi32, #tpu.memory_space<vmem>>) semaphore(%dma_start3A_1534 : memref<!tpu.dma_semaphore, #tpu.memory_space<semaphore_mem>>)
      %dma_wait3A_1535 = arith.constant 3 : i32
      %dma_wait3A_1536 = arith.constant 7 : i32
      %dma_wait3A_1537 = arith.constant 0 : i32
      %dma_wait3A_1538 = arith.constant 0 : i32
      %dma_wait3A_1539 = tpu.memref_slice %arg7[%dma_wait3A_1535, %dma_wait3A_1537, %dma_wait3A_1538] : memref<4x72x64xf32, #tpu.memory_space<vmem>> -> memref<1x72x64xf32, #tpu.memory_space<vmem>>
      %dma_wait3A_1540 = tpu.memref_squeeze %dma_wait3A_1539 : memref<1x72x64xf32, #tpu.memory_space<vmem>> -> memref<72x64xf32, #tpu.memory_space<vmem>>
      %dma_wait3A_1541 = arith.constant 128 : i32
      %dma_wait3A_1542 = arith.constant 0 : i32
      %dma_wait3A_1543 = tpu.memref_slice %arg4[%mul3A_2, %dma_wait3A_1541, %dma_wait3A_1542] : memref<4096x200x64xf32, #tpu.memory_space<hbm>> -> memref<1x72x64xf32, #tpu.memory_space<hbm>>
      %dma_wait3A_1544 = tpu.memref_squeeze %dma_wait3A_1543 : memref<1x72x64xf32, #tpu.memory_space<hbm>> -> memref<72x64xf32, #tpu.memory_space<hbm>>
      %dma_wait3A_1545 = tpu.memref_slice %arg9[%dma_wait3A_1536] : memref<8x!tpu.dma_semaphore, #tpu.memory_space<semaphore_mem>> -> memref<1x!tpu.dma_semaphore, #tpu.memory_space<semaphore_mem>>
      %dma_wait3A_1546 = tpu.memref_squeeze %dma_wait3A_1545 : memref<1x!tpu.dma_semaphore, #tpu.memory_space<semaphore_mem>> -> memref<!tpu.dma_semaphore, #tpu.memory_space<semaphore_mem>>
      %dma_wait3A_1547 = arith.constant 128 : i32
      %dma_wait3A_1548 = arith.constant 0 : i32
      %dma_wait3A_1549 = tpu.memref_slice %arg4[%mul3A_2, %dma_wait3A_1547, %dma_wait3A_1548] : memref<4096x200x64xf32, #tpu.memory_space<hbm>> -> memref<1x72x64xf32, #tpu.memory_space<hbm>>
      %dma_wait3A_1550 = tpu.memref_squeeze %dma_wait3A_1549 : memref<1x72x64xf32, #tpu.memory_space<hbm>> -> memref<72x64xf32, #tpu.memory_space<hbm>>
      %dma_wait3A_1551 = arith.constant 0 : i32
      %dma_wait3A_1552 = arith.constant 0 : i32
      %dma_wait3A_1553 = tpu.memref_slice %arg7[%dma_wait3A_1535, %dma_wait3A_1551, %dma_wait3A_1552] : memref<4x72x64xf32, #tpu.memory_space<vmem>> -> memref<1x72x64xf32, #tpu.memory_space<vmem>>
      %dma_wait3A_1554 = tpu.memref_squeeze %dma_wait3A_1553 : memref<1x72x64xf32, #tpu.memory_space<vmem>> -> memref<72x64xf32, #tpu.memory_space<vmem>>
      tpu.wait_dma2 semaphore(%dma_wait3A_1546 : memref<!tpu.dma_semaphore, #tpu.memory_space<semaphore_mem>>) src(%dma_wait3A_1554 : memref<72x64xf32, #tpu.memory_space<vmem>>) dst(%dma_wait3A_1550 : memref<72x64xf32, #tpu.memory_space<hbm>>)
      %add3A_1555 = arith.constant 1 : i32
      %add3A_1556 = arith.addi %scan3A_582, %add3A_1555 : i32
      %mul3A_1557 = arith.constant 8 : i32
      %mul3A_1558 = arith.muli %add3A_1556, %mul3A_1557 : i32
      %add3A_1559 = arith.constant 7 : i32
      %add3A_1560 = arith.addi %mul3A_1558, %add3A_1559 : i32
      %jit3A_1561 = arith.constant 2 : i32
      %div3A_1562 = arith.divsi %add3A_1560, %jit3A_1561 : i32
      %sign3A_1563 = arith.constant 0 : i32
      %sign3A_1564 = arith.cmpi sgt, %add3A_1560, %sign3A_1563 : i32
      %sign3A_1565 = arith.extui %sign3A_1564 : i1 to i32
      %sign3A_1566 = arith.constant 0 : i32
      %sign3A_1567 = arith.cmpi slt, %add3A_1560, %sign3A_1566 : i32
      %sign3A_1568 = arith.extui %sign3A_1567 : i1 to i32
      %sign3A_1569 = arith.subi %sign3A_1565, %sign3A_1568 : i32
      %sign3A_1570 = arith.constant 0 : i32
      %sign3A_1571 = arith.cmpi sgt, %jit3A_1561, %sign3A_1570 : i32
      %sign3A_1572 = arith.extui %sign3A_1571 : i1 to i32
      %sign3A_1573 = arith.constant 0 : i32
      %sign3A_1574 = arith.cmpi slt, %jit3A_1561, %sign3A_1573 : i32
      %sign3A_1575 = arith.extui %sign3A_1574 : i1 to i32
      %sign3A_1576 = arith.subi %sign3A_1572, %sign3A_1575 : i32
      %ne3A_1577 = arith.cmpi ne, %sign3A_1569, %sign3A_1576 : i32
      %rem3A_1578 = arith.remsi %add3A_1560, %jit3A_1561 : i32
      %ne3A_1579 = arith.constant 0 : i32
      %ne3A_1580 = arith.cmpi ne, %rem3A_1578, %ne3A_1579 : i32
      %and3A_1581 = arith.andi %ne3A_1577, %ne3A_1580 : i1
      %sub3A_1582 = arith.constant 1 : i32
      %sub3A_1583 = arith.subi %div3A_1562, %sub3A_1582 : i32
      %select_n3A_1584 = arith.select %and3A_1581, %sub3A_1583, %div3A_1562 : i32
      %dma_start3A_1585 = arith.constant 3 : i32
      %dma_start3A_1586 = arith.constant 7 : i32
      %dma_start3A_1587 = arith.constant 0 : i32
      %dma_start3A_1588 = arith.constant 0 : i32
      %dma_start3A_1589 = tpu.memref_slice %arg7[%dma_start3A_1585, %dma_start3A_1587, %dma_start3A_1588] : memref<4x72x64xf32, #tpu.memory_space<vmem>> -> memref<1x72x64xf32, #tpu.memory_space<vmem>>
      %dma_start3A_1590 = tpu.memref_squeeze %dma_start3A_1589 : memref<1x72x64xf32, #tpu.memory_space<vmem>> -> memref<72x64xf32, #tpu.memory_space<vmem>>
      %dma_start3A_1591 = arith.constant 128 : i32
      %dma_start3A_1592 = tpu.memref_slice %arg5[%select_n3A_1584, %dma_start3A_1591] : memref<128x200xi32, #tpu.memory_space<vmem>> -> memref<1x72xi32, #tpu.memory_space<vmem>>
      %dma_start3A_1593 = tpu.memref_squeeze %dma_start3A_1592 : memref<1x72xi32, #tpu.memory_space<vmem>> -> memref<72xi32, #tpu.memory_space<vmem>>
      %dma_start3A_1594 = arith.constant 0 : i32
      %dma_start3A_1595 = arith.constant 0 : i32
      %dma_start3A_1596 = tpu.memref_slice %arg3[%dma_start3A_1594, %dma_start3A_1595] : memref<1000000x64xf32, #tpu.memory_space<hbm>> -> memref<1000000x64xf32, #tpu.memory_space<hbm>>
      %dma_start3A_1597 = tpu.memref_slice %arg8[%dma_start3A_1586] : memref<8x!tpu.dma_semaphore, #tpu.memory_space<semaphore_mem>> -> memref<1x!tpu.dma_semaphore, #tpu.memory_space<semaphore_mem>>
      %dma_start3A_1598 = tpu.memref_squeeze %dma_start3A_1597 : memref<1x!tpu.dma_semaphore, #tpu.memory_space<semaphore_mem>> -> memref<!tpu.dma_semaphore, #tpu.memory_space<semaphore_mem>>
      tpu.enqueue_indirect_dma source(%dma_start3A_1596 : memref<1000000x64xf32, #tpu.memory_space<hbm>>) target(%dma_start3A_1590 : memref<72x64xf32, #tpu.memory_space<vmem>>) offsets(%dma_start3A_1593 : memref<72xi32, #tpu.memory_space<vmem>>) semaphore(%dma_start3A_1598 : memref<!tpu.dma_semaphore, #tpu.memory_space<semaphore_mem>>)
    }
    %scan3A_126 = arith.constant 31 : i32
    %dma_wait3A = arith.constant 0 : i32
    %dma_wait3A_127 = arith.constant 0 : i32
    %dma_wait3A_128 = arith.constant 0 : i32
    %dma_wait3A_129 = arith.constant 0 : i32
    %dma_wait3A_130 = arith.constant 0 : i32
    %dma_wait3A_131 = tpu.memref_slice %arg6[%dma_wait3A_127, %dma_wait3A_129, %dma_wait3A_130] : memref<4x128x64xf32, #tpu.memory_space<vmem>> -> memref<1x128x64xf32, #tpu.memory_space<vmem>>
    %dma_wait3A_132 = tpu.memref_squeeze %dma_wait3A_131 : memref<1x128x64xf32, #tpu.memory_space<vmem>> -> memref<128x64xf32, #tpu.memory_space<vmem>>
    %dma_wait3A_133 = arith.constant 0 : i32
    %dma_wait3A_134 = tpu.memref_slice %arg5[%dma_wait3A, %dma_wait3A_133] : memref<128x200xi32, #tpu.memory_space<vmem>> -> memref<1x128xi32, #tpu.memory_space<vmem>>
    %dma_wait3A_135 = tpu.memref_squeeze %dma_wait3A_134 : memref<1x128xi32, #tpu.memory_space<vmem>> -> memref<128xi32, #tpu.memory_space<vmem>>
    %dma_wait3A_136 = arith.constant 0 : i32
    %dma_wait3A_137 = arith.constant 0 : i32
    %dma_wait3A_138 = tpu.memref_slice %arg3[%dma_wait3A_136, %dma_wait3A_137] : memref<1000000x64xf32, #tpu.memory_space<hbm>> -> memref<1000000x64xf32, #tpu.memory_space<hbm>>
    %dma_wait3A_139 = tpu.memref_slice %arg8[%dma_wait3A_128] : memref<8x!tpu.dma_semaphore, #tpu.memory_space<semaphore_mem>> -> memref<1x!tpu.dma_semaphore, #tpu.memory_space<semaphore_mem>>
    %dma_wait3A_140 = tpu.memref_squeeze %dma_wait3A_139 : memref<1x!tpu.dma_semaphore, #tpu.memory_space<semaphore_mem>> -> memref<!tpu.dma_semaphore, #tpu.memory_space<semaphore_mem>>
    tpu.wait_indirect_dma semaphore(%dma_wait3A_140 : memref<!tpu.dma_semaphore, #tpu.memory_space<semaphore_mem>>) src(%dma_wait3A_138 : memref<1000000x64xf32, #tpu.memory_space<hbm>>) dst(%dma_wait3A_132 : memref<128x64xf32, #tpu.memory_space<vmem>>)
    %add3A_141 = arith.constant 124 : i32
    %add3A_142 = arith.addi %mul3A_2, %add3A_141 : i32
    %dma_start3A_143 = arith.constant 0 : i32
    %dma_start3A_144 = arith.constant 0 : i32
    %dma_start3A_145 = arith.constant 0 : i32
    %dma_start3A_146 = arith.constant 0 : i32
    %dma_start3A_147 = tpu.memref_slice %arg6[%dma_start3A_143, %dma_start3A_145, %dma_start3A_146] : memref<4x128x64xf32, #tpu.memory_space<vmem>> -> memref<1x128x64xf32, #tpu.memory_space<vmem>>
    %dma_start3A_148 = tpu.memref_squeeze %dma_start3A_147 : memref<1x128x64xf32, #tpu.memory_space<vmem>> -> memref<128x64xf32, #tpu.memory_space<vmem>>
    %dma_start3A_149 = arith.constant 0 : i32
    %dma_start3A_150 = arith.constant 0 : i32
    %dma_start3A_151 = tpu.memref_slice %arg4[%add3A_142, %dma_start3A_149, %dma_start3A_150] : memref<4096x200x64xf32, #tpu.memory_space<hbm>> -> memref<1x128x64xf32, #tpu.memory_space<hbm>>
    %dma_start3A_152 = tpu.memref_squeeze %dma_start3A_151 : memref<1x128x64xf32, #tpu.memory_space<hbm>> -> memref<128x64xf32, #tpu.memory_space<hbm>>
    %dma_start3A_153 = tpu.memref_slice %arg9[%dma_start3A_144] : memref<8x!tpu.dma_semaphore, #tpu.memory_space<semaphore_mem>> -> memref<1x!tpu.dma_semaphore, #tpu.memory_space<semaphore_mem>>
    %dma_start3A_154 = tpu.memref_squeeze %dma_start3A_153 : memref<1x!tpu.dma_semaphore, #tpu.memory_space<semaphore_mem>> -> memref<!tpu.dma_semaphore, #tpu.memory_space<semaphore_mem>>
    %dma_start3A_155 = arith.constant 0 : i32
    %dma_start3A_156 = arith.constant 0 : i32
    %dma_start3A_157 = tpu.memref_slice %arg4[%add3A_142, %dma_start3A_155, %dma_start3A_156] : memref<4096x200x64xf32, #tpu.memory_space<hbm>> -> memref<1x128x64xf32, #tpu.memory_space<hbm>>
    %dma_start3A_158 = tpu.memref_squeeze %dma_start3A_157 : memref<1x128x64xf32, #tpu.memory_space<hbm>> -> memref<128x64xf32, #tpu.memory_space<hbm>>
    %dma_start3A_159 = arith.constant 0 : i32
    %dma_start3A_160 = arith.constant 0 : i32
    %dma_start3A_161 = tpu.memref_slice %arg6[%dma_start3A_143, %dma_start3A_159, %dma_start3A_160] : memref<4x128x64xf32, #tpu.memory_space<vmem>> -> memref<1x128x64xf32, #tpu.memory_space<vmem>>
    %dma_start3A_162 = tpu.memref_squeeze %dma_start3A_161 : memref<1x128x64xf32, #tpu.memory_space<vmem>> -> memref<128x64xf32, #tpu.memory_space<vmem>>
    tpu.enqueue_dma source(%dma_start3A_162 : memref<128x64xf32, #tpu.memory_space<vmem>>) target(%dma_start3A_158 : memref<128x64xf32, #tpu.memory_space<hbm>>) target_semaphore(%dma_start3A_154 : memref<!tpu.dma_semaphore, #tpu.memory_space<semaphore_mem>>)
    %dma_wait3A_163 = arith.constant 0 : i32
    %dma_wait3A_164 = arith.constant 0 : i32
    %dma_wait3A_165 = arith.constant 1 : i32
    %dma_wait3A_166 = arith.constant 0 : i32
    %dma_wait3A_167 = arith.constant 0 : i32
    %dma_wait3A_168 = tpu.memref_slice %arg7[%dma_wait3A_164, %dma_wait3A_166, %dma_wait3A_167] : memref<4x72x64xf32, #tpu.memory_space<vmem>> -> memref<1x72x64xf32, #tpu.memory_space<vmem>>
    %dma_wait3A_169 = tpu.memref_squeeze %dma_wait3A_168 : memref<1x72x64xf32, #tpu.memory_space<vmem>> -> memref<72x64xf32, #tpu.memory_space<vmem>>
    %dma_wait3A_170 = arith.constant 128 : i32
    %dma_wait3A_171 = tpu.memref_slice %arg5[%dma_wait3A_163, %dma_wait3A_170] : memref<128x200xi32, #tpu.memory_space<vmem>> -> memref<1x72xi32, #tpu.memory_space<vmem>>
    %dma_wait3A_172 = tpu.memref_squeeze %dma_wait3A_171 : memref<1x72xi32, #tpu.memory_space<vmem>> -> memref<72xi32, #tpu.memory_space<vmem>>
    %dma_wait3A_173 = arith.constant 0 : i32
    %dma_wait3A_174 = arith.constant 0 : i32
    %dma_wait3A_175 = tpu.memref_slice %arg3[%dma_wait3A_173, %dma_wait3A_174] : memref<1000000x64xf32, #tpu.memory_space<hbm>> -> memref<1000000x64xf32, #tpu.memory_space<hbm>>
    %dma_wait3A_176 = tpu.memref_slice %arg8[%dma_wait3A_165] : memref<8x!tpu.dma_semaphore, #tpu.memory_space<semaphore_mem>> -> memref<1x!tpu.dma_semaphore, #tpu.memory_space<semaphore_mem>>
    %dma_wait3A_177 = tpu.memref_squeeze %dma_wait3A_176 : memref<1x!tpu.dma_semaphore, #tpu.memory_space<semaphore_mem>> -> memref<!tpu.dma_semaphore, #tpu.memory_space<semaphore_mem>>
    tpu.wait_indirect_dma semaphore(%dma_wait3A_177 : memref<!tpu.dma_semaphore, #tpu.memory_space<semaphore_mem>>) src(%dma_wait3A_175 : memref<1000000x64xf32, #tpu.memory_space<hbm>>) dst(%dma_wait3A_169 : memref<72x64xf32, #tpu.memory_space<vmem>>)
    %add3A_178 = arith.constant 124 : i32
    %add3A_179 = arith.addi %mul3A_2, %add3A_178 : i32
    %dma_start3A_180 = arith.constant 0 : i32
    %dma_start3A_181 = arith.constant 1 : i32
    %dma_start3A_182 = arith.constant 0 : i32
    %dma_start3A_183 = arith.constant 0 : i32
    %dma_start3A_184 = tpu.memref_slice %arg7[%dma_start3A_180, %dma_start3A_182, %dma_start3A_183] : memref<4x72x64xf32, #tpu.memory_space<vmem>> -> memref<1x72x64xf32, #tpu.memory_space<vmem>>
    %dma_start3A_185 = tpu.memref_squeeze %dma_start3A_184 : memref<1x72x64xf32, #tpu.memory_space<vmem>> -> memref<72x64xf32, #tpu.memory_space<vmem>>
    %dma_start3A_186 = arith.constant 128 : i32
    %dma_start3A_187 = arith.constant 0 : i32
    %dma_start3A_188 = tpu.memref_slice %arg4[%add3A_179, %dma_start3A_186, %dma_start3A_187] : memref<4096x200x64xf32, #tpu.memory_space<hbm>> -> memref<1x72x64xf32, #tpu.memory_space<hbm>>
    %dma_start3A_189 = tpu.memref_squeeze %dma_start3A_188 : memref<1x72x64xf32, #tpu.memory_space<hbm>> -> memref<72x64xf32, #tpu.memory_space<hbm>>
    %dma_start3A_190 = tpu.memref_slice %arg9[%dma_start3A_181] : memref<8x!tpu.dma_semaphore, #tpu.memory_space<semaphore_mem>> -> memref<1x!tpu.dma_semaphore, #tpu.memory_space<semaphore_mem>>
    %dma_start3A_191 = tpu.memref_squeeze %dma_start3A_190 : memref<1x!tpu.dma_semaphore, #tpu.memory_space<semaphore_mem>> -> memref<!tpu.dma_semaphore, #tpu.memory_space<semaphore_mem>>
    %dma_start3A_192 = arith.constant 128 : i32
    %dma_start3A_193 = arith.constant 0 : i32
    %dma_start3A_194 = tpu.memref_slice %arg4[%add3A_179, %dma_start3A_192, %dma_start3A_193] : memref<4096x200x64xf32, #tpu.memory_space<hbm>> -> memref<1x72x64xf32, #tpu.memory_space<hbm>>
    %dma_start3A_195 = tpu.memref_squeeze %dma_start3A_194 : memref<1x72x64xf32, #tpu.memory_space<hbm>> -> memref<72x64xf32, #tpu.memory_space<hbm>>
    %dma_start3A_196 = arith.constant 0 : i32
    %dma_start3A_197 = arith.constant 0 : i32
    %dma_start3A_198 = tpu.memref_slice %arg7[%dma_start3A_180, %dma_start3A_196, %dma_start3A_197] : memref<4x72x64xf32, #tpu.memory_space<vmem>> -> memref<1x72x64xf32, #tpu.memory_space<vmem>>
    %dma_start3A_199 = tpu.memref_squeeze %dma_start3A_198 : memref<1x72x64xf32, #tpu.memory_space<vmem>> -> memref<72x64xf32, #tpu.memory_space<vmem>>
    tpu.enqueue_dma source(%dma_start3A_199 : memref<72x64xf32, #tpu.memory_space<vmem>>) target(%dma_start3A_195 : memref<72x64xf32, #tpu.memory_space<hbm>>) target_semaphore(%dma_start3A_191 : memref<!tpu.dma_semaphore, #tpu.memory_space<semaphore_mem>>)
    %dma_wait3A_200 = arith.constant 0 : i32
    %dma_wait3A_201 = arith.constant 1 : i32
    %dma_wait3A_202 = arith.constant 2 : i32
    %dma_wait3A_203 = arith.constant 0 : i32
    %dma_wait3A_204 = arith.constant 0 : i32
    %dma_wait3A_205 = tpu.memref_slice %arg6[%dma_wait3A_201, %dma_wait3A_203, %dma_wait3A_204] : memref<4x128x64xf32, #tpu.memory_space<vmem>> -> memref<1x128x64xf32, #tpu.memory_space<vmem>>
    %dma_wait3A_206 = tpu.memref_squeeze %dma_wait3A_205 : memref<1x128x64xf32, #tpu.memory_space<vmem>> -> memref<128x64xf32, #tpu.memory_space<vmem>>
    %dma_wait3A_207 = arith.constant 0 : i32
    %dma_wait3A_208 = tpu.memref_slice %arg5[%dma_wait3A_200, %dma_wait3A_207] : memref<128x200xi32, #tpu.memory_space<vmem>> -> memref<1x128xi32, #tpu.memory_space<vmem>>
    %dma_wait3A_209 = tpu.memref_squeeze %dma_wait3A_208 : memref<1x128xi32, #tpu.memory_space<vmem>> -> memref<128xi32, #tpu.memory_space<vmem>>
    %dma_wait3A_210 = arith.constant 0 : i32
    %dma_wait3A_211 = arith.constant 0 : i32
    %dma_wait3A_212 = tpu.memref_slice %arg3[%dma_wait3A_210, %dma_wait3A_211] : memref<1000000x64xf32, #tpu.memory_space<hbm>> -> memref<1000000x64xf32, #tpu.memory_space<hbm>>
    %dma_wait3A_213 = tpu.memref_slice %arg8[%dma_wait3A_202] : memref<8x!tpu.dma_semaphore, #tpu.memory_space<semaphore_mem>> -> memref<1x!tpu.dma_semaphore, #tpu.memory_space<semaphore_mem>>
    %dma_wait3A_214 = tpu.memref_squeeze %dma_wait3A_213 : memref<1x!tpu.dma_semaphore, #tpu.memory_space<semaphore_mem>> -> memref<!tpu.dma_semaphore, #tpu.memory_space<semaphore_mem>>
    tpu.wait_indirect_dma semaphore(%dma_wait3A_214 : memref<!tpu.dma_semaphore, #tpu.memory_space<semaphore_mem>>) src(%dma_wait3A_212 : memref<1000000x64xf32, #tpu.memory_space<hbm>>) dst(%dma_wait3A_206 : memref<128x64xf32, #tpu.memory_space<vmem>>)
    %add3A_215 = arith.constant 125 : i32
    %add3A_216 = arith.addi %mul3A_2, %add3A_215 : i32
    %dma_start3A_217 = arith.constant 1 : i32
    %dma_start3A_218 = arith.constant 2 : i32
    %dma_start3A_219 = arith.constant 0 : i32
    %dma_start3A_220 = arith.constant 0 : i32
    %dma_start3A_221 = tpu.memref_slice %arg6[%dma_start3A_217, %dma_start3A_219, %dma_start3A_220] : memref<4x128x64xf32, #tpu.memory_space<vmem>> -> memref<1x128x64xf32, #tpu.memory_space<vmem>>
    %dma_start3A_222 = tpu.memref_squeeze %dma_start3A_221 : memref<1x128x64xf32, #tpu.memory_space<vmem>> -> memref<128x64xf32, #tpu.memory_space<vmem>>
    %dma_start3A_223 = arith.constant 0 : i32
    %dma_start3A_224 = arith.constant 0 : i32
    %dma_start3A_225 = tpu.memref_slice %arg4[%add3A_216, %dma_start3A_223, %dma_start3A_224] : memref<4096x200x64xf32, #tpu.memory_space<hbm>> -> memref<1x128x64xf32, #tpu.memory_space<hbm>>
    %dma_start3A_226 = tpu.memref_squeeze %dma_start3A_225 : memref<1x128x64xf32, #tpu.memory_space<hbm>> -> memref<128x64xf32, #tpu.memory_space<hbm>>
    %dma_start3A_227 = tpu.memref_slice %arg9[%dma_start3A_218] : memref<8x!tpu.dma_semaphore, #tpu.memory_space<semaphore_mem>> -> memref<1x!tpu.dma_semaphore, #tpu.memory_space<semaphore_mem>>
    %dma_start3A_228 = tpu.memref_squeeze %dma_start3A_227 : memref<1x!tpu.dma_semaphore, #tpu.memory_space<semaphore_mem>> -> memref<!tpu.dma_semaphore, #tpu.memory_space<semaphore_mem>>
    %dma_start3A_229 = arith.constant 0 : i32
    %dma_start3A_230 = arith.constant 0 : i32
    %dma_start3A_231 = tpu.memref_slice %arg4[%add3A_216, %dma_start3A_229, %dma_start3A_230] : memref<4096x200x64xf32, #tpu.memory_space<hbm>> -> memref<1x128x64xf32, #tpu.memory_space<hbm>>
    %dma_start3A_232 = tpu.memref_squeeze %dma_start3A_231 : memref<1x128x64xf32, #tpu.memory_space<hbm>> -> memref<128x64xf32, #tpu.memory_space<hbm>>
    %dma_start3A_233 = arith.constant 0 : i32
    %dma_start3A_234 = arith.constant 0 : i32
    %dma_start3A_235 = tpu.memref_slice %arg6[%dma_start3A_217, %dma_start3A_233, %dma_start3A_234] : memref<4x128x64xf32, #tpu.memory_space<vmem>> -> memref<1x128x64xf32, #tpu.memory_space<vmem>>
    %dma_start3A_236 = tpu.memref_squeeze %dma_start3A_235 : memref<1x128x64xf32, #tpu.memory_space<vmem>> -> memref<128x64xf32, #tpu.memory_space<vmem>>
    tpu.enqueue_dma source(%dma_start3A_236 : memref<128x64xf32, #tpu.memory_space<vmem>>) target(%dma_start3A_232 : memref<128x64xf32, #tpu.memory_space<hbm>>) target_semaphore(%dma_start3A_228 : memref<!tpu.dma_semaphore, #tpu.memory_space<semaphore_mem>>)
    %dma_wait3A_237 = arith.constant 0 : i32
    %dma_wait3A_238 = arith.constant 1 : i32
    %dma_wait3A_239 = arith.constant 3 : i32
    %dma_wait3A_240 = arith.constant 0 : i32
    %dma_wait3A_241 = arith.constant 0 : i32
    %dma_wait3A_242 = tpu.memref_slice %arg7[%dma_wait3A_238, %dma_wait3A_240, %dma_wait3A_241] : memref<4x72x64xf32, #tpu.memory_space<vmem>> -> memref<1x72x64xf32, #tpu.memory_space<vmem>>
    %dma_wait3A_243 = tpu.memref_squeeze %dma_wait3A_242 : memref<1x72x64xf32, #tpu.memory_space<vmem>> -> memref<72x64xf32, #tpu.memory_space<vmem>>
    %dma_wait3A_244 = arith.constant 128 : i32
    %dma_wait3A_245 = tpu.memref_slice %arg5[%dma_wait3A_237, %dma_wait3A_244] : memref<128x200xi32, #tpu.memory_space<vmem>> -> memref<1x72xi32, #tpu.memory_space<vmem>>
    %dma_wait3A_246 = tpu.memref_squeeze %dma_wait3A_245 : memref<1x72xi32, #tpu.memory_space<vmem>> -> memref<72xi32, #tpu.memory_space<vmem>>
    %dma_wait3A_247 = arith.constant 0 : i32
    %dma_wait3A_248 = arith.constant 0 : i32
    %dma_wait3A_249 = tpu.memref_slice %arg3[%dma_wait3A_247, %dma_wait3A_248] : memref<1000000x64xf32, #tpu.memory_space<hbm>> -> memref<1000000x64xf32, #tpu.memory_space<hbm>>
    %dma_wait3A_250 = tpu.memref_slice %arg8[%dma_wait3A_239] : memref<8x!tpu.dma_semaphore, #tpu.memory_space<semaphore_mem>> -> memref<1x!tpu.dma_semaphore, #tpu.memory_space<semaphore_mem>>
    %dma_wait3A_251 = tpu.memref_squeeze %dma_wait3A_250 : memref<1x!tpu.dma_semaphore, #tpu.memory_space<semaphore_mem>> -> memref<!tpu.dma_semaphore, #tpu.memory_space<semaphore_mem>>
    tpu.wait_indirect_dma semaphore(%dma_wait3A_251 : memref<!tpu.dma_semaphore, #tpu.memory_space<semaphore_mem>>) src(%dma_wait3A_249 : memref<1000000x64xf32, #tpu.memory_space<hbm>>) dst(%dma_wait3A_243 : memref<72x64xf32, #tpu.memory_space<vmem>>)
    %add3A_252 = arith.constant 125 : i32
    %add3A_253 = arith.addi %mul3A_2, %add3A_252 : i32
    %dma_start3A_254 = arith.constant 1 : i32
    %dma_start3A_255 = arith.constant 3 : i32
    %dma_start3A_256 = arith.constant 0 : i32
    %dma_start3A_257 = arith.constant 0 : i32
    %dma_start3A_258 = tpu.memref_slice %arg7[%dma_start3A_254, %dma_start3A_256, %dma_start3A_257] : memref<4x72x64xf32, #tpu.memory_space<vmem>> -> memref<1x72x64xf32, #tpu.memory_space<vmem>>
    %dma_start3A_259 = tpu.memref_squeeze %dma_start3A_258 : memref<1x72x64xf32, #tpu.memory_space<vmem>> -> memref<72x64xf32, #tpu.memory_space<vmem>>
    %dma_start3A_260 = arith.constant 128 : i32
    %dma_start3A_261 = arith.constant 0 : i32
    %dma_start3A_262 = tpu.memref_slice %arg4[%add3A_253, %dma_start3A_260, %dma_start3A_261] : memref<4096x200x64xf32, #tpu.memory_space<hbm>> -> memref<1x72x64xf32, #tpu.memory_space<hbm>>
    %dma_start3A_263 = tpu.memref_squeeze %dma_start3A_262 : memref<1x72x64xf32, #tpu.memory_space<hbm>> -> memref<72x64xf32, #tpu.memory_space<hbm>>
    %dma_start3A_264 = tpu.memref_slice %arg9[%dma_start3A_255] : memref<8x!tpu.dma_semaphore, #tpu.memory_space<semaphore_mem>> -> memref<1x!tpu.dma_semaphore, #tpu.memory_space<semaphore_mem>>
    %dma_start3A_265 = tpu.memref_squeeze %dma_start3A_264 : memref<1x!tpu.dma_semaphore, #tpu.memory_space<semaphore_mem>> -> memref<!tpu.dma_semaphore, #tpu.memory_space<semaphore_mem>>
    %dma_start3A_266 = arith.constant 128 : i32
    %dma_start3A_267 = arith.constant 0 : i32
    %dma_start3A_268 = tpu.memref_slice %arg4[%add3A_253, %dma_start3A_266, %dma_start3A_267] : memref<4096x200x64xf32, #tpu.memory_space<hbm>> -> memref<1x72x64xf32, #tpu.memory_space<hbm>>
    %dma_start3A_269 = tpu.memref_squeeze %dma_start3A_268 : memref<1x72x64xf32, #tpu.memory_space<hbm>> -> memref<72x64xf32, #tpu.memory_space<hbm>>
    %dma_start3A_270 = arith.constant 0 : i32
    %dma_start3A_271 = arith.constant 0 : i32
    %dma_start3A_272 = tpu.memref_slice %arg7[%dma_start3A_254, %dma_start3A_270, %dma_start3A_271] : memref<4x72x64xf32, #tpu.memory_space<vmem>> -> memref<1x72x64xf32, #tpu.memory_space<vmem>>
    %dma_start3A_273 = tpu.memref_squeeze %dma_start3A_272 : memref<1x72x64xf32, #tpu.memory_space<vmem>> -> memref<72x64xf32, #tpu.memory_space<vmem>>
    tpu.enqueue_dma source(%dma_start3A_273 : memref<72x64xf32, #tpu.memory_space<vmem>>) target(%dma_start3A_269 : memref<72x64xf32, #tpu.memory_space<hbm>>) target_semaphore(%dma_start3A_265 : memref<!tpu.dma_semaphore, #tpu.memory_space<semaphore_mem>>)
    %dma_wait3A_274 = arith.constant 0 : i32
    %dma_wait3A_275 = arith.constant 2 : i32
    %dma_wait3A_276 = arith.constant 4 : i32
    %dma_wait3A_277 = arith.constant 0 : i32
    %dma_wait3A_278 = arith.constant 0 : i32
    %dma_wait3A_279 = tpu.memref_slice %arg6[%dma_wait3A_275, %dma_wait3A_277, %dma_wait3A_278] : memref<4x128x64xf32, #tpu.memory_space<vmem>> -> memref<1x128x64xf32, #tpu.memory_space<vmem>>
    %dma_wait3A_280 = tpu.memref_squeeze %dma_wait3A_279 : memref<1x128x64xf32, #tpu.memory_space<vmem>> -> memref<128x64xf32, #tpu.memory_space<vmem>>
    %dma_wait3A_281 = arith.constant 0 : i32
    %dma_wait3A_282 = tpu.memref_slice %arg5[%dma_wait3A_274, %dma_wait3A_281] : memref<128x200xi32, #tpu.memory_space<vmem>> -> memref<1x128xi32, #tpu.memory_space<vmem>>
    %dma_wait3A_283 = tpu.memref_squeeze %dma_wait3A_282 : memref<1x128xi32, #tpu.memory_space<vmem>> -> memref<128xi32, #tpu.memory_space<vmem>>
    %dma_wait3A_284 = arith.constant 0 : i32
    %dma_wait3A_285 = arith.constant 0 : i32
    %dma_wait3A_286 = tpu.memref_slice %arg3[%dma_wait3A_284, %dma_wait3A_285] : memref<1000000x64xf32, #tpu.memory_space<hbm>> -> memref<1000000x64xf32, #tpu.memory_space<hbm>>
    %dma_wait3A_287 = tpu.memref_slice %arg8[%dma_wait3A_276] : memref<8x!tpu.dma_semaphore, #tpu.memory_space<semaphore_mem>> -> memref<1x!tpu.dma_semaphore, #tpu.memory_space<semaphore_mem>>
    %dma_wait3A_288 = tpu.memref_squeeze %dma_wait3A_287 : memref<1x!tpu.dma_semaphore, #tpu.memory_space<semaphore_mem>> -> memref<!tpu.dma_semaphore, #tpu.memory_space<semaphore_mem>>
    tpu.wait_indirect_dma semaphore(%dma_wait3A_288 : memref<!tpu.dma_semaphore, #tpu.memory_space<semaphore_mem>>) src(%dma_wait3A_286 : memref<1000000x64xf32, #tpu.memory_space<hbm>>) dst(%dma_wait3A_280 : memref<128x64xf32, #tpu.memory_space<vmem>>)
    %add3A_289 = arith.constant 126 : i32
    %add3A_290 = arith.addi %mul3A_2, %add3A_289 : i32
    %dma_start3A_291 = arith.constant 2 : i32
    %dma_start3A_292 = arith.constant 4 : i32
    %dma_start3A_293 = arith.constant 0 : i32
    %dma_start3A_294 = arith.constant 0 : i32
    %dma_start3A_295 = tpu.memref_slice %arg6[%dma_start3A_291, %dma_start3A_293, %dma_start3A_294] : memref<4x128x64xf32, #tpu.memory_space<vmem>> -> memref<1x128x64xf32, #tpu.memory_space<vmem>>
    %dma_start3A_296 = tpu.memref_squeeze %dma_start3A_295 : memref<1x128x64xf32, #tpu.memory_space<vmem>> -> memref<128x64xf32, #tpu.memory_space<vmem>>
    %dma_start3A_297 = arith.constant 0 : i32
    %dma_start3A_298 = arith.constant 0 : i32
    %dma_start3A_299 = tpu.memref_slice %arg4[%add3A_290, %dma_start3A_297, %dma_start3A_298] : memref<4096x200x64xf32, #tpu.memory_space<hbm>> -> memref<1x128x64xf32, #tpu.memory_space<hbm>>
    %dma_start3A_300 = tpu.memref_squeeze %dma_start3A_299 : memref<1x128x64xf32, #tpu.memory_space<hbm>> -> memref<128x64xf32, #tpu.memory_space<hbm>>
    %dma_start3A_301 = tpu.memref_slice %arg9[%dma_start3A_292] : memref<8x!tpu.dma_semaphore, #tpu.memory_space<semaphore_mem>> -> memref<1x!tpu.dma_semaphore, #tpu.memory_space<semaphore_mem>>
    %dma_start3A_302 = tpu.memref_squeeze %dma_start3A_301 : memref<1x!tpu.dma_semaphore, #tpu.memory_space<semaphore_mem>> -> memref<!tpu.dma_semaphore, #tpu.memory_space<semaphore_mem>>
    %dma_start3A_303 = arith.constant 0 : i32
    %dma_start3A_304 = arith.constant 0 : i32
    %dma_start3A_305 = tpu.memref_slice %arg4[%add3A_290, %dma_start3A_303, %dma_start3A_304] : memref<4096x200x64xf32, #tpu.memory_space<hbm>> -> memref<1x128x64xf32, #tpu.memory_space<hbm>>
    %dma_start3A_306 = tpu.memref_squeeze %dma_start3A_305 : memref<1x128x64xf32, #tpu.memory_space<hbm>> -> memref<128x64xf32, #tpu.memory_space<hbm>>
    %dma_start3A_307 = arith.constant 0 : i32
    %dma_start3A_308 = arith.constant 0 : i32
    %dma_start3A_309 = tpu.memref_slice %arg6[%dma_start3A_291, %dma_start3A_307, %dma_start3A_308] : memref<4x128x64xf32, #tpu.memory_space<vmem>> -> memref<1x128x64xf32, #tpu.memory_space<vmem>>
    %dma_start3A_310 = tpu.memref_squeeze %dma_start3A_309 : memref<1x128x64xf32, #tpu.memory_space<vmem>> -> memref<128x64xf32, #tpu.memory_space<vmem>>
    tpu.enqueue_dma source(%dma_start3A_310 : memref<128x64xf32, #tpu.memory_space<vmem>>) target(%dma_start3A_306 : memref<128x64xf32, #tpu.memory_space<hbm>>) target_semaphore(%dma_start3A_302 : memref<!tpu.dma_semaphore, #tpu.memory_space<semaphore_mem>>)
    %dma_wait3A_311 = arith.constant 0 : i32
    %dma_wait3A_312 = arith.constant 2 : i32
    %dma_wait3A_313 = arith.constant 5 : i32
    %dma_wait3A_314 = arith.constant 0 : i32
    %dma_wait3A_315 = arith.constant 0 : i32
    %dma_wait3A_316 = tpu.memref_slice %arg7[%dma_wait3A_312, %dma_wait3A_314, %dma_wait3A_315] : memref<4x72x64xf32, #tpu.memory_space<vmem>> -> memref<1x72x64xf32, #tpu.memory_space<vmem>>
    %dma_wait3A_317 = tpu.memref_squeeze %dma_wait3A_316 : memref<1x72x64xf32, #tpu.memory_space<vmem>> -> memref<72x64xf32, #tpu.memory_space<vmem>>
    %dma_wait3A_318 = arith.constant 128 : i32
    %dma_wait3A_319 = tpu.memref_slice %arg5[%dma_wait3A_311, %dma_wait3A_318] : memref<128x200xi32, #tpu.memory_space<vmem>> -> memref<1x72xi32, #tpu.memory_space<vmem>>
    %dma_wait3A_320 = tpu.memref_squeeze %dma_wait3A_319 : memref<1x72xi32, #tpu.memory_space<vmem>> -> memref<72xi32, #tpu.memory_space<vmem>>
    %dma_wait3A_321 = arith.constant 0 : i32
    %dma_wait3A_322 = arith.constant 0 : i32
    %dma_wait3A_323 = tpu.memref_slice %arg3[%dma_wait3A_321, %dma_wait3A_322] : memref<1000000x64xf32, #tpu.memory_space<hbm>> -> memref<1000000x64xf32, #tpu.memory_space<hbm>>
    %dma_wait3A_324 = tpu.memref_slice %arg8[%dma_wait3A_313] : memref<8x!tpu.dma_semaphore, #tpu.memory_space<semaphore_mem>> -> memref<1x!tpu.dma_semaphore, #tpu.memory_space<semaphore_mem>>
    %dma_wait3A_325 = tpu.memref_squeeze %dma_wait3A_324 : memref<1x!tpu.dma_semaphore, #tpu.memory_space<semaphore_mem>> -> memref<!tpu.dma_semaphore, #tpu.memory_space<semaphore_mem>>
    tpu.wait_indirect_dma semaphore(%dma_wait3A_325 : memref<!tpu.dma_semaphore, #tpu.memory_space<semaphore_mem>>) src(%dma_wait3A_323 : memref<1000000x64xf32, #tpu.memory_space<hbm>>) dst(%dma_wait3A_317 : memref<72x64xf32, #tpu.memory_space<vmem>>)
    %add3A_326 = arith.constant 126 : i32
    %add3A_327 = arith.addi %mul3A_2, %add3A_326 : i32
    %dma_start3A_328 = arith.constant 2 : i32
    %dma_start3A_329 = arith.constant 5 : i32
    %dma_start3A_330 = arith.constant 0 : i32
    %dma_start3A_331 = arith.constant 0 : i32
    %dma_start3A_332 = tpu.memref_slice %arg7[%dma_start3A_328, %dma_start3A_330, %dma_start3A_331] : memref<4x72x64xf32, #tpu.memory_space<vmem>> -> memref<1x72x64xf32, #tpu.memory_space<vmem>>
    %dma_start3A_333 = tpu.memref_squeeze %dma_start3A_332 : memref<1x72x64xf32, #tpu.memory_space<vmem>> -> memref<72x64xf32, #tpu.memory_space<vmem>>
    %dma_start3A_334 = arith.constant 128 : i32
    %dma_start3A_335 = arith.constant 0 : i32
    %dma_start3A_336 = tpu.memref_slice %arg4[%add3A_327, %dma_start3A_334, %dma_start3A_335] : memref<4096x200x64xf32, #tpu.memory_space<hbm>> -> memref<1x72x64xf32, #tpu.memory_space<hbm>>
    %dma_start3A_337 = tpu.memref_squeeze %dma_start3A_336 : memref<1x72x64xf32, #tpu.memory_space<hbm>> -> memref<72x64xf32, #tpu.memory_space<hbm>>
    %dma_start3A_338 = tpu.memref_slice %arg9[%dma_start3A_329] : memref<8x!tpu.dma_semaphore, #tpu.memory_space<semaphore_mem>> -> memref<1x!tpu.dma_semaphore, #tpu.memory_space<semaphore_mem>>
    %dma_start3A_339 = tpu.memref_squeeze %dma_start3A_338 : memref<1x!tpu.dma_semaphore, #tpu.memory_space<semaphore_mem>> -> memref<!tpu.dma_semaphore, #tpu.memory_space<semaphore_mem>>
    %dma_start3A_340 = arith.constant 128 : i32
    %dma_start3A_341 = arith.constant 0 : i32
    %dma_start3A_342 = tpu.memref_slice %arg4[%add3A_327, %dma_start3A_340, %dma_start3A_341] : memref<4096x200x64xf32, #tpu.memory_space<hbm>> -> memref<1x72x64xf32, #tpu.memory_space<hbm>>
    %dma_start3A_343 = tpu.memref_squeeze %dma_start3A_342 : memref<1x72x64xf32, #tpu.memory_space<hbm>> -> memref<72x64xf32, #tpu.memory_space<hbm>>
    %dma_start3A_344 = arith.constant 0 : i32
    %dma_start3A_345 = arith.constant 0 : i32
    %dma_start3A_346 = tpu.memref_slice %arg7[%dma_start3A_328, %dma_start3A_344, %dma_start3A_345] : memref<4x72x64xf32, #tpu.memory_space<vmem>> -> memref<1x72x64xf32, #tpu.memory_space<vmem>>
    %dma_start3A_347 = tpu.memref_squeeze %dma_start3A_346 : memref<1x72x64xf32, #tpu.memory_space<vmem>> -> memref<72x64xf32, #tpu.memory_space<vmem>>
    tpu.enqueue_dma source(%dma_start3A_347 : memref<72x64xf32, #tpu.memory_space<vmem>>) target(%dma_start3A_343 : memref<72x64xf32, #tpu.memory_space<hbm>>) target_semaphore(%dma_start3A_339 : memref<!tpu.dma_semaphore, #tpu.memory_space<semaphore_mem>>)
    %dma_wait3A_348 = arith.constant 0 : i32
    %dma_wait3A_349 = arith.constant 3 : i32
    %dma_wait3A_350 = arith.constant 6 : i32
    %dma_wait3A_351 = arith.constant 0 : i32
    %dma_wait3A_352 = arith.constant 0 : i32
    %dma_wait3A_353 = tpu.memref_slice %arg6[%dma_wait3A_349, %dma_wait3A_351, %dma_wait3A_352] : memref<4x128x64xf32, #tpu.memory_space<vmem>> -> memref<1x128x64xf32, #tpu.memory_space<vmem>>
    %dma_wait3A_354 = tpu.memref_squeeze %dma_wait3A_353 : memref<1x128x64xf32, #tpu.memory_space<vmem>> -> memref<128x64xf32, #tpu.memory_space<vmem>>
    %dma_wait3A_355 = arith.constant 0 : i32
    %dma_wait3A_356 = tpu.memref_slice %arg5[%dma_wait3A_348, %dma_wait3A_355] : memref<128x200xi32, #tpu.memory_space<vmem>> -> memref<1x128xi32, #tpu.memory_space<vmem>>
    %dma_wait3A_357 = tpu.memref_squeeze %dma_wait3A_356 : memref<1x128xi32, #tpu.memory_space<vmem>> -> memref<128xi32, #tpu.memory_space<vmem>>
    %dma_wait3A_358 = arith.constant 0 : i32
    %dma_wait3A_359 = arith.constant 0 : i32
    %dma_wait3A_360 = tpu.memref_slice %arg3[%dma_wait3A_358, %dma_wait3A_359] : memref<1000000x64xf32, #tpu.memory_space<hbm>> -> memref<1000000x64xf32, #tpu.memory_space<hbm>>
    %dma_wait3A_361 = tpu.memref_slice %arg8[%dma_wait3A_350] : memref<8x!tpu.dma_semaphore, #tpu.memory_space<semaphore_mem>> -> memref<1x!tpu.dma_semaphore, #tpu.memory_space<semaphore_mem>>
    %dma_wait3A_362 = tpu.memref_squeeze %dma_wait3A_361 : memref<1x!tpu.dma_semaphore, #tpu.memory_space<semaphore_mem>> -> memref<!tpu.dma_semaphore, #tpu.memory_space<semaphore_mem>>
    tpu.wait_indirect_dma semaphore(%dma_wait3A_362 : memref<!tpu.dma_semaphore, #tpu.memory_space<semaphore_mem>>) src(%dma_wait3A_360 : memref<1000000x64xf32, #tpu.memory_space<hbm>>) dst(%dma_wait3A_354 : memref<128x64xf32, #tpu.memory_space<vmem>>)
    %add3A_363 = arith.constant 127 : i32
    %add3A_364 = arith.addi %mul3A_2, %add3A_363 : i32
    %dma_start3A_365 = arith.constant 3 : i32
    %dma_start3A_366 = arith.constant 6 : i32
    %dma_start3A_367 = arith.constant 0 : i32
    %dma_start3A_368 = arith.constant 0 : i32
    %dma_start3A_369 = tpu.memref_slice %arg6[%dma_start3A_365, %dma_start3A_367, %dma_start3A_368] : memref<4x128x64xf32, #tpu.memory_space<vmem>> -> memref<1x128x64xf32, #tpu.memory_space<vmem>>
    %dma_start3A_370 = tpu.memref_squeeze %dma_start3A_369 : memref<1x128x64xf32, #tpu.memory_space<vmem>> -> memref<128x64xf32, #tpu.memory_space<vmem>>
    %dma_start3A_371 = arith.constant 0 : i32
    %dma_start3A_372 = arith.constant 0 : i32
    %dma_start3A_373 = tpu.memref_slice %arg4[%add3A_364, %dma_start3A_371, %dma_start3A_372] : memref<4096x200x64xf32, #tpu.memory_space<hbm>> -> memref<1x128x64xf32, #tpu.memory_space<hbm>>
    %dma_start3A_374 = tpu.memref_squeeze %dma_start3A_373 : memref<1x128x64xf32, #tpu.memory_space<hbm>> -> memref<128x64xf32, #tpu.memory_space<hbm>>
    %dma_start3A_375 = tpu.memref_slice %arg9[%dma_start3A_366] : memref<8x!tpu.dma_semaphore, #tpu.memory_space<semaphore_mem>> -> memref<1x!tpu.dma_semaphore, #tpu.memory_space<semaphore_mem>>
    %dma_start3A_376 = tpu.memref_squeeze %dma_start3A_375 : memref<1x!tpu.dma_semaphore, #tpu.memory_space<semaphore_mem>> -> memref<!tpu.dma_semaphore, #tpu.memory_space<semaphore_mem>>
    %dma_start3A_377 = arith.constant 0 : i32
    %dma_start3A_378 = arith.constant 0 : i32
    %dma_start3A_379 = tpu.memref_slice %arg4[%add3A_364, %dma_start3A_377, %dma_start3A_378] : memref<4096x200x64xf32, #tpu.memory_space<hbm>> -> memref<1x128x64xf32, #tpu.memory_space<hbm>>
    %dma_start3A_380 = tpu.memref_squeeze %dma_start3A_379 : memref<1x128x64xf32, #tpu.memory_space<hbm>> -> memref<128x64xf32, #tpu.memory_space<hbm>>
    %dma_start3A_381 = arith.constant 0 : i32
    %dma_start3A_382 = arith.constant 0 : i32
    %dma_start3A_383 = tpu.memref_slice %arg6[%dma_start3A_365, %dma_start3A_381, %dma_start3A_382] : memref<4x128x64xf32, #tpu.memory_space<vmem>> -> memref<1x128x64xf32, #tpu.memory_space<vmem>>
    %dma_start3A_384 = tpu.memref_squeeze %dma_start3A_383 : memref<1x128x64xf32, #tpu.memory_space<vmem>> -> memref<128x64xf32, #tpu.memory_space<vmem>>
    tpu.enqueue_dma source(%dma_start3A_384 : memref<128x64xf32, #tpu.memory_space<vmem>>) target(%dma_start3A_380 : memref<128x64xf32, #tpu.memory_space<hbm>>) target_semaphore(%dma_start3A_376 : memref<!tpu.dma_semaphore, #tpu.memory_space<semaphore_mem>>)
    %dma_wait3A_385 = arith.constant 0 : i32
    %dma_wait3A_386 = arith.constant 3 : i32
    %dma_wait3A_387 = arith.constant 7 : i32
    %dma_wait3A_388 = arith.constant 0 : i32
    %dma_wait3A_389 = arith.constant 0 : i32
    %dma_wait3A_390 = tpu.memref_slice %arg7[%dma_wait3A_386, %dma_wait3A_388, %dma_wait3A_389] : memref<4x72x64xf32, #tpu.memory_space<vmem>> -> memref<1x72x64xf32, #tpu.memory_space<vmem>>
    %dma_wait3A_391 = tpu.memref_squeeze %dma_wait3A_390 : memref<1x72x64xf32, #tpu.memory_space<vmem>> -> memref<72x64xf32, #tpu.memory_space<vmem>>
    %dma_wait3A_392 = arith.constant 128 : i32
    %dma_wait3A_393 = tpu.memref_slice %arg5[%dma_wait3A_385, %dma_wait3A_392] : memref<128x200xi32, #tpu.memory_space<vmem>> -> memref<1x72xi32, #tpu.memory_space<vmem>>
    %dma_wait3A_394 = tpu.memref_squeeze %dma_wait3A_393 : memref<1x72xi32, #tpu.memory_space<vmem>> -> memref<72xi32, #tpu.memory_space<vmem>>
    %dma_wait3A_395 = arith.constant 0 : i32
    %dma_wait3A_396 = arith.constant 0 : i32
    %dma_wait3A_397 = tpu.memref_slice %arg3[%dma_wait3A_395, %dma_wait3A_396] : memref<1000000x64xf32, #tpu.memory_space<hbm>> -> memref<1000000x64xf32, #tpu.memory_space<hbm>>
    %dma_wait3A_398 = tpu.memref_slice %arg8[%dma_wait3A_387] : memref<8x!tpu.dma_semaphore, #tpu.memory_space<semaphore_mem>> -> memref<1x!tpu.dma_semaphore, #tpu.memory_space<semaphore_mem>>
    %dma_wait3A_399 = tpu.memref_squeeze %dma_wait3A_398 : memref<1x!tpu.dma_semaphore, #tpu.memory_space<semaphore_mem>> -> memref<!tpu.dma_semaphore, #tpu.memory_space<semaphore_mem>>
    tpu.wait_indirect_dma semaphore(%dma_wait3A_399 : memref<!tpu.dma_semaphore, #tpu.memory_space<semaphore_mem>>) src(%dma_wait3A_397 : memref<1000000x64xf32, #tpu.memory_space<hbm>>) dst(%dma_wait3A_391 : memref<72x64xf32, #tpu.memory_space<vmem>>)
    %add3A_400 = arith.constant 127 : i32
    %add3A_401 = arith.addi %mul3A_2, %add3A_400 : i32
    %dma_start3A_402 = arith.constant 3 : i32
    %dma_start3A_403 = arith.constant 7 : i32
    %dma_start3A_404 = arith.constant 0 : i32
    %dma_start3A_405 = arith.constant 0 : i32
    %dma_start3A_406 = tpu.memref_slice %arg7[%dma_start3A_402, %dma_start3A_404, %dma_start3A_405] : memref<4x72x64xf32, #tpu.memory_space<vmem>> -> memref<1x72x64xf32, #tpu.memory_space<vmem>>
    %dma_start3A_407 = tpu.memref_squeeze %dma_start3A_406 : memref<1x72x64xf32, #tpu.memory_space<vmem>> -> memref<72x64xf32, #tpu.memory_space<vmem>>
    %dma_start3A_408 = arith.constant 128 : i32
    %dma_start3A_409 = arith.constant 0 : i32
    %dma_start3A_410 = tpu.memref_slice %arg4[%add3A_401, %dma_start3A_408, %dma_start3A_409] : memref<4096x200x64xf32, #tpu.memory_space<hbm>> -> memref<1x72x64xf32, #tpu.memory_space<hbm>>
    %dma_start3A_411 = tpu.memref_squeeze %dma_start3A_410 : memref<1x72x64xf32, #tpu.memory_space<hbm>> -> memref<72x64xf32, #tpu.memory_space<hbm>>
    %dma_start3A_412 = tpu.memref_slice %arg9[%dma_start3A_403] : memref<8x!tpu.dma_semaphore, #tpu.memory_space<semaphore_mem>> -> memref<1x!tpu.dma_semaphore, #tpu.memory_space<semaphore_mem>>
    %dma_start3A_413 = tpu.memref_squeeze %dma_start3A_412 : memref<1x!tpu.dma_semaphore, #tpu.memory_space<semaphore_mem>> -> memref<!tpu.dma_semaphore, #tpu.memory_space<semaphore_mem>>
    %dma_start3A_414 = arith.constant 128 : i32
    %dma_start3A_415 = arith.constant 0 : i32
    %dma_start3A_416 = tpu.memref_slice %arg4[%add3A_401, %dma_start3A_414, %dma_start3A_415] : memref<4096x200x64xf32, #tpu.memory_space<hbm>> -> memref<1x72x64xf32, #tpu.memory_space<hbm>>
    %dma_start3A_417 = tpu.memref_squeeze %dma_start3A_416 : memref<1x72x64xf32, #tpu.memory_space<hbm>> -> memref<72x64xf32, #tpu.memory_space<hbm>>
    %dma_start3A_418 = arith.constant 0 : i32
    %dma_start3A_419 = arith.constant 0 : i32
    %dma_start3A_420 = tpu.memref_slice %arg7[%dma_start3A_402, %dma_start3A_418, %dma_start3A_419] : memref<4x72x64xf32, #tpu.memory_space<vmem>> -> memref<1x72x64xf32, #tpu.memory_space<vmem>>
    %dma_start3A_421 = tpu.memref_squeeze %dma_start3A_420 : memref<1x72x64xf32, #tpu.memory_space<vmem>> -> memref<72x64xf32, #tpu.memory_space<vmem>>
    tpu.enqueue_dma source(%dma_start3A_421 : memref<72x64xf32, #tpu.memory_space<vmem>>) target(%dma_start3A_417 : memref<72x64xf32, #tpu.memory_space<hbm>>) target_semaphore(%dma_start3A_413 : memref<!tpu.dma_semaphore, #tpu.memory_space<semaphore_mem>>)
    %dma_wait3A_422 = arith.constant 0 : i32
    %dma_wait3A_423 = arith.constant 0 : i32
    %dma_wait3A_424 = arith.constant 0 : i32
    %dma_wait3A_425 = arith.constant 0 : i32
    %dma_wait3A_426 = tpu.memref_slice %arg6[%dma_wait3A_422, %dma_wait3A_424, %dma_wait3A_425] : memref<4x128x64xf32, #tpu.memory_space<vmem>> -> memref<1x128x64xf32, #tpu.memory_space<vmem>>
    %dma_wait3A_427 = tpu.memref_squeeze %dma_wait3A_426 : memref<1x128x64xf32, #tpu.memory_space<vmem>> -> memref<128x64xf32, #tpu.memory_space<vmem>>
    %dma_wait3A_428 = arith.constant 0 : i32
    %dma_wait3A_429 = arith.constant 0 : i32
    %dma_wait3A_430 = tpu.memref_slice %arg4[%mul3A_2, %dma_wait3A_428, %dma_wait3A_429] : memref<4096x200x64xf32, #tpu.memory_space<hbm>> -> memref<1x128x64xf32, #tpu.memory_space<hbm>>
    %dma_wait3A_431 = tpu.memref_squeeze %dma_wait3A_430 : memref<1x128x64xf32, #tpu.memory_space<hbm>> -> memref<128x64xf32, #tpu.memory_space<hbm>>
    %dma_wait3A_432 = tpu.memref_slice %arg9[%dma_wait3A_423] : memref<8x!tpu.dma_semaphore, #tpu.memory_space<semaphore_mem>> -> memref<1x!tpu.dma_semaphore, #tpu.memory_space<semaphore_mem>>
    %dma_wait3A_433 = tpu.memref_squeeze %dma_wait3A_432 : memref<1x!tpu.dma_semaphore, #tpu.memory_space<semaphore_mem>> -> memref<!tpu.dma_semaphore, #tpu.memory_space<semaphore_mem>>
    %dma_wait3A_434 = arith.constant 0 : i32
    %dma_wait3A_435 = arith.constant 0 : i32
    %dma_wait3A_436 = tpu.memref_slice %arg4[%mul3A_2, %dma_wait3A_434, %dma_wait3A_435] : memref<4096x200x64xf32, #tpu.memory_space<hbm>> -> memref<1x128x64xf32, #tpu.memory_space<hbm>>
    %dma_wait3A_437 = tpu.memref_squeeze %dma_wait3A_436 : memref<1x128x64xf32, #tpu.memory_space<hbm>> -> memref<128x64xf32, #tpu.memory_space<hbm>>
    %dma_wait3A_438 = arith.constant 0 : i32
    %dma_wait3A_439 = arith.constant 0 : i32
    %dma_wait3A_440 = tpu.memref_slice %arg6[%dma_wait3A_422, %dma_wait3A_438, %dma_wait3A_439] : memref<4x128x64xf32, #tpu.memory_space<vmem>> -> memref<1x128x64xf32, #tpu.memory_space<vmem>>
    %dma_wait3A_441 = tpu.memref_squeeze %dma_wait3A_440 : memref<1x128x64xf32, #tpu.memory_space<vmem>> -> memref<128x64xf32, #tpu.memory_space<vmem>>
    tpu.wait_dma2 semaphore(%dma_wait3A_433 : memref<!tpu.dma_semaphore, #tpu.memory_space<semaphore_mem>>) src(%dma_wait3A_441 : memref<128x64xf32, #tpu.memory_space<vmem>>) dst(%dma_wait3A_437 : memref<128x64xf32, #tpu.memory_space<hbm>>)
    %dma_wait3A_442 = arith.constant 0 : i32
    %dma_wait3A_443 = arith.constant 1 : i32
    %dma_wait3A_444 = arith.constant 0 : i32
    %dma_wait3A_445 = arith.constant 0 : i32
    %dma_wait3A_446 = tpu.memref_slice %arg7[%dma_wait3A_442, %dma_wait3A_444, %dma_wait3A_445] : memref<4x72x64xf32, #tpu.memory_space<vmem>> -> memref<1x72x64xf32, #tpu.memory_space<vmem>>
    %dma_wait3A_447 = tpu.memref_squeeze %dma_wait3A_446 : memref<1x72x64xf32, #tpu.memory_space<vmem>> -> memref<72x64xf32, #tpu.memory_space<vmem>>
    %dma_wait3A_448 = arith.constant 128 : i32
    %dma_wait3A_449 = arith.constant 0 : i32
    %dma_wait3A_450 = tpu.memref_slice %arg4[%mul3A_2, %dma_wait3A_448, %dma_wait3A_449] : memref<4096x200x64xf32, #tpu.memory_space<hbm>> -> memref<1x72x64xf32, #tpu.memory_space<hbm>>
    %dma_wait3A_451 = tpu.memref_squeeze %dma_wait3A_450 : memref<1x72x64xf32, #tpu.memory_space<hbm>> -> memref<72x64xf32, #tpu.memory_space<hbm>>
    %dma_wait3A_452 = tpu.memref_slice %arg9[%dma_wait3A_443] : memref<8x!tpu.dma_semaphore, #tpu.memory_space<semaphore_mem>> -> memref<1x!tpu.dma_semaphore, #tpu.memory_space<semaphore_mem>>
    %dma_wait3A_453 = tpu.memref_squeeze %dma_wait3A_452 : memref<1x!tpu.dma_semaphore, #tpu.memory_space<semaphore_mem>> -> memref<!tpu.dma_semaphore, #tpu.memory_space<semaphore_mem>>
    %dma_wait3A_454 = arith.constant 128 : i32
    %dma_wait3A_455 = arith.constant 0 : i32
    %dma_wait3A_456 = tpu.memref_slice %arg4[%mul3A_2, %dma_wait3A_454, %dma_wait3A_455] : memref<4096x200x64xf32, #tpu.memory_space<hbm>> -> memref<1x72x64xf32, #tpu.memory_space<hbm>>
    %dma_wait3A_457 = tpu.memref_squeeze %dma_wait3A_456 : memref<1x72x64xf32, #tpu.memory_space<hbm>> -> memref<72x64xf32, #tpu.memory_space<hbm>>
    %dma_wait3A_458 = arith.constant 0 : i32
    %dma_wait3A_459 = arith.constant 0 : i32
    %dma_wait3A_460 = tpu.memref_slice %arg7[%dma_wait3A_442, %dma_wait3A_458, %dma_wait3A_459] : memref<4x72x64xf32, #tpu.memory_space<vmem>> -> memref<1x72x64xf32, #tpu.memory_space<vmem>>
    %dma_wait3A_461 = tpu.memref_squeeze %dma_wait3A_460 : memref<1x72x64xf32, #tpu.memory_space<vmem>> -> memref<72x64xf32, #tpu.memory_space<vmem>>
    tpu.wait_dma2 semaphore(%dma_wait3A_453 : memref<!tpu.dma_semaphore, #tpu.memory_space<semaphore_mem>>) src(%dma_wait3A_461 : memref<72x64xf32, #tpu.memory_space<vmem>>) dst(%dma_wait3A_457 : memref<72x64xf32, #tpu.memory_space<hbm>>)
    %dma_wait3A_462 = arith.constant 1 : i32
    %dma_wait3A_463 = arith.constant 2 : i32
    %dma_wait3A_464 = arith.constant 0 : i32
    %dma_wait3A_465 = arith.constant 0 : i32
    %dma_wait3A_466 = tpu.memref_slice %arg6[%dma_wait3A_462, %dma_wait3A_464, %dma_wait3A_465] : memref<4x128x64xf32, #tpu.memory_space<vmem>> -> memref<1x128x64xf32, #tpu.memory_space<vmem>>
    %dma_wait3A_467 = tpu.memref_squeeze %dma_wait3A_466 : memref<1x128x64xf32, #tpu.memory_space<vmem>> -> memref<128x64xf32, #tpu.memory_space<vmem>>
    %dma_wait3A_468 = arith.constant 0 : i32
    %dma_wait3A_469 = arith.constant 0 : i32
    %dma_wait3A_470 = tpu.memref_slice %arg4[%mul3A_2, %dma_wait3A_468, %dma_wait3A_469] : memref<4096x200x64xf32, #tpu.memory_space<hbm>> -> memref<1x128x64xf32, #tpu.memory_space<hbm>>
    %dma_wait3A_471 = tpu.memref_squeeze %dma_wait3A_470 : memref<1x128x64xf32, #tpu.memory_space<hbm>> -> memref<128x64xf32, #tpu.memory_space<hbm>>
    %dma_wait3A_472 = tpu.memref_slice %arg9[%dma_wait3A_463] : memref<8x!tpu.dma_semaphore, #tpu.memory_space<semaphore_mem>> -> memref<1x!tpu.dma_semaphore, #tpu.memory_space<semaphore_mem>>
    %dma_wait3A_473 = tpu.memref_squeeze %dma_wait3A_472 : memref<1x!tpu.dma_semaphore, #tpu.memory_space<semaphore_mem>> -> memref<!tpu.dma_semaphore, #tpu.memory_space<semaphore_mem>>
    %dma_wait3A_474 = arith.constant 0 : i32
    %dma_wait3A_475 = arith.constant 0 : i32
    %dma_wait3A_476 = tpu.memref_slice %arg4[%mul3A_2, %dma_wait3A_474, %dma_wait3A_475] : memref<4096x200x64xf32, #tpu.memory_space<hbm>> -> memref<1x128x64xf32, #tpu.memory_space<hbm>>
    %dma_wait3A_477 = tpu.memref_squeeze %dma_wait3A_476 : memref<1x128x64xf32, #tpu.memory_space<hbm>> -> memref<128x64xf32, #tpu.memory_space<hbm>>
    %dma_wait3A_478 = arith.constant 0 : i32
    %dma_wait3A_479 = arith.constant 0 : i32
    %dma_wait3A_480 = tpu.memref_slice %arg6[%dma_wait3A_462, %dma_wait3A_478, %dma_wait3A_479] : memref<4x128x64xf32, #tpu.memory_space<vmem>> -> memref<1x128x64xf32, #tpu.memory_space<vmem>>
    %dma_wait3A_481 = tpu.memref_squeeze %dma_wait3A_480 : memref<1x128x64xf32, #tpu.memory_space<vmem>> -> memref<128x64xf32, #tpu.memory_space<vmem>>
    tpu.wait_dma2 semaphore(%dma_wait3A_473 : memref<!tpu.dma_semaphore, #tpu.memory_space<semaphore_mem>>) src(%dma_wait3A_481 : memref<128x64xf32, #tpu.memory_space<vmem>>) dst(%dma_wait3A_477 : memref<128x64xf32, #tpu.memory_space<hbm>>)
    %dma_wait3A_482 = arith.constant 1 : i32
    %dma_wait3A_483 = arith.constant 3 : i32
    %dma_wait3A_484 = arith.constant 0 : i32
    %dma_wait3A_485 = arith.constant 0 : i32
    %dma_wait3A_486 = tpu.memref_slice %arg7[%dma_wait3A_482, %dma_wait3A_484, %dma_wait3A_485] : memref<4x72x64xf32, #tpu.memory_space<vmem>> -> memref<1x72x64xf32, #tpu.memory_space<vmem>>
    %dma_wait3A_487 = tpu.memref_squeeze %dma_wait3A_486 : memref<1x72x64xf32, #tpu.memory_space<vmem>> -> memref<72x64xf32, #tpu.memory_space<vmem>>
    %dma_wait3A_488 = arith.constant 128 : i32
    %dma_wait3A_489 = arith.constant 0 : i32
    %dma_wait3A_490 = tpu.memref_slice %arg4[%mul3A_2, %dma_wait3A_488, %dma_wait3A_489] : memref<4096x200x64xf32, #tpu.memory_space<hbm>> -> memref<1x72x64xf32, #tpu.memory_space<hbm>>
    %dma_wait3A_491 = tpu.memref_squeeze %dma_wait3A_490 : memref<1x72x64xf32, #tpu.memory_space<hbm>> -> memref<72x64xf32, #tpu.memory_space<hbm>>
    %dma_wait3A_492 = tpu.memref_slice %arg9[%dma_wait3A_483] : memref<8x!tpu.dma_semaphore, #tpu.memory_space<semaphore_mem>> -> memref<1x!tpu.dma_semaphore, #tpu.memory_space<semaphore_mem>>
    %dma_wait3A_493 = tpu.memref_squeeze %dma_wait3A_492 : memref<1x!tpu.dma_semaphore, #tpu.memory_space<semaphore_mem>> -> memref<!tpu.dma_semaphore, #tpu.memory_space<semaphore_mem>>
    %dma_wait3A_494 = arith.constant 128 : i32
    %dma_wait3A_495 = arith.constant 0 : i32
    %dma_wait3A_496 = tpu.memref_slice %arg4[%mul3A_2, %dma_wait3A_494, %dma_wait3A_495] : memref<4096x200x64xf32, #tpu.memory_space<hbm>> -> memref<1x72x64xf32, #tpu.memory_space<hbm>>
    %dma_wait3A_497 = tpu.memref_squeeze %dma_wait3A_496 : memref<1x72x64xf32, #tpu.memory_space<hbm>> -> memref<72x64xf32, #tpu.memory_space<hbm>>
    %dma_wait3A_498 = arith.constant 0 : i32
    %dma_wait3A_499 = arith.constant 0 : i32
    %dma_wait3A_500 = tpu.memref_slice %arg7[%dma_wait3A_482, %dma_wait3A_498, %dma_wait3A_499] : memref<4x72x64xf32, #tpu.memory_space<vmem>> -> memref<1x72x64xf32, #tpu.memory_space<vmem>>
    %dma_wait3A_501 = tpu.memref_squeeze %dma_wait3A_500 : memref<1x72x64xf32, #tpu.memory_space<vmem>> -> memref<72x64xf32, #tpu.memory_space<vmem>>
    tpu.wait_dma2 semaphore(%dma_wait3A_493 : memref<!tpu.dma_semaphore, #tpu.memory_space<semaphore_mem>>) src(%dma_wait3A_501 : memref<72x64xf32, #tpu.memory_space<vmem>>) dst(%dma_wait3A_497 : memref<72x64xf32, #tpu.memory_space<hbm>>)
    %dma_wait3A_502 = arith.constant 2 : i32
    %dma_wait3A_503 = arith.constant 4 : i32
    %dma_wait3A_504 = arith.constant 0 : i32
    %dma_wait3A_505 = arith.constant 0 : i32
    %dma_wait3A_506 = tpu.memref_slice %arg6[%dma_wait3A_502, %dma_wait3A_504, %dma_wait3A_505] : memref<4x128x64xf32, #tpu.memory_space<vmem>> -> memref<1x128x64xf32, #tpu.memory_space<vmem>>
    %dma_wait3A_507 = tpu.memref_squeeze %dma_wait3A_506 : memref<1x128x64xf32, #tpu.memory_space<vmem>> -> memref<128x64xf32, #tpu.memory_space<vmem>>
    %dma_wait3A_508 = arith.constant 0 : i32
    %dma_wait3A_509 = arith.constant 0 : i32
    %dma_wait3A_510 = tpu.memref_slice %arg4[%mul3A_2, %dma_wait3A_508, %dma_wait3A_509] : memref<4096x200x64xf32, #tpu.memory_space<hbm>> -> memref<1x128x64xf32, #tpu.memory_space<hbm>>
    %dma_wait3A_511 = tpu.memref_squeeze %dma_wait3A_510 : memref<1x128x64xf32, #tpu.memory_space<hbm>> -> memref<128x64xf32, #tpu.memory_space<hbm>>
    %dma_wait3A_512 = tpu.memref_slice %arg9[%dma_wait3A_503] : memref<8x!tpu.dma_semaphore, #tpu.memory_space<semaphore_mem>> -> memref<1x!tpu.dma_semaphore, #tpu.memory_space<semaphore_mem>>
    %dma_wait3A_513 = tpu.memref_squeeze %dma_wait3A_512 : memref<1x!tpu.dma_semaphore, #tpu.memory_space<semaphore_mem>> -> memref<!tpu.dma_semaphore, #tpu.memory_space<semaphore_mem>>
    %dma_wait3A_514 = arith.constant 0 : i32
    %dma_wait3A_515 = arith.constant 0 : i32
    %dma_wait3A_516 = tpu.memref_slice %arg4[%mul3A_2, %dma_wait3A_514, %dma_wait3A_515] : memref<4096x200x64xf32, #tpu.memory_space<hbm>> -> memref<1x128x64xf32, #tpu.memory_space<hbm>>
    %dma_wait3A_517 = tpu.memref_squeeze %dma_wait3A_516 : memref<1x128x64xf32, #tpu.memory_space<hbm>> -> memref<128x64xf32, #tpu.memory_space<hbm>>
    %dma_wait3A_518 = arith.constant 0 : i32
    %dma_wait3A_519 = arith.constant 0 : i32
    %dma_wait3A_520 = tpu.memref_slice %arg6[%dma_wait3A_502, %dma_wait3A_518, %dma_wait3A_519] : memref<4x128x64xf32, #tpu.memory_space<vmem>> -> memref<1x128x64xf32, #tpu.memory_space<vmem>>
    %dma_wait3A_521 = tpu.memref_squeeze %dma_wait3A_520 : memref<1x128x64xf32, #tpu.memory_space<vmem>> -> memref<128x64xf32, #tpu.memory_space<vmem>>
    tpu.wait_dma2 semaphore(%dma_wait3A_513 : memref<!tpu.dma_semaphore, #tpu.memory_space<semaphore_mem>>) src(%dma_wait3A_521 : memref<128x64xf32, #tpu.memory_space<vmem>>) dst(%dma_wait3A_517 : memref<128x64xf32, #tpu.memory_space<hbm>>)
    %dma_wait3A_522 = arith.constant 2 : i32
    %dma_wait3A_523 = arith.constant 5 : i32
    %dma_wait3A_524 = arith.constant 0 : i32
    %dma_wait3A_525 = arith.constant 0 : i32
    %dma_wait3A_526 = tpu.memref_slice %arg7[%dma_wait3A_522, %dma_wait3A_524, %dma_wait3A_525] : memref<4x72x64xf32, #tpu.memory_space<vmem>> -> memref<1x72x64xf32, #tpu.memory_space<vmem>>
    %dma_wait3A_527 = tpu.memref_squeeze %dma_wait3A_526 : memref<1x72x64xf32, #tpu.memory_space<vmem>> -> memref<72x64xf32, #tpu.memory_space<vmem>>
    %dma_wait3A_528 = arith.constant 128 : i32
    %dma_wait3A_529 = arith.constant 0 : i32
    %dma_wait3A_530 = tpu.memref_slice %arg4[%mul3A_2, %dma_wait3A_528, %dma_wait3A_529] : memref<4096x200x64xf32, #tpu.memory_space<hbm>> -> memref<1x72x64xf32, #tpu.memory_space<hbm>>
    %dma_wait3A_531 = tpu.memref_squeeze %dma_wait3A_530 : memref<1x72x64xf32, #tpu.memory_space<hbm>> -> memref<72x64xf32, #tpu.memory_space<hbm>>
    %dma_wait3A_532 = tpu.memref_slice %arg9[%dma_wait3A_523] : memref<8x!tpu.dma_semaphore, #tpu.memory_space<semaphore_mem>> -> memref<1x!tpu.dma_semaphore, #tpu.memory_space<semaphore_mem>>
    %dma_wait3A_533 = tpu.memref_squeeze %dma_wait3A_532 : memref<1x!tpu.dma_semaphore, #tpu.memory_space<semaphore_mem>> -> memref<!tpu.dma_semaphore, #tpu.memory_space<semaphore_mem>>
    %dma_wait3A_534 = arith.constant 128 : i32
    %dma_wait3A_535 = arith.constant 0 : i32
    %dma_wait3A_536 = tpu.memref_slice %arg4[%mul3A_2, %dma_wait3A_534, %dma_wait3A_535] : memref<4096x200x64xf32, #tpu.memory_space<hbm>> -> memref<1x72x64xf32, #tpu.memory_space<hbm>>
    %dma_wait3A_537 = tpu.memref_squeeze %dma_wait3A_536 : memref<1x72x64xf32, #tpu.memory_space<hbm>> -> memref<72x64xf32, #tpu.memory_space<hbm>>
    %dma_wait3A_538 = arith.constant 0 : i32
    %dma_wait3A_539 = arith.constant 0 : i32
    %dma_wait3A_540 = tpu.memref_slice %arg7[%dma_wait3A_522, %dma_wait3A_538, %dma_wait3A_539] : memref<4x72x64xf32, #tpu.memory_space<vmem>> -> memref<1x72x64xf32, #tpu.memory_space<vmem>>
    %dma_wait3A_541 = tpu.memref_squeeze %dma_wait3A_540 : memref<1x72x64xf32, #tpu.memory_space<vmem>> -> memref<72x64xf32, #tpu.memory_space<vmem>>
    tpu.wait_dma2 semaphore(%dma_wait3A_533 : memref<!tpu.dma_semaphore, #tpu.memory_space<semaphore_mem>>) src(%dma_wait3A_541 : memref<72x64xf32, #tpu.memory_space<vmem>>) dst(%dma_wait3A_537 : memref<72x64xf32, #tpu.memory_space<hbm>>)
    %dma_wait3A_542 = arith.constant 3 : i32
    %dma_wait3A_543 = arith.constant 6 : i32
    %dma_wait3A_544 = arith.constant 0 : i32
    %dma_wait3A_545 = arith.constant 0 : i32
    %dma_wait3A_546 = tpu.memref_slice %arg6[%dma_wait3A_542, %dma_wait3A_544, %dma_wait3A_545] : memref<4x128x64xf32, #tpu.memory_space<vmem>> -> memref<1x128x64xf32, #tpu.memory_space<vmem>>
    %dma_wait3A_547 = tpu.memref_squeeze %dma_wait3A_546 : memref<1x128x64xf32, #tpu.memory_space<vmem>> -> memref<128x64xf32, #tpu.memory_space<vmem>>
    %dma_wait3A_548 = arith.constant 0 : i32
    %dma_wait3A_549 = arith.constant 0 : i32
    %dma_wait3A_550 = tpu.memref_slice %arg4[%mul3A_2, %dma_wait3A_548, %dma_wait3A_549] : memref<4096x200x64xf32, #tpu.memory_space<hbm>> -> memref<1x128x64xf32, #tpu.memory_space<hbm>>
    %dma_wait3A_551 = tpu.memref_squeeze %dma_wait3A_550 : memref<1x128x64xf32, #tpu.memory_space<hbm>> -> memref<128x64xf32, #tpu.memory_space<hbm>>
    %dma_wait3A_552 = tpu.memref_slice %arg9[%dma_wait3A_543] : memref<8x!tpu.dma_semaphore, #tpu.memory_space<semaphore_mem>> -> memref<1x!tpu.dma_semaphore, #tpu.memory_space<semaphore_mem>>
    %dma_wait3A_553 = tpu.memref_squeeze %dma_wait3A_552 : memref<1x!tpu.dma_semaphore, #tpu.memory_space<semaphore_mem>> -> memref<!tpu.dma_semaphore, #tpu.memory_space<semaphore_mem>>
    %dma_wait3A_554 = arith.constant 0 : i32
    %dma_wait3A_555 = arith.constant 0 : i32
    %dma_wait3A_556 = tpu.memref_slice %arg4[%mul3A_2, %dma_wait3A_554, %dma_wait3A_555] : memref<4096x200x64xf32, #tpu.memory_space<hbm>> -> memref<1x128x64xf32, #tpu.memory_space<hbm>>
    %dma_wait3A_557 = tpu.memref_squeeze %dma_wait3A_556 : memref<1x128x64xf32, #tpu.memory_space<hbm>> -> memref<128x64xf32, #tpu.memory_space<hbm>>
    %dma_wait3A_558 = arith.constant 0 : i32
    %dma_wait3A_559 = arith.constant 0 : i32
    %dma_wait3A_560 = tpu.memref_slice %arg6[%dma_wait3A_542, %dma_wait3A_558, %dma_wait3A_559] : memref<4x128x64xf32, #tpu.memory_space<vmem>> -> memref<1x128x64xf32, #tpu.memory_space<vmem>>
    %dma_wait3A_561 = tpu.memref_squeeze %dma_wait3A_560 : memref<1x128x64xf32, #tpu.memory_space<vmem>> -> memref<128x64xf32, #tpu.memory_space<vmem>>
    tpu.wait_dma2 semaphore(%dma_wait3A_553 : memref<!tpu.dma_semaphore, #tpu.memory_space<semaphore_mem>>) src(%dma_wait3A_561 : memref<128x64xf32, #tpu.memory_space<vmem>>) dst(%dma_wait3A_557 : memref<128x64xf32, #tpu.memory_space<hbm>>)
    %dma_wait3A_562 = arith.constant 3 : i32
    %dma_wait3A_563 = arith.constant 7 : i32
    %dma_wait3A_564 = arith.constant 0 : i32
    %dma_wait3A_565 = arith.constant 0 : i32
    %dma_wait3A_566 = tpu.memref_slice %arg7[%dma_wait3A_562, %dma_wait3A_564, %dma_wait3A_565] : memref<4x72x64xf32, #tpu.memory_space<vmem>> -> memref<1x72x64xf32, #tpu.memory_space<vmem>>
    %dma_wait3A_567 = tpu.memref_squeeze %dma_wait3A_566 : memref<1x72x64xf32, #tpu.memory_space<vmem>> -> memref<72x64xf32, #tpu.memory_space<vmem>>
    %dma_wait3A_568 = arith.constant 128 : i32
    %dma_wait3A_569 = arith.constant 0 : i32
    %dma_wait3A_570 = tpu.memref_slice %arg4[%mul3A_2, %dma_wait3A_568, %dma_wait3A_569] : memref<4096x200x64xf32, #tpu.memory_space<hbm>> -> memref<1x72x64xf32, #tpu.memory_space<hbm>>
    %dma_wait3A_571 = tpu.memref_squeeze %dma_wait3A_570 : memref<1x72x64xf32, #tpu.memory_space<hbm>> -> memref<72x64xf32, #tpu.memory_space<hbm>>
    %dma_wait3A_572 = tpu.memref_slice %arg9[%dma_wait3A_563] : memref<8x!tpu.dma_semaphore, #tpu.memory_space<semaphore_mem>> -> memref<1x!tpu.dma_semaphore, #tpu.memory_space<semaphore_mem>>
    %dma_wait3A_573 = tpu.memref_squeeze %dma_wait3A_572 : memref<1x!tpu.dma_semaphore, #tpu.memory_space<semaphore_mem>> -> memref<!tpu.dma_semaphore, #tpu.memory_space<semaphore_mem>>
    %dma_wait3A_574 = arith.constant 128 : i32
    %dma_wait3A_575 = arith.constant 0 : i32
    %dma_wait3A_576 = tpu.memref_slice %arg4[%mul3A_2, %dma_wait3A_574, %dma_wait3A_575] : memref<4096x200x64xf32, #tpu.memory_space<hbm>> -> memref<1x72x64xf32, #tpu.memory_space<hbm>>
    %dma_wait3A_577 = tpu.memref_squeeze %dma_wait3A_576 : memref<1x72x64xf32, #tpu.memory_space<hbm>> -> memref<72x64xf32, #tpu.memory_space<hbm>>
    %dma_wait3A_578 = arith.constant 0 : i32
    %dma_wait3A_579 = arith.constant 0 : i32
    %dma_wait3A_580 = tpu.memref_slice %arg7[%dma_wait3A_562, %dma_wait3A_578, %dma_wait3A_579] : memref<4x72x64xf32, #tpu.memory_space<vmem>> -> memref<1x72x64xf32, #tpu.memory_space<vmem>>
    %dma_wait3A_581 = tpu.memref_squeeze %dma_wait3A_580 : memref<1x72x64xf32, #tpu.memory_space<vmem>> -> memref<72x64xf32, #tpu.memory_space<vmem>>
    tpu.wait_dma2 semaphore(%dma_wait3A_573 : memref<!tpu.dma_semaphore, #tpu.memory_space<semaphore_mem>>) src(%dma_wait3A_581 : memref<72x64xf32, #tpu.memory_space<vmem>>) dst(%dma_wait3A_577 : memref<72x64xf32, #tpu.memory_space<hbm>>)
    return
  }
}

</mosaic_0001>

<sc_bundles>
// kernel: kernel.3.cloned.1.call-start
scs
__scs_entry_jumppad:
0x0: {  	(pc) =	sbr.rel $0x88, $3  }
0x1: {  	(tag) =	ssettag $0x0;
	lr =	simm.s32 $0x1  }
0x2: {  	[smem:$0x3F9F] =	sst lr;
	_ =	strace $0xD0000000  }
0x3: {  	_ = 	snop  }
0x4: {  	_ = 	snop  }
0x5: {  	_ = 	snop  }
0x6: {  	_ = 	snop  }
0x7: {  	_ = 	snop  }
__scs_overlays_trampoline_lowered:
0x8: {  	[smem:$0x3FAE] =	sst s0  }
0x9: {  	[smem:$0x3FAF] =	sst s1  }
0xa: {  	[smem:$0x3FB0] =	sst s2  }
0xb: {  	[smem:$0x3FB1] =	sst s3  }
0xc: {  	[smem:$0x3FB2] =	sst s4  }
0xd: {  	[smem:$0x3FB3] =	sst s5  }
0xe: {  	[smem:$0x3FB4] =	sst s6  }
0xf: {  	[smem:$0x3FB5] =	sst s7  }
0x10: {  	[smem:$0x3FB6] =	sst s8  }
0x11: {  	[smem:$0x3FB7] =	sst s9;
	s0 =	simm.s32 @!p0 $0x0  }
0x12: {  	s1 =	sld [smem:$0x3F9D];
	s0 =	simm.s32 @p0 $0x1  }
0x13: {  	[smem:$0x3FB8] =	sst s0;
	s0 =	simm.s32 @!p1 $0x0  }
0x14: {  	s2 =	sld [smem:$0x3F9C];
	s0 =	simm.s32 @p1 $0x1  }
0x15: {  	[smem:$0x3FB9] =	sst s0;
	s0 =	simm.s32 @!p2 $0x0  }
0x16: {  	s3 =	sld [smem:$0x3FDB];
	s0 =	simm.s32 @p2 $0x1  }
0x17: {  	s4 =	simm.s32 $0x1BF5;
	[smem:$0x3FBB] =	sst s0  }
0x18: {  	s0 =	sld [smem:$0x3F9E];
	_ =	swait.ge [sflag:s4], $0x0  }
0x19: {  	s7 =	sld [smem:$0x3F9F]  }
0x1a: {  	s8 =	sadd.s32 $0xFFFFE003, lr  }
0x1b: {  	s9 =	sadd.s32 $0xFFFFFEF7, lr;
	s5 =	simm.s32 $0xFFFFFFFF;
	p2 =	slt.u32 s8, $0xFFFFF086  }
0x1c: {  	p1 =	slt.u32 s9, $0xF7A;
	s5 =	simm.s32 @!p2 $0x0  }
0x1d: {  	s5 =	simm.s32 @p1 $0x1;
	p0 =	seq.s32 s7, s2  }
0x1e: {  	s7 =	smul.u32 @!p0 $0xF7A, s2;
	p2 =	seq.s32 @!p0 s5, $0x0  }
0x1f: {  	s9 =	smul.u32 $0xF7A, s1;
	s8 =	simm.s32 @!p0 $0x1BF5;
	p2 =	por !p2, p0  }
0x20: {  	[sflag:s8] =	ssyncset.s32 @!p0 $0xFFFFF086;
	s6 =	sadd.s32 @!p0 s3, s7;
	s7 =	simm.s32 @!p0 $0x108  }
0x21: {  	s3 =	sadd.s32 s3, s9;
	s6 =	sadd.s32 @!p0 $0x88, s6;
	s7 =	simm.s32 @p2 $0x1082  }
0x22: {  	[simem:s7], [sflag:s8] =	dma.local @!p0 [hbm:s6], $0xF7A  }
0x23: {  	s9 =	sor.u32 $0xD0000000, s2;
	s6 =	simm.s32 $0x108;
	_ =	swait.ge @!p0 [sflag:s8], $0x0  }
0x24: {  	s3 =	sadd.s32 $0x88, s3;
	s6 =	simm.s32 @!p1 $0x1082;
	[sflag:s4] =	ssyncset.s32 $0xFFFFF086  }
0x25: {  	[simem:s6], [sflag:s4] =	dma.local [hbm:s3], $0xF7A  }
0x26: {  	[smem:$0x3F9F] =	sst s1;
	(tag) =	ssettag s2;
	_ =	strace s9  }
0x27: {  	s1 =	sld [smem:$0x3FAF]  }
0x28: {  	s2 =	sld [smem:$0x3FB0]  }
0x29: {  	s4 =	sld [smem:$0x3FB2]  }
0x2a: {  	p0 =	seq.s32 s5, $0x0;
	s5 =	sld [smem:$0x3FB3]  }
0x2b: {  	s6 =	sld [smem:$0x3FB4]  }
0x2c: {  	s7 =	sld [smem:$0x3FB5]  }
0x2d: {  	s3 =	simm.s32 $0x108;
	s8 =	sld [smem:$0x3FB6]  }
0x2e: {  	s3 =	simm.s32 @!p0 $0x1082;
	s9 =	sld [smem:$0x3FB7]  }
0x2f: {  	lr =	sadd.s32 s0, s3;
	s0 =	sld [smem:$0x3FAE]  }
0x30: {  	s3 =	sld [smem:$0x3FB1]  }
0x31: {  	[smem:$0x3FBA] =	sst s10  }
0x32: {  	s10 =	sld [smem:$0x3FB8];
	_ =	sdelay $0x3  }
0x33: {  	p0 =	seq.s32 s10, $0x1;
	s10 =	sld [smem:$0x3FBA];
	_ =	sdelay $0x3  }
0x34: {  	[smem:$0x3FBA] =	sst s10  }
0x35: {  	s10 =	sld [smem:$0x3FB9];
	_ =	sdelay $0x3  }
0x36: {  	p1 =	seq.s32 s10, $0x1;
	s10 =	sld [smem:$0x3FBA];
	_ =	sdelay $0x3  }
0x37: {  	[smem:$0x3FBA] =	sst s10  }
0x38: {  	s10 =	sld [smem:$0x3FBB]  }
0x39: {  	_ = 	snop;
	(pc) =	sbr.ind lr, $3  }
0x3a: {  	_ = 	snop  }
0x3b: {  	_ = 	snop  }
0x3c: {  	p2 =	seq.s32 s10, $0x1;
	s10 =	sld [smem:$0x3FBA]  }
0x3d: {  	_ =	shalt  }
0x3e: {  	_ =	shalt  }
0x3f: {  	_ =	shalt  }
0x40: {  	_ =	shalt  }
0x41: {  	_ =	shalt  }
0x42: {  	_ =	shalt  }
0x43: {  	_ =	shalt  }
0x44: {  	_ =	shalt  }
0x45: {  	_ =	shalt  }
0x46: {  	_ =	shalt  }
0x47: {  	_ =	shalt  }
0x48: {  	_ =	shalt  }
0x49: {  	_ =	shalt  }
0x4a: {  	_ =	shalt  }
0x4b: {  	_ =	shalt  }
0x4c: {  	_ =	shalt  }
0x4d: {  	_ =	shalt  }
0x4e: {  	_ =	shalt  }
0x4f: {  	_ =	shalt  }
0x50: {  	_ =	shalt  }
0x51: {  	_ =	shalt  }
0x52: {  	_ =	shalt  }
0x53: {  	_ =	shalt  }
0x54: {  	_ =	shalt  }
0x55: {  	_ =	shalt  }
0x56: {  	_ =	shalt  }
0x57: {  	_ =	shalt  }
0x58: {  	_ =	shalt  }
0x59: {  	_ =	shalt  }
0x5a: {  	_ =	shalt  }
0x5b: {  	_ =	shalt  }
0x5c: {  	_ =	shalt  }
0x5d: {  	_ =	shalt  }
0x5e: {  	_ =	shalt  }
0x5f: {  	_ =	shalt  }
0x60: {  	_ =	shalt  }
0x61: {  	_ =	shalt  }
0x62: {  	_ =	shalt  }
0x63: {  	_ =	shalt  }
0x64: {  	_ =	shalt  }
0x65: {  	_ =	shalt  }
0x66: {  	_ =	shalt  }
0x67: {  	_ =	shalt  }
0x68: {  	_ =	shalt  }
0x69: {  	_ =	shalt  }
0x6a: {  	_ =	shalt  }
0x6b: {  	_ =	shalt  }
0x6c: {  	_ =	shalt  }
0x6d: {  	_ =	shalt  }
0x6e: {  	_ =	shalt  }
0x6f: {  	_ =	shalt  }
0x70: {  	_ =	shalt  }
0x71: {  	_ =	shalt  }
0x72: {  	_ =	shalt  }
0x73: {  	_ =	shalt  }
0x74: {  	_ =	shalt  }
0x75: {  	_ =	shalt  }
0x76: {  	_ =	shalt  }
0x77: {  	_ =	shalt  }
0x78: {  	_ =	shalt  }
0x79: {  	_ =	shalt  }
0x7a: {  	_ =	shalt  }
0x7b: {  	_ =	shalt  }
0x7c: {  	_ =	shalt  }
0x7d: {  	_ =	shalt  }
0x7e: {  	_ =	shalt  }
0x7f: {  	_ =	shalt  }
0x80: {  	_ =	shalt  }
0x81: {  	_ =	shalt  }
0x82: {  	_ =	shalt  }
0x83: {  	_ =	shalt  }
0x84: {  	_ =	shalt  }
0x85: {  	_ =	shalt  }
0x86: {  	_ =	shalt  }
0x87: {  	_ =	shalt  }
.Lfunc_end0:
.L_simem_size_0:
called_computation.1_lowered:
.L_overlay_start_0:
0x88: {  	s2 =	sld [smem:$0x3FD9]  }
0x89: {  	s3 =	sld [smem:$0x3FFE];
	_ =	sdelay $0x1  }
0x8a: {  	s1 =	srdreg.scid  }
0x8b: {  	s0 =	sand.u32 $0x1, s1  }
0x8c: {  	s17 =	sshll.u32 s0, $0xA;
	s2 =	sadd.s32 s3, s2  }
0x8d: {  	s2 =	sadd.s32 s2, s17  }
0x8e: {  	[smem:$0x3FC6] =	sst s2  }
0x8f: {  	_ = 	snop  }
0x90: {  	s2 =	sld [smem:$0x3FD0];
	(tm) =	ssettm $0x1  }
0x91: {  	s18 =	sld [smem:$0x3FFB];
	_ =	sdelay $0x3  }
0x92: {  	_ =	strace s18  }
0x93: {  	s3 =	sld [smem:$0x3FFC];
	_ =	sdelay $0x3  }
0x94: {  	_ =	strace s3  }
0x95: {  	s3 =	sld [smem:$0x3FFD];
	_ =	sdelay $0x3  }
0x96: {  	_ =	strace s3  }
0x97: {  	_ =	strace $0x8FFFFFFF  }
0x98: {  	s19 =	sld [smem:$0x3FDB];
	_ =	sdelay $0x1  }
0x99: {  	s4 =	simm.s32 $_scs_section_size  }
0x9a: {  	s5 =	simm.s32 $_size__tile_overlayer_lowered;
	s6 =	simm.s32 $_tile_overlayer_lowered  }
0x9b: {  	s22 =	simm.s32 $0x1BFF;
	s21 =	sshll.u32 s6, $0x1;
	s3 =	sadd.s32 s4, s19  }
0x9c: {  	s7 =	simm.s32 $0x0;
	s20 =	sshll.u32 s5, $0x1;
	s5 =	sadd.s32 s21, s3  }
0x9d: {  	[timem:s7], [sflag:s22] =	dma.local [hbm:s5], s20  }
0x9e: {  	_ =	swait.ge [sflag:s22], s20  }
0x9f: {  	s4 =	ssub.s32 $0x0, s20;
	[sflag:s22] =	ssyncset.done $0x0  }
0xa0: {  	[sflag:s22] =	ssyncadd.s32 s4;
	_ =	sdelay $0x1  }
0xa1: {  	s23 =	simm.s32 $0x1B8B  }
0xa2: {  	_ =	swait.ge [sflag:s23], $0x1  }
0xa3: {  	[sflag:s23] =	ssyncset.done $0x0  }
0xa4: {  	s25 =	simm.s32 $0x1B8E;
	s24 =	sld [smem:$0x3FFE];
	[sflag:s23] =	ssyncadd.s32 $0xFFFFFFFF  }
0xa5: {  	s26 =	simm.s32 $execute0_lowered;
	[smem:$0x3FD2] =	sst s25  }
0xa6: {  	s5 =	sshll.u32 s26, $0x1;
	_ =	strace $0x80000046;
	[dreg:$0x1] =	wrdreg $0xFFFFFFFF  }
0xa7: {  	s28 =	simm.s32 $_size_execute0_lowered;
	s3 =	sadd.s32 s3, s5;
	[dreg:$0x0] =	wrdreg $0x0  }
0xa8: {  	s5 =	sshll.u32 s28, $0x1;
	[dreg:$0x2] =	wrdreg s3  }
0xa9: {  	[dreg:$0x3] =	wrdreg s5  }
0xaa: {  	[dreg:$0x4] =	wrdreg $0xC0  }
0xab: {  	_ =	task [dreg:s7], $0x5FFFF  }
0xac: {  	[dreg:$0x1] =	wrdreg $0xFFFFFFFF  }
0xad: {  	[dreg:$0x0] =	wrdreg $0x60  }
0xae: {  	[dreg:$0x2] =	wrdreg s24  }
0xaf: {  	[dreg:$0x3] =	wrdreg s2  }
0xb0: {  	[dreg:$0x4] =	wrdreg $0x9  }
0xb1: {  	_ =	task.clear_ibuf [dreg:s7], $0x5FFFF;
	_ =	strace $0x90000046  }
0xb2: {  	s29 =	simm.s32 $0x9;
	_ =	strace $0x80000048  }
0xb3: {  	_ =	swait.ge [sflag:s29], $0x1  }
0xb4: {  	[sflag:s29] =	ssyncadd.s32 $0xFFFFFFFF  }
0xb5: {  	_ =	strace $0x90000048  }
0xb6: {  	_ =	sfence  }
0xb7: {  	s30 =	sld [smem:$0x0];
	_ =	sdelay $0x2  }
0xb8: {  	s31 =	sshll.u32 s1, $0xD;
	s1 =	sshrl.u32 s1, $0x2  }
0xb9: {  	s3 =	sand.u32 $0x4000, s31;
	s1 =	sadd.s32 s1, s30  }
0xba: {  	s0 =	sor.u32 s3, s0;
	s1 =	sshll.u32 s1, $0x11  }
0xbb: {  	s0 =	sor.u32 s1, s0  }
0xbc: {  	s0 =	sadd.s32 $0x8F2B, s0  }
0xbd: {  	[sflag:s0] =	ssyncadd.remote.s32 $0x1  }
0xbe: {  	_ =	sfence.sel $0xFFFF  }
0xbf: {  	[dreg:$0x0] =	wrdreg $0xFFFFFFFF;
	(pc) =	sbr.abs _section_cstart, $3  }
0xc0: {  	[dreg:$0x1] =	wrdreg $0xFFFFFFFF  }
0xc1: {  	_ =	task.clear_ibuf [dreg:s7], $0x2FFFF;
	_ =	strace $0x9FFFFFFF  }
0xc2: {  	(tm) =	ssettm $0x7FFFFFFF  }
0xc3: {  	_ =	shalt  }
tec
execute0_lowered:
.L_overlay_start_1:
0x0: {  	(tag) =	ssettag $0x1  }
0x1: {  	s0 =	srdreg.scid;
	s1 =	rddreg [dreg:$0x0]  }
0x2: {  	s7 =	stileid.u32;
	s8 =	rddreg [dreg:$0x1];
	s3 =	simm.s32 $0x0  }
0x3: {  	s29 =	simm.s32 $0x6;
	s31 =	simm.s32 $0x7;
	s9 =	simm.s32 $0xC  }
0x4: {  	s10 =	simm.s32 $0xD;
	s0 =	sand.u32 $0x1, s0;
	s12 =	smul.u32 $0x64000, s7  }
0x5: {  	s2 =	sshll.u32 s7, $0x8;
	[smem:$0x7FF] =	sst s3;
	s13 =	smul.u32 $0x320000, s7  }
0x6: {  	s7 =	simm.s32 $0xA;
	s4 =	sshll.u32 s0, $0x7;
	s16 =	smul.u32 $0x190000, s0  }
0x7: {  	s5 =	ssub.s32 $0x2, s0;
	s0 =	smul.u32 $0x32000, s0;
	s2 =	sor.u32 s4, s2  }
0x8: {  	_ =	strace $0x80000047;
	s11 =	sshrl.u32 s5, $0x1;
	s4 =	smul.u32 $0x19, s2  }
0x9: {  	s2 =	smul.u32 $0x3200, s2;
	s0 =	sadd.s32 s0, s12;
	s12 =	simm.s32 $0xF  }
0xa: {  	[dreg:$0x3] =	wrdreg s0;
	s6 =	sadd.s32 s4, s1;
	s4 =	sadd.s32 $0xF42E00, s1  }
0xb: {  	s1 =	ssub.s32 s5, s11;
	s2 =	sshrl.u32 s2, $0x3;
	s6 =	sadd.s32 $0xA00, s6  }
0xc: {  	s2 =	sadd.s32 s8, s2;
	s1 =	smax.u32 s1, $0x1;
	[dreg:$0x8] =	wrdreg s6  }
0xd: {  	s0 =	simm.s32 $0x0;
	s14 =	sadd.s32 $0x30700, s2;
	[dreg:$0x11] =	wrdreg s1  }
0xe: {  	s5 =	simm.s32 $0x8;
	s15 =	sadd.s32 $0x30B00, s2;
	[dreg:$0x9] =	wrdreg s14  }
0xf: {  	s11 =	simm.s32 $0xE;
	s8 =	sadd.s32 $0x30D40, s2;
	[dreg:$0xa] =	wrdreg s15  }
0x10: {  	s17 =	sadd.s32 $0x31140, s2;
	s18 =	sadd.s32 $0x31380, s2;
	[dreg:$0xb] =	wrdreg s8  }
0x11: {  	s19 =	sadd.s32 $0x31780, s2;
	s6 =	sadd.s32 s16, s13;
	[dreg:$0xc] =	wrdreg s17  }
0x12: {  	s20 =	sadd.s32 $0x319C0, s2;
	s2 =	sadd.s32 $0x31DC0, s2;
	[dreg:$0xd] =	wrdreg s18  }
0x13: {  	s16 =	simm.s32 $0x80;
	s13 =	simm.s32 $0x10;
	[dreg:$0xe] =	wrdreg s19  }
0x14: {  	[dreg:$0xf] =	wrdreg s20;
	s21 =	sor.u32 $0xB600, s6;
	s23 =	sor.u32 $0x8400, s6  }
0x15: {  	s25 =	sor.u32 $0x5200, s6;
	[dreg:$0x10] =	wrdreg s2;
	s22 =	sshrl.u32 s21, $0x3  }
0x16: {  	s28 =	sor.u32 $0x2000, s6;
	s24 =	sshrl.u32 s23, $0x3;
	[dreg:$0x4] =	wrdreg s22  }
0x17: {  	s18 =	simm.s32 $0x48;
	s26 =	sshrl.u32 s25, $0x3;
	[dreg:$0x5] =	wrdreg s24  }
0x18: {  	s6 =	simm.s32 $0x9;
	s30 =	sshrl.u32 s28, $0x3;
	[dreg:$0x6] =	wrdreg s26  }
0x19: {  	s8 =	simm.s32 $0xB;
	s20 =	simm.s32 $0x11A00;
	[dreg:$0x7] =	wrdreg s30  }
0x1a: {  	s22 =	simm.s32 $0x3;
	s24 =	simm.s32 $0x4;
	s26 =	simm.s32 $0x5  }
.LBB2_1:
0x1b: {  	[dreg:$0x12] =	wrdreg s0  }
0x1c: {  	s2 =	rddreg [dreg:$0x8];
	s28 =	simm.s32 $0x11  }
0x1d: {  	[tilespmem:s3], [sflag:$0x11] =	stream.linear.gather [hbm4b:s2+s3], $0x6400, $0x38;
	[tilespmem:$0x12C00] =	vst v63  }
0x1e: {  	_ =	swait.ge [sflag:s28], $0x6400  }
0x1f: {  	[sflag:s28] =	ssyncset.done $0x0  }
0x20: {  	s15 =	simm.s32 $0x6400;
	[sflag:s28] =	ssyncadd.s32 $0xFFFF9C00  }
0x21: {  	[tilespmem:s15], [sflag:$0x1] =	stream.indirect.gather [hbm4b:s4+s16], $0x40, s3, s16, $0xb8;
	[tilespmem:$0x12C00] =	vst v63  }
0x22: {  	s19 =	simm.s32 $0xE400  }
0x23: {  	[tilespmem:s19], [sflag:$0x2] =	stream.indirect.gather [hbm4b:s4+s18], $0x40, s16, s18, $0xb8;
	[tilespmem:$0x12C00] =	vst v63  }
0x24: {  	s30 =	simm.s32 $0xC8;
	s21 =	simm.s32 $0x8400  }
0x25: {  	[tilespmem:s21], [sflag:$0x3] =	stream.indirect.gather [hbm4b:s4+s16], $0x40, s30, s16, $0xb8;
	[tilespmem:$0x12C00] =	vst v63  }
0x26: {  	s0 =	simm.s32 $0x148;
	s23 =	simm.s32 $0xF600  }
0x27: {  	[tilespmem:s23], [sflag:$0x4] =	stream.indirect.gather [hbm4b:s4+s18], $0x40, s0, s18, $0xb8;
	[tilespmem:$0x12C00] =	vst v63  }
0x28: {  	s1 =	simm.s32 $0x190;
	s25 =	simm.s32 $0xA400  }
0x29: {  	[tilespmem:s25], [sflag:$0x5] =	stream.indirect.gather [hbm4b:s4+s16], $0x40, s1, s16, $0xb8;
	[tilespmem:$0x12C00] =	vst v63  }
0x2a: {  	s14 =	simm.s32 $0x210;
	s28 =	simm.s32 $0x10800  }
0x2b: {  	[tilespmem:s28], [sflag:$0x6] =	stream.indirect.gather [hbm4b:s4+s18], $0x40, s14, s18, $0xb8;
	[tilespmem:$0x12C00] =	vst v63  }
0x2c: {  	s30 =	simm.s32 $0xC400;
	s1 =	simm.s32 $0x258  }
0x2d: {  	[tilespmem:s30], [sflag:$0x7] =	stream.indirect.gather [hbm4b:s4+s16], $0x40, s1, s16, $0xb8;
	[tilespmem:$0x12C00] =	vst v63  }
0x2e: {  	s17 =	simm.s32 $0x2D8;
	s2 =	simm.s32 $0x1;
	s1 =	simm.s32 $0x11A00  }
0x2f: {  	[tilespmem:s1], [sflag:$0x8] =	stream.indirect.gather [hbm4b:s4+s18], $0x40, s17, s18, $0xb8;
	[tilespmem:$0x12C00] =	vst v63  }
0x30: {  	_ =	swait.ge [sflag:s2], $0x2000  }
0x31: {  	[sflag:s2] =	ssyncset.done $0x0  }
0x32: {  	s14 =	rddreg [dreg:$0x3];
	[sflag:s2] =	ssyncadd.s32 $0xFFFFE000  }
0x33: {  	s17 =	rddreg [dreg:$0x1]  }
0x34: {  	s0 =	simm.s32 $0x2;
	s2 =	sadd.s32 s17, s14  }
0x35: {  	[hbm4b:s2+s3] =	stream.linear.scatter [tilespmem:s15], [sflag:$0x9], $0x2000, $0x38;
	[tilespmem:$0x12C00] =	vst v63  }
0x36: {  	_ =	swait.ge [sflag:s0], $0x1200  }
0x37: {  	s14 =	rddreg [dreg:$0x7];
	[sflag:s0] =	ssyncset.done $0x0  }
0x38: {  	[sflag:s0] =	ssyncadd.s32 $0xFFFFEE00;
	s14 =	sadd.s32 s17, s14  }
0x39: {  	[hbm4b:s14+s3] =	stream.linear.scatter [tilespmem:s19], [sflag:$0xA], $0x1200, $0x38;
	[tilespmem:$0x12C00] =	vst v63  }
0x3a: {  	_ =	swait.ge [sflag:s22], $0x2000  }
0x3b: {  	[sflag:s22] =	ssyncset.done $0x0  }
0x3c: {  	s0 =	sadd.s32 $0x640, s2;
	[sflag:s22] =	ssyncadd.s32 $0xFFFFE000  }
0x3d: {  	[hbm4b:s0+s3] =	stream.linear.scatter [tilespmem:s21], [sflag:$0xB], $0x2000, $0x38;
	[tilespmem:$0x12C00] =	vst v63  }
0x3e: {  	_ =	swait.ge [sflag:s24], $0x1200  }
0x3f: {  	s0 =	rddreg [dreg:$0x6];
	[sflag:s24] =	ssyncset.done $0x0  }
0x40: {  	[sflag:s24] =	ssyncadd.s32 $0xFFFFEE00;
	s14 =	sadd.s32 s17, s0  }
0x41: {  	[hbm4b:s14+s3] =	stream.linear.scatter [tilespmem:s23], [sflag:$0xC], $0x1200, $0x38;
	[tilespmem:$0x12C00] =	vst v63  }
0x42: {  	_ =	swait.ge [sflag:s26], $0x2000  }
0x43: {  	[sflag:s26] =	ssyncset.done $0x0  }
0x44: {  	s0 =	sadd.s32 $0xC80, s2;
	[sflag:s26] =	ssyncadd.s32 $0xFFFFE000  }
0x45: {  	[hbm4b:s0+s3] =	stream.linear.scatter [tilespmem:s25], [sflag:$0xD], $0x2000, $0x38;
	[tilespmem:$0x12C00] =	vst v63  }
0x46: {  	_ =	swait.ge [sflag:s29], $0x1200  }
0x47: {  	s0 =	rddreg [dreg:$0x5];
	[sflag:s29] =	ssyncset.done $0x0  }
0x48: {  	[sflag:s29] =	ssyncadd.s32 $0xFFFFEE00;
	s14 =	sadd.s32 s17, s0  }
0x49: {  	[hbm4b:s14+s3] =	stream.linear.scatter [tilespmem:s28], [sflag:$0xE], $0x1200, $0x38;
	[tilespmem:$0x12C00] =	vst v63  }
0x4a: {  	_ =	swait.ge [sflag:s31], $0x2000  }
0x4b: {  	[sflag:s31] =	ssyncset.done $0x0  }
0x4c: {  	s2 =	sadd.s32 $0x12C0, s2;
	[sflag:s31] =	ssyncadd.s32 $0xFFFFE000  }
0x4d: {  	[hbm4b:s2+s3] =	stream.linear.scatter [tilespmem:s30], [sflag:$0xF], $0x2000, $0x38;
	[tilespmem:$0x12C00] =	vst v63  }
0x4e: {  	_ =	swait.ge [sflag:s5], $0x1200  }
0x4f: {  	s0 =	rddreg [dreg:$0x4];
	[sflag:s5] =	ssyncset.done $0x0  }
0x50: {  	[sflag:s5] =	ssyncadd.s32 $0xFFFFEE00;
	s2 =	sadd.s32 s17, s0  }
0x51: {  	[hbm4b:s2+s3] =	stream.linear.scatter [tilespmem:s1], [sflag:$0x10], $0x1200, $0x38;
	[tilespmem:$0x12C00] =	vst v63  }
0x52: {  	_ =	swait.ge [sflag:s6], $0x2000  }
0x53: {  	[sflag:s6] =	ssyncset.done $0x0  }
0x54: {  	s14 =	simm.s32 $0x320;
	[sflag:s6] =	ssyncadd.s32 $0xFFFFE000  }
0x55: {  	[tilespmem:s15], [sflag:$0x1] =	stream.indirect.gather [hbm4b:s4+s16], $0x40, s14, s16, $0xb8;
	[tilespmem:$0x12C00] =	vst v63  }
0x56: {  	_ =	swait.ge [sflag:s7], $0x1200  }
0x57: {  	[sflag:s7] =	ssyncset.done $0x0  }
0x58: {  	s15 =	simm.s32 $0x3A0;
	[sflag:s7] =	ssyncadd.s32 $0xFFFFEE00  }
0x59: {  	[tilespmem:s19], [sflag:$0x2] =	stream.indirect.gather [hbm4b:s4+s18], $0x40, s15, s18, $0xb8;
	[tilespmem:$0x12C00] =	vst v63  }
0x5a: {  	_ =	swait.ge [sflag:s8], $0x2000  }
0x5b: {  	[sflag:s8] =	ssyncset.done $0x0  }
0x5c: {  	s19 =	simm.s32 $0x3E8;
	[sflag:s8] =	ssyncadd.s32 $0xFFFFE000  }
0x5d: {  	[tilespmem:s21], [sflag:$0x3] =	stream.indirect.gather [hbm4b:s4+s16], $0x40, s19, s16, $0xb8;
	[tilespmem:$0x12C00] =	vst v63  }
0x5e: {  	_ =	swait.ge [sflag:s9], $0x1200  }
0x5f: {  	[sflag:s9] =	ssyncset.done $0x0  }
0x60: {  	s21 =	simm.s32 $0x468;
	[sflag:s9] =	ssyncadd.s32 $0xFFFFEE00  }
0x61: {  	[tilespmem:s23], [sflag:$0x4] =	stream.indirect.gather [hbm4b:s4+s18], $0x40, s21, s18, $0xb8;
	[tilespmem:$0x12C00] =	vst v63  }
0x62: {  	_ =	swait.ge [sflag:s10], $0x2000  }
0x63: {  	[sflag:s10] =	ssyncset.done $0x0  }
0x64: {  	s23 =	simm.s32 $0x4B0;
	[sflag:s10] =	ssyncadd.s32 $0xFFFFE000  }
0x65: {  	[tilespmem:s25], [sflag:$0x5] =	stream.indirect.gather [hbm4b:s4+s16], $0x40, s23, s16, $0xb8;
	[tilespmem:$0x12C00] =	vst v63  }
0x66: {  	_ =	swait.ge [sflag:s11], $0x1200  }
0x67: {  	[sflag:s11] =	ssyncset.done $0x0  }
0x68: {  	s25 =	simm.s32 $0x530;
	[sflag:s11] =	ssyncadd.s32 $0xFFFFEE00  }
0x69: {  	[tilespmem:s28], [sflag:$0x6] =	stream.indirect.gather [hbm4b:s4+s18], $0x40, s25, s18, $0xb8;
	[tilespmem:$0x12C00] =	vst v63  }
0x6a: {  	_ =	swait.ge [sflag:s12], $0x2000  }
0x6b: {  	[sflag:s12] =	ssyncset.done $0x0  }
0x6c: {  	s28 =	simm.s32 $0x578;
	[sflag:s12] =	ssyncadd.s32 $0xFFFFE000  }
0x6d: {  	[tilespmem:s30], [sflag:$0x7] =	stream.indirect.gather [hbm4b:s4+s16], $0x40, s28, s16, $0xb8;
	[tilespmem:$0x12C00] =	vst v63  }
0x6e: {  	_ =	swait.ge [sflag:s13], $0x1200  }
0x6f: {  	s2 =	sadd.s32 $0x1900, s17;
	[sflag:s13] =	ssyncset.done $0x0  }
0x70: {  	s14 =	simm.s32 $0x5F8;
	s15 =	simm.s32 $0xC80;
	[sflag:s13] =	ssyncadd.s32 $0xFFFFEE00  }
.LBB2_2:
0x71: {  	[tilespmem:s20], [sflag:$0x8] =	stream.indirect.gather [hbm4b:s4+s18], $0x40, s14, s18, $0xb8;
	[tilespmem:$0x12C00] =	vst v63  }
0x72: {  	s0 =	simm.s32 $0x1  }
0x73: {  	_ =	swait.ge [sflag:s0], $0x2000  }
0x74: {  	s21 =	simm.s32 $0x6400;
	s17 =	rddreg [dreg:$0x3];
	[sflag:s0] =	ssyncset.done $0x0  }
0x75: {  	s25 =	simm.s32 $0x2;
	[sflag:s0] =	ssyncadd.s32 $0xFFFFE000;
	s17 =	sadd.s32 s2, s17  }
0x76: {  	[hbm4b:s17+s3] =	stream.linear.scatter [tilespmem:s21], [sflag:$0x9], $0x2000, $0x38;
	[tilespmem:$0x12C00] =	vst v63  }
0x77: {  	_ =	swait.ge [sflag:s25], $0x1200  }
0x78: {  	s19 =	rddreg [dreg:$0x7];
	[sflag:s25] =	ssyncset.done $0x0  }
0x79: {  	s23 =	simm.s32 $0xE400;
	[sflag:s25] =	ssyncadd.s32 $0xFFFFEE00;
	s19 =	sadd.s32 s2, s19  }
0x7a: {  	[hbm4b:s19+s3] =	stream.linear.scatter [tilespmem:s23], [sflag:$0xA], $0x1200, $0x38;
	[tilespmem:$0x12C00] =	vst v63  }
0x7b: {  	_ =	swait.ge [sflag:s22], $0x2000  }
0x7c: {  	[sflag:s22] =	ssyncset.done $0x0  }
0x7d: {  	s0 =	sadd.s32 $0x640, s17;
	s25 =	simm.s32 $0x8400;
	[sflag:s22] =	ssyncadd.s32 $0xFFFFE000  }
0x7e: {  	[hbm4b:s0+s3] =	stream.linear.scatter [tilespmem:s25], [sflag:$0xB], $0x2000, $0x38;
	[tilespmem:$0x12C00] =	vst v63  }
0x7f: {  	_ =	swait.ge [sflag:s24], $0x1200  }
0x80: {  	s1 =	rddreg [dreg:$0x6];
	[sflag:s24] =	ssyncset.done $0x0  }
0x81: {  	s28 =	simm.s32 $0xF600;
	[sflag:s24] =	ssyncadd.s32 $0xFFFFEE00;
	s19 =	sadd.s32 s2, s1  }
0x82: {  	[hbm4b:s19+s3] =	stream.linear.scatter [tilespmem:s28], [sflag:$0xC], $0x1200, $0x38;
	[tilespmem:$0x12C00] =	vst v63  }
0x83: {  	_ =	swait.ge [sflag:s26], $0x2000  }
0x84: {  	[sflag:s26] =	ssyncset.done $0x0  }
0x85: {  	s30 =	simm.s32 $0xA400;
	s0 =	sadd.s32 $0xC80, s17;
	[sflag:s26] =	ssyncadd.s32 $0xFFFFE000  }
0x86: {  	[hbm4b:s0+s3] =	stream.linear.scatter [tilespmem:s30], [sflag:$0xD], $0x2000, $0x38;
	[tilespmem:$0x12C00] =	vst v63  }
0x87: {  	_ =	swait.ge [sflag:s29], $0x1200  }
0x88: {  	s1 =	rddreg [dreg:$0x5];
	[sflag:s29] =	ssyncset.done $0x0  }
0x89: {  	[sflag:s29] =	ssyncadd.s32 $0xFFFFEE00;
	s19 =	sadd.s32 s2, s1;
	s1 =	simm.s32 $0x10800  }
0x8a: {  	[hbm4b:s19+s3] =	stream.linear.scatter [tilespmem:s1], [sflag:$0xE], $0x1200, $0x38;
	[tilespmem:$0x12C00] =	vst v63  }
0x8b: {  	_ =	swait.ge [sflag:s31], $0x2000  }
0x8c: {  	[sflag:s31] =	ssyncset.done $0x0  }
0x8d: {  	s17 =	sadd.s32 $0x12C0, s17;
	s0 =	simm.s32 $0xC400;
	[sflag:s31] =	ssyncadd.s32 $0xFFFFE000  }
0x8e: {  	[hbm4b:s17+s3] =	stream.linear.scatter [tilespmem:s0], [sflag:$0xF], $0x2000, $0x38;
	[tilespmem:$0x12C00] =	vst v63  }
0x8f: {  	_ =	swait.ge [sflag:s5], $0x1200  }
0x90: {  	s19 =	rddreg [dreg:$0x4];
	[sflag:s5] =	ssyncset.done $0x0  }
0x91: {  	[sflag:s5] =	ssyncadd.s32 $0xFFFFEE00;
	s17 =	sadd.s32 s2, s19  }
0x92: {  	[hbm4b:s17+s3] =	stream.linear.scatter [tilespmem:s20], [sflag:$0x10], $0x1200, $0x38;
	[tilespmem:$0x12C00] =	vst v63  }
0x93: {  	s14 =	smov.u32 s15;
	_ =	swait.ge [sflag:s6], $0x2000  }
0x94: {  	s14 =	sshra.s32 s14, $0x2;
	[sflag:s6] =	ssyncset.done $0x0  }
0x95: {  	s17 =	sadd.s32 $0x320, s14;
	[sflag:s6] =	ssyncadd.s32 $0xFFFFE000  }
0x96: {  	[tilespmem:s21], [sflag:$0x1] =	stream.indirect.gather [hbm4b:s4+s16], $0x40, s17, s16, $0xb8;
	[tilespmem:$0x12C00] =	vst v63  }
0x97: {  	_ =	swait.ge [sflag:s7], $0x1200  }
0x98: {  	[sflag:s7] =	ssyncset.done $0x0  }
0x99: {  	s17 =	sadd.s32 $0x3A0, s14;
	[sflag:s7] =	ssyncadd.s32 $0xFFFFEE00  }
0x9a: {  	[tilespmem:s23], [sflag:$0x2] =	stream.indirect.gather [hbm4b:s4+s18], $0x40, s17, s18, $0xb8;
	[tilespmem:$0x12C00] =	vst v63  }
0x9b: {  	_ =	swait.ge [sflag:s8], $0x2000  }
0x9c: {  	[sflag:s8] =	ssyncset.done $0x0  }
0x9d: {  	s17 =	sadd.s32 $0x3E8, s14;
	[sflag:s8] =	ssyncadd.s32 $0xFFFFE000  }
0x9e: {  	[tilespmem:s25], [sflag:$0x3] =	stream.indirect.gather [hbm4b:s4+s16], $0x40, s17, s16, $0xb8;
	[tilespmem:$0x12C00] =	vst v63  }
0x9f: {  	_ =	swait.ge [sflag:s9], $0x1200  }
0xa0: {  	[sflag:s9] =	ssyncset.done $0x0  }
0xa1: {  	s17 =	sadd.s32 $0x468, s14;
	[sflag:s9] =	ssyncadd.s32 $0xFFFFEE00  }
0xa2: {  	[tilespmem:s28], [sflag:$0x4] =	stream.indirect.gather [hbm4b:s4+s18], $0x40, s17, s18, $0xb8;
	[tilespmem:$0x12C00] =	vst v63  }
0xa3: {  	_ =	swait.ge [sflag:s10], $0x2000  }
0xa4: {  	[sflag:s10] =	ssyncset.done $0x0  }
0xa5: {  	s17 =	sadd.s32 $0x4B0, s14;
	[sflag:s10] =	ssyncadd.s32 $0xFFFFE000  }
0xa6: {  	[tilespmem:s30], [sflag:$0x5] =	stream.indirect.gather [hbm4b:s4+s16], $0x40, s17, s16, $0xb8;
	[tilespmem:$0x12C00] =	vst v63  }
0xa7: {  	_ =	swait.ge [sflag:s11], $0x1200  }
0xa8: {  	[sflag:s11] =	ssyncset.done $0x0  }
0xa9: {  	p0 =	sne.s32 s15, $0x17700;
	s17 =	sadd.s32 $0x530, s14;
	[sflag:s11] =	ssyncadd.s32 $0xFFFFEE00  }
0xaa: {  	[tilespmem:s1], [sflag:$0x6] =	stream.indirect.gather [hbm4b:s4+s18], $0x40, s17, s18, $0xb8;
	[tilespmem:$0x12C00] =	vst v63  }
0xab: {  	s15 =	sadd.s32 $0xC80, s15;
	s19 =	simm.s32 $0x6400;
	_ =	swait.ge [sflag:s12], $0x2000  }
0xac: {  	s2 =	sadd.s32 $0x1900, s2;
	s21 =	simm.s32 $0xE400;
	[sflag:s12] =	ssyncset.done $0x0  }
.Ltmp0:
0xad: {  	s17 =	sadd.s32 $0x578, s14;
	[sflag:s12] =	ssyncadd.s32 $0xFFFFE000;
	(pc) =	sbr.rel @p0 .LBB2_2-.Ltmp0, $4  }
0xae: {  	[tilespmem:s0], [sflag:$0x7] =	stream.indirect.gather [hbm4b:s4+s16], $0x40, s17, s16, $0xb8;
	[tilespmem:$0x12C00] =	vst v63  }
0xaf: {  	s23 =	simm.s32 $0x8400;
	s25 =	simm.s32 $0xF600;
	_ =	swait.ge [sflag:s13], $0x1200  }
0xb0: {  	s28 =	simm.s32 $0xA400;
	s30 =	simm.s32 $0x10800;
	[sflag:s13] =	ssyncset.done $0x0  }
0xb1: {  	s1 =	simm.s32 $0xC400;
	s14 =	sadd.s32 $0x5F8, s14;
	[sflag:s13] =	ssyncadd.s32 $0xFFFFEE00  }
0xb2: {  	s0 =	simm.s32 $0x11A00;
	s2 =	simm.s32 $0x1  }
0xb3: {  	[tilespmem:s0], [sflag:$0x8] =	stream.indirect.gather [hbm4b:s4+s18], $0x40, s14, s18, $0xb8;
	[tilespmem:$0x12C00] =	vst v63  }
0xb4: {  	_ =	swait.ge [sflag:s2], $0x2000  }
0xb5: {  	[sflag:s2] =	ssyncset.done $0x0  }
0xb6: {  	s17 =	rddreg [dreg:$0x9];
	[sflag:s2] =	ssyncadd.s32 $0xFFFFE000  }
0xb7: {  	[hbm4b:s17+s3] =	stream.linear.scatter [tilespmem:s19], [sflag:$0x9], $0x2000, $0x38;
	[tilespmem:$0x12C00] =	vst v63  }
0xb8: {  	s19 =	simm.s32 $0x2  }
0xb9: {  	_ =	swait.ge [sflag:s19], $0x1200  }
0xba: {  	[sflag:s19] =	ssyncset.done $0x0  }
0xbb: {  	s14 =	rddreg [dreg:$0xa];
	[sflag:s19] =	ssyncadd.s32 $0xFFFFEE00  }
0xbc: {  	[hbm4b:s14+s3] =	stream.linear.scatter [tilespmem:s21], [sflag:$0xA], $0x1200, $0x38;
	[tilespmem:$0x12C00] =	vst v63  }
0xbd: {  	_ =	swait.ge [sflag:s22], $0x2000  }
0xbe: {  	[sflag:s22] =	ssyncset.done $0x0  }
0xbf: {  	s15 =	rddreg [dreg:$0xb];
	[sflag:s22] =	ssyncadd.s32 $0xFFFFE000  }
0xc0: {  	[hbm4b:s15+s3] =	stream.linear.scatter [tilespmem:s23], [sflag:$0xB], $0x2000, $0x38;
	[tilespmem:$0x12C00] =	vst v63  }
0xc1: {  	_ =	swait.ge [sflag:s24], $0x1200  }
0xc2: {  	[sflag:s24] =	ssyncset.done $0x0  }
0xc3: {  	s17 =	rddreg [dreg:$0xc];
	[sflag:s24] =	ssyncadd.s32 $0xFFFFEE00  }
0xc4: {  	[hbm4b:s17+s3] =	stream.linear.scatter [tilespmem:s25], [sflag:$0xC], $0x1200, $0x38;
	[tilespmem:$0x12C00] =	vst v63  }
0xc5: {  	_ =	swait.ge [sflag:s26], $0x2000  }
0xc6: {  	[sflag:s26] =	ssyncset.done $0x0  }
0xc7: {  	s19 =	rddreg [dreg:$0xd];
	[sflag:s26] =	ssyncadd.s32 $0xFFFFE000  }
0xc8: {  	[hbm4b:s19+s3] =	stream.linear.scatter [tilespmem:s28], [sflag:$0xD], $0x2000, $0x38;
	[tilespmem:$0x12C00] =	vst v63  }
0xc9: {  	_ =	swait.ge [sflag:s29], $0x1200  }
0xca: {  	[sflag:s29] =	ssyncset.done $0x0  }
0xcb: {  	s21 =	rddreg [dreg:$0xe];
	[sflag:s29] =	ssyncadd.s32 $0xFFFFEE00  }
0xcc: {  	[hbm4b:s21+s3] =	stream.linear.scatter [tilespmem:s30], [sflag:$0xE], $0x1200, $0x38;
	[tilespmem:$0x12C00] =	vst v63  }
0xcd: {  	_ =	swait.ge [sflag:s31], $0x2000  }
0xce: {  	[sflag:s31] =	ssyncset.done $0x0  }
0xcf: {  	s23 =	rddreg [dreg:$0xf];
	[sflag:s31] =	ssyncadd.s32 $0xFFFFE000  }
0xd0: {  	[hbm4b:s23+s3] =	stream.linear.scatter [tilespmem:s1], [sflag:$0xF], $0x2000, $0x38;
	[tilespmem:$0x12C00] =	vst v63  }
0xd1: {  	_ =	swait.ge [sflag:s5], $0x1200  }
0xd2: {  	[sflag:s5] =	ssyncset.done $0x0  }
0xd3: {  	s25 =	rddreg [dreg:$0x10];
	[sflag:s5] =	ssyncadd.s32 $0xFFFFEE00  }
0xd4: {  	[hbm4b:s25+s3] =	stream.linear.scatter [tilespmem:s0], [sflag:$0x10], $0x1200, $0x38;
	[tilespmem:$0x12C00] =	vst v63  }
0xd5: {  	_ =	swait.ge [sflag:s6], $0x2000  }
0xd6: {  	[sflag:s6] =	ssyncset.done $0x0  }
0xd7: {  	[sflag:s6] =	ssyncadd.s32 $0xFFFFE000  }
0xd8: {  	_ =	swait.ge [sflag:s7], $0x1200  }
0xd9: {  	[sflag:s7] =	ssyncset.done $0x0  }
0xda: {  	[sflag:s7] =	ssyncadd.s32 $0xFFFFEE00  }
0xdb: {  	_ =	swait.ge [sflag:s8], $0x2000  }
0xdc: {  	[sflag:s8] =	ssyncset.done $0x0  }
0xdd: {  	[sflag:s8] =	ssyncadd.s32 $0xFFFFE000  }
0xde: {  	_ =	swait.ge [sflag:s9], $0x1200  }
0xdf: {  	[sflag:s9] =	ssyncset.done $0x0  }
0xe0: {  	[sflag:s9] =	ssyncadd.s32 $0xFFFFEE00  }
0xe1: {  	_ =	swait.ge [sflag:s10], $0x2000  }
0xe2: {  	[sflag:s10] =	ssyncset.done $0x0  }
0xe3: {  	[sflag:s10] =	ssyncadd.s32 $0xFFFFE000  }
0xe4: {  	_ =	swait.ge [sflag:s11], $0x1200  }
0xe5: {  	[sflag:s11] =	ssyncset.done $0x0  }
0xe6: {  	[sflag:s11] =	ssyncadd.s32 $0xFFFFEE00  }
0xe7: {  	_ =	swait.ge [sflag:s12], $0x2000  }
0xe8: {  	[sflag:s12] =	ssyncset.done $0x0  }
0xe9: {  	[sflag:s12] =	ssyncadd.s32 $0xFFFFE000  }
0xea: {  	_ =	swait.ge [sflag:s13], $0x1200  }
0xeb: {  	s28 =	rddreg [dreg:$0x12]  }
0xec: {  	s30 =	rddreg [dreg:$0x11];
	s0 =	sadd.s32 $0x1, s28  }
0xed: {  	p0 =	sne.s32 s0, s30  }
.Ltmp1:
0xee: {  	_ = 	snop;
	(pc) =	sbr.rel @p0 .LBB2_1-.Ltmp1, $3  }
0xef: {  	_ =	sdelay $0x1  }
0xf0: {  	[sflag:s13] =	ssyncset.done $0x0  }
0xf1: {  	[sflag:s13] =	ssyncadd.s32 $0xFFFFEE00  }
0xf2: {  	_ =	sfence.sel $0x180000  }
0xf3: {  	[bflag:$0x0] =	sbarrier.arrive $0xFFFF  }
0xf4: {  	_ =	strace $0x90000047  }
0xf5: {  	s0 =	stileid.u32;
	[bflag:$0x2] =	sbarrier.arrive $0xFFFF  }
0xf6: {  	p0 =	sne.s32 s0, $0x0;
	s0 =	rddreg [dreg:$0x2]  }
0xf7: {  	s0 =	sadd.s32 @!p0 $0x100000, s0  }
0xf8: {  	[sflag:s0] =	ssyncadd.tile.s32 @!p0 $0x1;
	_ =	shalt  }
.Lfunc_end2:
_tile_overlayer_lowered:
.L_overlay_start_2:
0xf9: {  	(tag) =	ssettag $0x2  }
0xfa: {  	s0 =	rddreg [dreg:$0x0];
	s2 =	stileid.u32  }
0xfb: {  	s1 =	rddreg [dreg:$0x1];
	p0 =	sne.s32 s2, $0x0  }
0xfc: {  	s3 =	rddreg [dreg:$0x2];
	[bflag:$0x3] =	sbarrier.arrive $0xFFFF;
	s2 =	simm.s32 @!p0 $0x1C11  }
0xfd: {  	[timem:s3], [sflag:s2] =	dma.local @!p0 [hbm:s0], s1  }
0xfe: {  	s0 =	simm.s32 @!p0 $0x11  }
0xff: {  	_ =	swait.ge @!p0 [sflag:s0], s1  }
0x100: {  	s1 =	ssub.s32 @!p0 $0x0, s1;
	[sflag:s0] =	ssyncset.done @!p0 $0x0  }
0x101: {  	[sflag:s0] =	ssyncadd.s32 @!p0 s1  }
0x102: {  	[bflag:$0x3] =	sbarrier.arrive $0xFFFF  }
0x103: {  	_ =	shalt  }

// kernel: sparse-core-data-format-call.cloned.1.call-start
scs
called_computation_lowered:
.L_overlay_start_0:
0x0: {  	s2 =	sld [smem:$0x3FD9]  }
0x1: {  	s3 =	sld [smem:$0x3FFE];
	_ =	sdelay $0x1  }
0x2: {  	s1 =	srdreg.scid  }
0x3: {  	s0 =	sand.u32 $0x1, s1  }
0x4: {  	s18 =	sshll.u32 s0, $0xA;
	s2 =	sadd.s32 s3, s2  }
0x5: {  	s2 =	sadd.s32 s2, s18  }
0x6: {  	[smem:$0x3FC6] =	sst s2  }
0x7: {  	_ = 	snop  }
0x8: {  	s2 =	sld [smem:$0x3FD0];
	(tm) =	ssettm $0x1  }
0x9: {  	s19 =	sld [smem:$0x3FFB];
	_ =	sdelay $0x3  }
0xa: {  	_ =	strace s19  }
0xb: {  	s3 =	sld [smem:$0x3FFC];
	_ =	sdelay $0x3  }
0xc: {  	_ =	strace s3  }
0xd: {  	s3 =	sld [smem:$0x3FFD];
	_ =	sdelay $0x3  }
0xe: {  	_ =	strace s3  }
0xf: {  	_ =	strace $0x8FFFFFFF  }
0x10: {  	s20 =	sld [smem:$0x3FDB];
	_ =	sdelay $0x1  }
0x11: {  	s4 =	simm.s32 $_scs_section_size  }
0x12: {  	s5 =	simm.s32 $_size__tile_overlayer_lowered;
	s6 =	simm.s32 $_tile_overlayer_lowered  }
0x13: {  	s23 =	simm.s32 $0x1BFF;
	s22 =	sshll.u32 s6, $0x1;
	s3 =	sadd.s32 s4, s20  }
0x14: {  	s7 =	simm.s32 $0x0;
	s21 =	sshll.u32 s5, $0x1;
	s5 =	sadd.s32 s22, s3  }
0x15: {  	[timem:s7], [sflag:s23] =	dma.local [hbm:s5], s21  }
0x16: {  	_ =	swait.ge [sflag:s23], s21  }
0x17: {  	s4 =	ssub.s32 $0x0, s21;
	[sflag:s23] =	ssyncset.done $0x0  }
0x18: {  	[sflag:s23] =	ssyncadd.s32 s4;
	_ =	sdelay $0x1  }
0x19: {  	s24 =	simm.s32 $0x1B8B  }
0x1a: {  	_ =	swait.ge [sflag:s24], $0x1  }
0x1b: {  	[sflag:s24] =	ssyncset.done $0x0  }
0x1c: {  	s26 =	simm.s32 $0x1B8E;
	s25 =	sld [smem:$0x3FFE];
	[sflag:s24] =	ssyncadd.s32 $0xFFFFFFFF  }
0x1d: {  	s27 =	simm.s32 $execute0_lowered;
	[smem:$0x3FD2] =	sst s26  }
0x1e: {  	s5 =	sshll.u32 s27, $0x1;
	_ =	strace $0x80000049;
	[dreg:$0x1] =	wrdreg $0xFFFFFFFF  }
0x1f: {  	s28 =	simm.s32 $_size_execute0_lowered;
	s3 =	sadd.s32 s3, s5;
	[dreg:$0x0] =	wrdreg $0x0  }
0x20: {  	s5 =	sshll.u32 s28, $0x1;
	[dreg:$0x2] =	wrdreg s3  }
0x21: {  	[dreg:$0x3] =	wrdreg s5  }
0x22: {  	[dreg:$0x4] =	wrdreg $0xC0  }
0x23: {  	_ =	task [dreg:s7], $0x5FFFF  }
0x24: {  	[dreg:$0x1] =	wrdreg $0xFFFFFFFF  }
0x25: {  	[dreg:$0x0] =	wrdreg $0x60  }
0x26: {  	[dreg:$0x2] =	wrdreg s25  }
0x27: {  	[dreg:$0x3] =	wrdreg s2  }
0x28: {  	[dreg:$0x4] =	wrdreg $0x9  }
0x29: {  	_ =	task.clear_ibuf [dreg:s7], $0x5FFFF;
	_ =	strace $0x90000049  }
0x2a: {  	s29 =	simm.s32 $0x9;
	_ =	strace $0x8000004B  }
0x2b: {  	_ =	swait.ge [sflag:s29], $0x1  }
0x2c: {  	[sflag:s29] =	ssyncadd.s32 $0xFFFFFFFF  }
0x2d: {  	_ =	strace $0x9000004B  }
0x2e: {  	_ =	sfence  }
0x2f: {  	s30 =	sld [smem:$0x0];
	_ =	sdelay $0x2  }
0x30: {  	s31 =	sshll.u32 s1, $0xD;
	s1 =	sshrl.u32 s1, $0x2  }
0x31: {  	s3 =	sand.u32 $0x4000, s31;
	s1 =	sadd.s32 s1, s30  }
0x32: {  	s0 =	sor.u32 s3, s0;
	s1 =	sshll.u32 s1, $0x11  }
0x33: {  	s0 =	sor.u32 s1, s0  }
0x34: {  	s0 =	sadd.s32 $0x8F2B, s0  }
0x35: {  	[sflag:s0] =	ssyncadd.remote.s32 $0x1  }
0x36: {  	_ =	sfence.sel $0xFFFF  }
0x37: {  	[dreg:$0x0] =	wrdreg $0xFFFFFFFF;
	(pc) =	sbr.abs _section_cstart, $3  }
0x38: {  	[dreg:$0x1] =	wrdreg $0xFFFFFFFF  }
0x39: {  	_ =	task.clear_ibuf [dreg:s7], $0x2FFFF;
	_ =	strace $0x9FFFFFFF  }
0x3a: {  	(tm) =	ssettm $0x7FFFFFFF  }
0x3b: {  	_ =	shalt  }
tec
execute0_lowered:
.L_overlay_start_1:
0x0: {  	(tag) =	ssettag $0x1  }
0x1: {  	s0 =	srdreg.scid  }
0x2: {  	s1 =	sshll.u32 s0, $0x4  }
0x3: {  	s0 =	stileid.u32;
	s1 =	sand.u32 $0x10, s1  }
0x4: {  	s1 =	sor.u32 s0, s1  }
0x5: {  	s6 =	rddreg [dreg:$0x0];
	s4 =	simm.s32 $0x1;
	s2 =	sshll.u32 s1, $0x7  }
0x6: {  	s7 =	simm.s32 $0x2;
	s12 =	simm.s32 $0x0;
	s1 =	ssub.s32 $0x1000, s2  }
0x7: {  	s8 =	simm.s32 $0x8000;
	s13 =	simm.s32 $0x0;
	s3 =	sand.u32 $0xF80, s1  }
0x8: {  	s9 =	simm.s32 $0x0;
	s5 =	sshrl.u32 s1, $0xC;
	p0 =	sne.s32 s3, $0x0  }
.Ltmp0:
0x9: {  	s1 =	rddreg [dreg:$0x2];
	s4 =	simm.s32 @!p0 $0x0;
	(pc) =	sbr.rel .LBB1_1-.Ltmp0, $4  }
0xa: {  	s11 =	simm.s32 $0x0;
	s3 =	rddreg [dreg:$0x1];
	s5 =	sadd.s32 s4, s5  }
0xb: {  	_ =	strace $0x8000004A;
	s4 =	simm.s32 $0x1;
	s5 =	smul.u32 $0xC8, s5  }
0xc: {  	s6 =	sadd.s32 $0xA00, s6;
	s10 =	smov.u32 s2;
	[sflag:s4] =	ssyncpa.u1 $0x0  }
0xd: {  	p0 =	por $0x0, $0x0;
	[sflag:s7] =	ssyncpa.u1 $0x0;
	s7 =	sor.u32 $0x1, s5  }
.LBB1_4:
0xe: {  	s16 =	sshll.u32 s13, $0x3;
	s17 =	sand.u32 $0x78, s13  }
0xf: {  	s30 =	sand.u32 $0x7E00, s13;
	s12 =	sshll.u32 s12, $0xF;
	s16 =	sand.u32 $0xC00, s16  }
0x10: {  	[tilespmem:s15+$0x810 ss:$0x81] =	vst.msk $0xffff, v2;
	s31 =	sand.u32 $0x7, s13;
	s16 =	sor.u32 s17, s16;
	s17 =	sadd.s32 s3, s30  }
0x11: {  	[tilespmem:s15+$0x1020 ss:$0x81] =	vst.msk $0xffff, v0;
	s13 =	sshll.u32 s31, $0x12;
	s12 =	sadd.s32 s12, s17;
	s16 =	sshrl.u32 s16, $0x3  }
0x12: {  	[tilespmem:s15+$0x0 ss:$0x81] =	vst.msk $0xffff, v1;
	s13 =	sor.u32 $0x400, s13;
	s12 =	sadd.s32 s16, s12  }
0x13: {  	[hbm4b:s12+s13] =	stream.strided.scatter [tilespmem:s14], [sflag:$0x2], $0x2000, s8, s13, $0x20;
	[tilespmem:$0x8080] =	vst v63  }
.LBB1_5:
0x14: {  	s14 =	sadd.s32 $0x1, s9  }
0x15: {  	s12 =	sadd.s32 $0x1000, s10;
	s16 =	smov.u32 s10;
	p2 =	sgt.s32 s14, $0xC7  }
0x16: {  	s16 =	smov.u32 @p2 s12  }
0x17: {  	s14 =	simm.s32 @p2 $0x0;
	p2 =	sgt.s32 s16, $0xFFF  }
0x18: {  	s16 =	smov.u32 @p2 s2;
	p2 =	sne.s32 s11, s7  }
.Ltmp1:
0x19: {  	p1 =	slt.u32 s11, $0x2;
	(pc) =	sbr.rel @!p2 .LBB1_6-.Ltmp1, $4  }
0x1a: {  	s15 =	simm.s32 @!p1 $0x2  }
0x1b: {  	s13 =	smov.u32 s10;
	p0 =	por !p0, !p0;
	_ =	swait.ge @!p1 [sflag:s15], $0x2000  }
0x1c: {  	s12 =	smov.u32 s9;
	[sflag:s15] =	ssyncset.done @!p1 $0x0;
	s9 =	smov.u32 s14  }
0x1d: {  	s11 =	sadd.s32 $0x1, s11;
	[sflag:s15] =	ssyncadd.s32 @!p1 $0xFFFFE000;
	s10 =	smov.u32 s16  }
.LBB1_1:
0x1e: {  	p1 =	sge.u32 s11, s5  }
0x1f: {  	s14 =	sand.u32 @!p1 $0x1FFFFFF, s9  }
0x20: {  	s15 =	smulhi.u32 @!p1 $0x147AE15, s14;
	_ =	sdelay $0x1  }
0x21: {  	s15 =	smul.u32 @!p1 $0xC8, s15  }
0x22: {  	s16 =	sxor.u32 @!p1 $0xFFFFFFFF, s11;
	s17 =	smul.u32 @!p1 $0xC80, s10  }
0x23: {  	s31 =	sadd.s32 $0xFFFFFFFF, s11;
	s16 =	sshll.u32 @!p1 s16, $0xD;
	s14 =	ssub.s32 @!p1 s14, s15  }
0x24: {  	s15 =	sand.u32 @!p1 $0x2000, s16;
	s16 =	sadd.s32 @!p1 s6, s17;
	s14 =	sshll.u32 @!p1 s14, $0x4  }
0x25: {  	s17 =	simm.s32 @!p1 $0x6400;
	s14 =	sadd.s32 @!p1 s14, s16;
	s16 =	simm.s32 @!p1 $0x40  }
0x26: {  	[tilespmem:s15], [sflag:$0x1] =	stream.strided.gather @!p1 [hbm4b:s14+s16], $0x2000, s17, s16, $0x38;
	[tilespmem:$0x8080] =	vst v63  }
0x27: {  	p1 =	sge.u32 s31, s5  }
.Ltmp2:
0x28: {  	_ = 	snop;
	(pc) =	sbr.rel @p1 .LBB1_5-.Ltmp2, $1  }
0x29: {  	_ =	sdelay $0x3  }
0x2a: {  	s14 =	simm.s32 $0x1  }
0x2b: {  	_ =	swait.ge [sflag:s4], $0x2000;
	s14 =	simm.s32 @!p0 $0x0  }
0x2c: {  	[sflag:s4] =	ssyncset.done $0x0;
	s15 =	sshll.u32 s14, $0xD  }
0x2d: {  	[sflag:s4] =	ssyncadd.s32 $0xFFFFE000;
	s18 =	sor.u32 $0x20, s15  }
0x2e: {  	s14 =	smul.u32 $0x8100, s14;
	v3 =	vld [tilespmem:s18+$0x10]  }
0x2f: {  	s30 =	sand.u32 $0x1, s11;
	v2 =	vld [tilespmem:s18+$0xFFFFFFF0]  }
0x30: {  	s15 =	smul.u32 $0x8100, s30;
	s14 =	sshrl.u32 s14, $0x2;
	v0 =	vld [tilespmem:s18+$0x0]  }
0x31: {  	v1 =	vld [tilespmem:s18+$0xFFFFFFE0];
	s16 =	sor.u32 $0x4000, s14  }
0x32: {  	s31 =	sshrl.u32 s15, $0x2;
	s15 =	sadd.s32 $0x0, s16  }
0x33: {  	s17 =	simm.s32 $0x4;
	s18 =	sadd.s32 $0x40, s18;
	s14 =	sor.u32 $0x4000, s31;
	[tilespmem:s15+$0x1830 ss:$0x81] =	vst.msk $0xffff, v3  }
.LBB1_3:
0x34: {  	v3 =	vld [tilespmem:s18+$0x10];
	p1 =	sne.s32 s17, $0x1FC;
	[tilespmem:s15+$0x810 ss:$0x81] =	vst.msk $0xffff, v2;
	s19 =	smov.u32 s17;
	s17 =	sadd.s32 $0x4, s17  }
.Ltmp3:
0x35: {  	v2 =	vld [tilespmem:s18+$0xFFFFFFF0];
	[tilespmem:s15+$0x1020 ss:$0x81] =	vst.msk $0xffff, v0;
	(pc) =	sbr.rel @p1 .LBB1_3-.Ltmp3, $4  }
0x36: {  	v0 =	vld [tilespmem:s18+$0x0];
	[tilespmem:s15+$0x0 ss:$0x81] =	vst.msk $0xffff, v1  }
0x37: {  	s15 =	sshra.s32 s19, $0x2;
	v1 =	vld [tilespmem:s18+$0xFFFFFFE0]  }
0x38: {  	s15 =	sadd.s32 s15, s16  }
0x39: {  	s18 =	sadd.s32 $0x40, s18;
	[tilespmem:s15+$0x1830 ss:$0x81] =	vst.msk $0xffff, v3  }
.Ltmp4:
0x3a: {  	_ = 	snop;
	(pc) =	sbr.rel .LBB1_4-.Ltmp4, $1  }
0x3b: {  	_ =	sdelay $0x3  }
.LBB1_6:
0x3c: {  	_ =	sfence.sel $0x180000  }
0x3d: {  	s2 =	simm.s32 $0x1;
	[bflag:$0x0] =	sbarrier.arrive $0xFFFF  }
0x3e: {  	s31 =	simm.s32 $0x2;
	[sflag:s2] =	ssyncpa.u1 $0x1  }
0x3f: {  	[sflag:s31] =	ssyncpa.u1 $0x1  }
0x40: {  	p0 =	sne.s32 s0, $0x0;
	_ =	strace $0x9000004A  }
0x41: {  	s0 =	sadd.s32 @!p0 $0x100000, s1;
	[bflag:$0x2] =	sbarrier.arrive $0xFFFF  }
0x42: {  	[sflag:s0] =	ssyncadd.tile.s32 @!p0 $0x1;
	_ =	shalt  }
.Lfunc_end1:
_tile_overlayer_lowered:
.L_overlay_start_2:
0x43: {  	(tag) =	ssettag $0x2  }
0x44: {  	s0 =	rddreg [dreg:$0x0];
	s2 =	stileid.u32  }
0x45: {  	s1 =	rddreg [dreg:$0x1];
	p0 =	sne.s32 s2, $0x0  }
0x46: {  	s3 =	rddreg [dreg:$0x2];
	[bflag:$0x3] =	sbarrier.arrive $0xFFFF;
	s2 =	simm.s32 @!p0 $0x1C01  }
0x47: {  	[timem:s3], [sflag:s2] =	dma.local @!p0 [hbm:s0], s1  }
0x48: {  	s0 =	simm.s32 @!p0 $0x1  }
0x49: {  	_ =	swait.ge @!p0 [sflag:s0], s1  }
0x4a: {  	s1 =	ssub.s32 @!p0 $0x0, s1;
	[sflag:s0] =	ssyncset.done @!p0 $0x0  }
0x4b: {  	[sflag:s0] =	ssyncadd.s32 @!p0 s1  }
0x4c: {  	[bflag:$0x3] =	sbarrier.arrive $0xFFFF  }
0x4d: {  	_ =	shalt  }

</sc_bundles>
